<compile_context>
chip_gen: v7x
topology: tpu7x:2x2x1
jax: 0.10.2.dev20260603
libtpu: 0.0.44.dev20260713+nightly
codegen_flags: <defaults>
</compile_context>

<pallas_src>
import functools

import jax
import jax.numpy as jnp
from jax import lax
from jax.experimental import pallas as pl
from jax.experimental.pallas import tpu as pltpu
from jax.experimental.pallas import tpu_sc as plsc

B = 16
N = 2048
S = N + 2
D = 256
L = 16
NVEC = D // L

TROWS = 112

HALF = 1024
NBLK = HALF // L
NPAD = 8 + N + 24

_MESH = plsc.VectorSubcoreMesh(
    core_axis_name="c", subcore_axis_name="s", num_cores=2, num_subcores=16
)


@functools.partial(
    pl.kernel,
    out_type=jax.ShapeDtypeStruct((B, S, D), jnp.float32),
    mesh=_MESH,
    scratch_types=[
        pltpu.VMEM((TROWS * D,), jnp.float32),
        pltpu.VMEM((NPAD,), jnp.int32),
        pltpu.VMEM((NPAD,), jnp.int32),
        pltpu.VMEM((NPAD,), jnp.int32),
        pltpu.VMEM((B,), jnp.int32),
        pltpu.VMEM((D,), jnp.float32),
        pltpu.VMEM((D,), jnp.float32),
        pltpu.VMEM((2, L, D), jnp.float32),
        pltpu.SemaphoreType.DMA,
        pltpu.SemaphoreType.DMA,
    ],
    compiler_params=pltpu.CompilerParams(needs_layout_passes=False),
)
def _sc_embed(pT_hbm, eta_hbm, phi_hbm, cnt_hbm, tab_hbm, gam_hbm, bet_hbm,
              out_hbm, tab_v, pT_v, eta_v, phi_v, cnt_v, gam_v, bet_v,
              buf_v, sem0, sem1):
    wid = lax.axis_index("s") * 2 + lax.axis_index("c")
    b = wid // 2
    half = wid % 2
    s_lo = half * HALF

    zeros16 = jnp.zeros((L,), jnp.int32)
    for arr in (pT_v, eta_v, phi_v):
        arr[pl.ds(0, L)] = zeros16
        arr[pl.ds(8 + N, L)] = zeros16
        arr[pl.ds(NPAD - L, L)] = zeros16
    pltpu.sync_copy(tab_hbm, tab_v)
    pltpu.sync_copy(pT_hbm.at[pl.ds(b * N, N)], pT_v.at[pl.ds(8, N)])
    pltpu.sync_copy(eta_hbm.at[pl.ds(b * N, N)], eta_v.at[pl.ds(8, N)])
    pltpu.sync_copy(phi_hbm.at[pl.ds(b * N, N)], phi_v.at[pl.ds(8, N)])
    pltpu.sync_copy(cnt_hbm, cnt_v)
    pltpu.sync_copy(gam_hbm, gam_v)
    pltpu.sync_copy(bet_hbm, bet_v)

    lane = lax.iota(jnp.int32, L)

    def _bcast(v, i):
        return v.at[jnp.full((L,), i, jnp.int32)].get(
            mode="promise_in_bounds")

    cnt_vec = cnt_v[pl.ds(0, L)]
    cb = _bcast(cnt_vec, b)
    sems = (sem0, sem1)

    gs = [gam_v[pl.ds(j * L, L)] for j in range(NVEC)]
    bs = [bet_v[pl.ds(j * L, L)] for j in range(NVEC)]

    def do_row(pkv, ri, kb):
        s = _bcast(pkv, ri)[0]
        b0 = (s & 127) << 8
        b1 = ((s >> 7) & 127) << 8
        b2 = (s >> 14) << 8

        es = []
        for j in range(NVEC):
            t0 = tab_v[pl.ds(b0 + j * L, L)]
            t1 = tab_v[pl.ds(b1 + j * L, L)]
            t2 = tab_v[pl.ds(b2 + j * L, L)]
            es.append(t0 + t1 + t2)

        sv = es
        qv = [e * e for e in es]
        while len(sv) > 1:
            sv = [sv[i] + sv[i + 1] for i in range(0, len(sv), 2)]
        while len(qv) > 1:
            qv = [qv[i] + qv[i + 1] for i in range(0, len(qv), 2)]
        mv = _bcast(plsc.cumsum(sv[0]), 15) * (1.0 / D)
        totq_v = _bcast(plsc.cumsum(qv[0]), 15)
        var_v = totq_v * (1.0 / D) - mv * mv

        xv = var_v + 1e-5
        seed = jnp.full((L,), 0x5F3759DF, dtype=jnp.int32)
        y = plsc.bitcast(seed - (plsc.bitcast(xv, jnp.int32) >> 1), jnp.float32)
        half_x = xv * 0.5
        for _ in range(2):
            y = y * (1.5 - half_x * y * y)

        for j in range(NVEC):
            buf_v[kb, ri, pl.ds(j * L, L)] = (es[j] - mv) * y * gs[j] + bs[j]

    def do_block(t_abs, kb, nrows):
        svec = t_abs + lane
        mask_le = svec <= cb
        is_start = svec == 0
        is_stop = svec == cb + 1
        special = is_start | is_stop
        w2 = [arr[pl.ds(t_abs + 6, L)] for arr in (pT_v, eta_v, phi_v)]
        w1 = [arr[pl.ds(t_abs + 7, L)] for arr in (pT_v, eta_v, phi_v)]
        sel = [jnp.where(mask_le, a, bb) for a, bb in zip(w1, w2)]
        r0 = jnp.clip(sel[0] + 1, 0, 41)
        r0 = jnp.where(special, jnp.where(is_start, 106, 107), r0)
        r1 = jnp.where(special, 108, 42 + jnp.clip(sel[1] + 1, 0, 31))
        r2 = jnp.where(special, 109, 74 + jnp.clip(sel[2] + 1, 0, 31))
        pk = r0 | (r1 << 7) | (r2 << 14)

        @plsc.parallel_loop(0, nrows, 1, unroll=2)
        def row_body(ri):
            do_row(pk, ri, kb)

    def blk_body(k, _):
        kb = k % 2
        t_abs = s_lo + k * L

        for kbi in (0, 1):
            @pl.when((k >= 2) & (kb == kbi))
            def _wait_prev(kbi=kbi):
                pltpu.make_async_copy(
                    buf_v.at[kbi], out_hbm.at[b, pl.ds(t_abs, L)], sems[kbi]
                ).wait()

        do_block(t_abs, kb, L)
        for kbi in (0, 1):
            @pl.when(kb == kbi)
            def _issue(kbi=kbi):
                pltpu.async_copy(
                    buf_v.at[kbi], out_hbm.at[b, pl.ds(t_abs, L)], sems[kbi]
                )
        return _

    lax.fori_loop(0, NBLK, blk_body, 0)
    pltpu.make_async_copy(
        buf_v.at[0], out_hbm.at[b, pl.ds(s_lo, L)], sems[0]
    ).wait()
    pltpu.make_async_copy(
        buf_v.at[1], out_hbm.at[b, pl.ds(s_lo, L)], sems[1]
    ).wait()

    @pl.when(half == 1)
    def _tail():
        do_block(jnp.int32(N), 0, 2)
        pltpu.sync_copy(buf_v.at[0, pl.ds(0, 2)], out_hbm.at[b, pl.ds(N, 2)])


def kernel(pT_bins, eta_bins, phi_bins, counts, pT_table, eta_table,
           phi_table, start_token, stop_token, gamma, beta):
    pT = pT_bins.astype(jnp.int32).reshape(-1)
    eta = eta_bins.astype(jnp.int32).reshape(-1)
    phi = phi_bins.astype(jnp.int32).reshape(-1)
    cnt = counts.astype(jnp.int32)
    tab = jnp.concatenate(
        [
            pT_table.astype(jnp.float32),
            eta_table.astype(jnp.float32),
            phi_table.astype(jnp.float32),
            start_token[None].astype(jnp.float32),
            stop_token[None].astype(jnp.float32),
            jnp.zeros((TROWS - 108, D), jnp.float32),
        ],
        axis=0,
    ).reshape(-1)
    return _sc_embed(pT, eta, phi, cnt, tab, gamma.astype(jnp.float32),
                     beta.astype(jnp.float32))

# --- scband reference (transcript-rebuilt; emitter-appended) ---
"""Pipeline reference for scband-particle-embedder-38972533244514 (READ-ONLY COPY).

The authoritative reference and input builder live on the scoring server;
editing this copy changes nothing except your own understanding.
"""

import jax, jax.numpy as jnp
import numpy as np

B = 16
MAX_P = 2048
EMB_DIM = 256
S = MAX_P + 2
PT_NUM = 40 + 2
ETA_NUM = 30 + 2
PHI_NUM = 30 + 2


def setup_inputs(seed: int = 0) -> dict:
    key = jax.random.key(seed)
    ks = jax.random.split(key, 10)
    pT_bins = jax.random.randint(ks[0], (B, MAX_P), 0, 41, dtype=jnp.int64 if jax.config.jax_enable_x64 else jnp.int32)
    eta_bins = jax.random.randint(ks[1], (B, MAX_P), 0, 31)
    phi_bins = jax.random.randint(ks[2], (B, MAX_P), 0, 31)
    counts = jax.random.randint(ks[3], (B,), 0, 2048)
    pT_table = jax.random.normal(ks[4], (PT_NUM, EMB_DIM), dtype=jnp.float32).at[0].set(0.0)
    eta_table = jax.random.normal(ks[5], (ETA_NUM, EMB_DIM), dtype=jnp.float32).at[0].set(0.0)
    phi_table = jax.random.normal(ks[6], (PHI_NUM, EMB_DIM), dtype=jnp.float32).at[0].set(0.0)
    start_token = jax.random.normal(ks[7], (EMB_DIM,), dtype=jnp.float32) * 0.02
    stop_token = jax.random.normal(ks[8], (EMB_DIM,), dtype=jnp.float32) * 0.02
    gamma = jnp.ones((EMB_DIM,), dtype=jnp.float32)
    beta = jnp.zeros((EMB_DIM,), dtype=jnp.float32)
    return {"pT_bins": pT_bins, "eta_bins": eta_bins, "phi_bins": phi_bins, "counts": counts,
            "pT_table": pT_table, "eta_table": eta_table, "phi_table": phi_table,
            "start_token": start_token, "stop_token": stop_token, "gamma": gamma, "beta": beta}


def reference(pT_bins, eta_bins, phi_bins, counts, pT_table, eta_table, phi_table, start_token, stop_token, gamma, beta):
    Bn, N = pT_bins.shape
    D = start_token.shape[0]
    Sn = N + 2
    pT_idx = jnp.clip(pT_bins + 1, 0, pT_table.shape[0] - 1)
    eta_idx = jnp.clip(eta_bins + 1, 0, eta_table.shape[0] - 1)
    phi_idx = jnp.clip(phi_bins + 1, 0, phi_table.shape[0] - 1)
    e_pT = jnp.take(pT_table, pT_idx, axis=0)
    e_eta = jnp.take(eta_table, eta_idx, axis=0)
    e_phi = jnp.take(phi_table, phi_idx, axis=0)
    e_particles = e_pT + e_eta + e_phi
    seq = jnp.zeros((Bn, Sn, D), dtype=e_particles.dtype)
    seq = seq.at[:, 0, :].set(start_token)
    ar = jnp.arange(N)[None, :]
    shift = (ar >= counts[:, None]).astype(jnp.int32)
    dest = 1 + ar + shift
    b_idx = jnp.broadcast_to(jnp.arange(Bn)[:, None], (Bn, N))
    seq = seq.at[b_idx, dest].set(e_particles)
    stop_needed = counts < N
    stop_pos = jnp.clip(1 + counts, 0, Sn - 1)
    rows = jnp.arange(Bn)
    cur = seq[rows, stop_pos]
    new = jnp.where(stop_needed[:, None], stop_token[None, :], cur)
    seq = seq.at[rows, stop_pos].set(new)
    mean = jnp.mean(seq, axis=-1, keepdims=True)
    var = jnp.mean((seq - mean) ** 2, axis=-1, keepdims=True)
    seq = (seq - mean) / jnp.sqrt(var + 1e-5) * gamma + beta
    return seq

if __name__ == "__main__":
    import jax
    _d = setup_inputs()
    print(jax.jit(kernel)(*tuple(_d.values())))

</pallas_src>

<mosaic_0001>
#map = affine_map<(d0, d1) -> (0)>
#map1 = affine_map<(d0, d1) -> (0, 0, 0)>
module attributes {stable_mosaic.version = 14 : i64} {
  func.func @_sc_embed(%arg0: i32, %arg1: i32, %arg2: memref<32768xi32, #tpu.memory_space<hbm>>, %arg3: memref<32768xi32, #tpu.memory_space<hbm>>, %arg4: memref<32768xi32, #tpu.memory_space<hbm>>, %arg5: memref<16xi32, #tpu.memory_space<hbm>>, %arg6: memref<28672xf32, #tpu.memory_space<hbm>>, %arg7: memref<256xf32, #tpu.memory_space<hbm>>, %arg8: memref<256xf32, #tpu.memory_space<hbm>>, %arg9: memref<16x2050x256xf32, #tpu.memory_space<hbm>>, %arg10: memref<28672xf32, #tpu.memory_space<vmem>>, %arg11: memref<2080xi32, #tpu.memory_space<vmem>>, %arg12: memref<2080xi32, #tpu.memory_space<vmem>>, %arg13: memref<2080xi32, #tpu.memory_space<vmem>>, %arg14: memref<16xi32, #tpu.memory_space<vmem>>, %arg15: memref<256xf32, #tpu.memory_space<vmem>>, %arg16: memref<256xf32, #tpu.memory_space<vmem>>, %arg17: memref<2x16x256xf32, #tpu.memory_space<vmem>>, %arg18: memref<!tpu.dma_semaphore, #tpu.memory_space<semaphore_mem>>, %arg19: memref<!tpu.dma_semaphore, #tpu.memory_space<semaphore_mem>>) attributes {dimension_semantics = [#tpu.dimension_semantics<core_parallel>, #tpu.dimension_semantics<subcore_parallel>], iteration_bounds = array<i64: 2, 16>, scalar_prefetch = 0 : i64, scratch_operands = 10 : i64, tpu.core_type = #tpu.core_type<sc_vector_subcore>, window_params = [{transform_indices = #map}, {transform_indices = #map}, {transform_indices = #map}, {transform_indices = #map}, {transform_indices = #map}, {transform_indices = #map}, {transform_indices = #map}, {transform_indices = #map1}]} {
    %mul3A = arith.constant 2 : i32
    %mul3A_0 = arith.muli %arg1, %mul3A : i32
    %add3A = arith.addi %mul3A_0, %arg0 : i32
    %jit3A = arith.constant 2 : i32
    %div3A = arith.divsi %add3A, %jit3A : i32
    %sign3A = arith.constant 0 : i32
    %sign3A_1 = arith.cmpi sgt, %add3A, %sign3A : i32
    %sign3A_2 = arith.extui %sign3A_1 : i1 to i32
    %sign3A_3 = arith.constant 0 : i32
    %sign3A_4 = arith.cmpi slt, %add3A, %sign3A_3 : i32
    %sign3A_5 = arith.extui %sign3A_4 : i1 to i32
    %sign3A_6 = arith.subi %sign3A_2, %sign3A_5 : i32
    %sign3A_7 = arith.constant 0 : i32
    %sign3A_8 = arith.cmpi sgt, %jit3A, %sign3A_7 : i32
    %sign3A_9 = arith.extui %sign3A_8 : i1 to i32
    %sign3A_10 = arith.constant 0 : i32
    %sign3A_11 = arith.cmpi slt, %jit3A, %sign3A_10 : i32
    %sign3A_12 = arith.extui %sign3A_11 : i1 to i32
    %sign3A_13 = arith.subi %sign3A_9, %sign3A_12 : i32
    %ne3A = arith.cmpi ne, %sign3A_6, %sign3A_13 : i32
    %rem3A = arith.remsi %add3A, %jit3A : i32
    %ne3A_14 = arith.constant 0 : i32
    %ne3A_15 = arith.cmpi ne, %rem3A, %ne3A_14 : i32
    %and3A = arith.andi %ne3A, %ne3A_15 : i1
    %sub3A = arith.constant 1 : i32
    %sub3A_16 = arith.subi %div3A, %sub3A : i32
    %select_n3A = arith.select %and3A, %sub3A_16, %div3A : i32
    %jit3A_17 = arith.constant 2 : i32
    %eq3A = arith.constant 0 : i32
    %eq3A_18 = arith.cmpi eq, %jit3A_17, %eq3A : i32
    %jit3A_19 = arith.constant 1 : i32
    %select_n3A_20 = arith.select %eq3A_18, %jit3A_19, %jit3A_17 : i32
    %rem3A_21 = arith.remsi %add3A, %select_n3A_20 : i32
    %ne3A_22 = arith.constant 0 : i32
    %ne3A_23 = arith.cmpi ne, %rem3A_21, %ne3A_22 : i32
    %lt3A = arith.constant 0 : i32
    %lt3A_24 = arith.cmpi slt, %rem3A_21, %lt3A : i32
    %lt3A_25 = arith.constant 0 : i32
    %lt3A_26 = arith.cmpi slt, %select_n3A_20, %lt3A_25 : i32
    %ne3A_27 = arith.xori %lt3A_24, %lt3A_26 : i1
    %and3A_28 = arith.andi %ne3A_27, %ne3A_23 : i1
    %add3A_29 = arith.addi %rem3A_21, %select_n3A_20 : i32
    %select_n3A_30 = arith.select %and3A_28, %add3A_29, %rem3A_21 : i32
    %mul3A_31 = arith.constant 1024 : i32
    %mul3A_32 = arith.muli %select_n3A_30, %mul3A_31 : i32
    %broadcast_in_dim3A = arith.constant 0 : i32
    %broadcast_in_dim3A_33 = vector.broadcast %broadcast_in_dim3A : i32 to vector<16xi32>
    %swap3A = arith.constant 0 : index
    %swap3A_34 = tpu.vector_load %arg11[%swap3A] {strides = array<i32>} : memref<2080xi32, #tpu.memory_space<vmem>>, vector<16xi32>,
    tpu.vector_store %arg11[%swap3A], %broadcast_in_dim3A_33 {strides = array<i32>} : memref<2080xi32, #tpu.memory_space<vmem>>, vector<16xi32>,
    %swap3A_35 = arith.constant 2056 : index
    %swap3A_36 = tpu.vector_load %arg11[%swap3A_35] {strides = array<i32>} : memref<2080xi32, #tpu.memory_space<vmem>>, vector<16xi32>,
    tpu.vector_store %arg11[%swap3A_35], %broadcast_in_dim3A_33 {strides = array<i32>} : memref<2080xi32, #tpu.memory_space<vmem>>, vector<16xi32>,
    %swap3A_37 = arith.constant 2064 : index
    %swap3A_38 = tpu.vector_load %arg11[%swap3A_37] {strides = array<i32>} : memref<2080xi32, #tpu.memory_space<vmem>>, vector<16xi32>,
    tpu.vector_store %arg11[%swap3A_37], %broadcast_in_dim3A_33 {strides = array<i32>} : memref<2080xi32, #tpu.memory_space<vmem>>, vector<16xi32>,
    %swap3A_39 = arith.constant 0 : index
    %swap3A_40 = tpu.vector_load %arg12[%swap3A_39] {strides = array<i32>} : memref<2080xi32, #tpu.memory_space<vmem>>, vector<16xi32>,
    tpu.vector_store %arg12[%swap3A_39], %broadcast_in_dim3A_33 {strides = array<i32>} : memref<2080xi32, #tpu.memory_space<vmem>>, vector<16xi32>,
    %swap3A_41 = arith.constant 2056 : index
    %swap3A_42 = tpu.vector_load %arg12[%swap3A_41] {strides = array<i32>} : memref<2080xi32, #tpu.memory_space<vmem>>, vector<16xi32>,
    tpu.vector_store %arg12[%swap3A_41], %broadcast_in_dim3A_33 {strides = array<i32>} : memref<2080xi32, #tpu.memory_space<vmem>>, vector<16xi32>,
    %swap3A_43 = arith.constant 2064 : index
    %swap3A_44 = tpu.vector_load %arg12[%swap3A_43] {strides = array<i32>} : memref<2080xi32, #tpu.memory_space<vmem>>, vector<16xi32>,
    tpu.vector_store %arg12[%swap3A_43], %broadcast_in_dim3A_33 {strides = array<i32>} : memref<2080xi32, #tpu.memory_space<vmem>>, vector<16xi32>,
    %swap3A_45 = arith.constant 0 : index
    %swap3A_46 = tpu.vector_load %arg13[%swap3A_45] {strides = array<i32>} : memref<2080xi32, #tpu.memory_space<vmem>>, vector<16xi32>,
    tpu.vector_store %arg13[%swap3A_45], %broadcast_in_dim3A_33 {strides = array<i32>} : memref<2080xi32, #tpu.memory_space<vmem>>, vector<16xi32>,
    %swap3A_47 = arith.constant 2056 : index
    %swap3A_48 = tpu.vector_load %arg13[%swap3A_47] {strides = array<i32>} : memref<2080xi32, #tpu.memory_space<vmem>>, vector<16xi32>,
    tpu.vector_store %arg13[%swap3A_47], %broadcast_in_dim3A_33 {strides = array<i32>} : memref<2080xi32, #tpu.memory_space<vmem>>, vector<16xi32>,
    %swap3A_49 = arith.constant 2064 : index
    %swap3A_50 = tpu.vector_load %arg13[%swap3A_49] {strides = array<i32>} : memref<2080xi32, #tpu.memory_space<vmem>>, vector<16xi32>,
    tpu.vector_store %arg13[%swap3A_49], %broadcast_in_dim3A_33 {strides = array<i32>} : memref<2080xi32, #tpu.memory_space<vmem>>, vector<16xi32>,
    "tpu.region"() ({
      %run_scoped3A = tpu.sem_alloc : memref<!tpu.dma_semaphore, #tpu.memory_space<semaphore_mem>>
      tpu.enqueue_dma source(%arg6 : memref<28672xf32, #tpu.memory_space<hbm>>) target(%arg10 : memref<28672xf32, #tpu.memory_space<vmem>>) target_semaphore(%run_scoped3A : memref<!tpu.dma_semaphore, #tpu.memory_space<semaphore_mem>>)
      tpu.wait_dma2 semaphore(%run_scoped3A : memref<!tpu.dma_semaphore, #tpu.memory_space<semaphore_mem>>) src(%arg6 : memref<28672xf32, #tpu.memory_space<hbm>>) dst(%arg10 : memref<28672xf32, #tpu.memory_space<vmem>>)
      tpu.yield
    }) : () -> ()
    %mul3A_51 = arith.constant 2048 : i32
    %mul3A_52 = arith.muli %select_n3A, %mul3A_51 : i32
    "tpu.region"() ({
      %run_scoped3A = tpu.sem_alloc : memref<!tpu.dma_semaphore, #tpu.memory_space<semaphore_mem>>
      %dma_start3A = arith.constant 8 : i32
      %dma_start3A_169 = tpu.memref_slice %arg11[%dma_start3A] : memref<2080xi32, #tpu.memory_space<vmem>> -> memref<2048xi32, #tpu.memory_space<vmem>>
      %dma_start3A_170 = tpu.memref_slice %arg2[%mul3A_52] : memref<32768xi32, #tpu.memory_space<hbm>> -> memref<2048xi32, #tpu.memory_space<hbm>>
      %dma_start3A_171 = arith.constant 8 : i32
      %dma_start3A_172 = tpu.memref_slice %arg11[%dma_start3A_171] : memref<2080xi32, #tpu.memory_space<vmem>> -> memref<2048xi32, #tpu.memory_space<vmem>>
      %dma_start3A_173 = tpu.memref_slice %arg2[%mul3A_52] : memref<32768xi32, #tpu.memory_space<hbm>> -> memref<2048xi32, #tpu.memory_space<hbm>>
      tpu.enqueue_dma source(%dma_start3A_173 : memref<2048xi32, #tpu.memory_space<hbm>>) target(%dma_start3A_172 : memref<2048xi32, #tpu.memory_space<vmem>>) target_semaphore(%run_scoped3A : memref<!tpu.dma_semaphore, #tpu.memory_space<semaphore_mem>>)
      %dma_wait3A_174 = arith.constant 8 : i32
      %dma_wait3A_175 = tpu.memref_slice %arg11[%dma_wait3A_174] : memref<2080xi32, #tpu.memory_space<vmem>> -> memref<2048xi32, #tpu.memory_space<vmem>>
      %dma_wait3A_176 = tpu.memref_slice %arg2[%mul3A_52] : memref<32768xi32, #tpu.memory_space<hbm>> -> memref<2048xi32, #tpu.memory_space<hbm>>
      %dma_wait3A_177 = arith.constant 8 : i32
      %dma_wait3A_178 = tpu.memref_slice %arg11[%dma_wait3A_177] : memref<2080xi32, #tpu.memory_space<vmem>> -> memref<2048xi32, #tpu.memory_space<vmem>>
      %dma_wait3A_179 = tpu.memref_slice %arg2[%mul3A_52] : memref<32768xi32, #tpu.memory_space<hbm>> -> memref<2048xi32, #tpu.memory_space<hbm>>
      tpu.wait_dma2 semaphore(%run_scoped3A : memref<!tpu.dma_semaphore, #tpu.memory_space<semaphore_mem>>) src(%dma_wait3A_179 : memref<2048xi32, #tpu.memory_space<hbm>>) dst(%dma_wait3A_178 : memref<2048xi32, #tpu.memory_space<vmem>>)
      tpu.yield
    }) : () -> ()
    %mul3A_53 = arith.constant 2048 : i32
    %mul3A_54 = arith.muli %select_n3A, %mul3A_53 : i32
    "tpu.region"() ({
      %run_scoped3A = tpu.sem_alloc : memref<!tpu.dma_semaphore, #tpu.memory_space<semaphore_mem>>
      %dma_start3A = arith.constant 8 : i32
      %dma_start3A_169 = tpu.memref_slice %arg12[%dma_start3A] : memref<2080xi32, #tpu.memory_space<vmem>> -> memref<2048xi32, #tpu.memory_space<vmem>>
      %dma_start3A_170 = tpu.memref_slice %arg3[%mul3A_54] : memref<32768xi32, #tpu.memory_space<hbm>> -> memref<2048xi32, #tpu.memory_space<hbm>>
      %dma_start3A_171 = arith.constant 8 : i32
      %dma_start3A_172 = tpu.memref_slice %arg12[%dma_start3A_171] : memref<2080xi32, #tpu.memory_space<vmem>> -> memref<2048xi32, #tpu.memory_space<vmem>>
      %dma_start3A_173 = tpu.memref_slice %arg3[%mul3A_54] : memref<32768xi32, #tpu.memory_space<hbm>> -> memref<2048xi32, #tpu.memory_space<hbm>>
      tpu.enqueue_dma source(%dma_start3A_173 : memref<2048xi32, #tpu.memory_space<hbm>>) target(%dma_start3A_172 : memref<2048xi32, #tpu.memory_space<vmem>>) target_semaphore(%run_scoped3A : memref<!tpu.dma_semaphore, #tpu.memory_space<semaphore_mem>>)
      %dma_wait3A_174 = arith.constant 8 : i32
      %dma_wait3A_175 = tpu.memref_slice %arg12[%dma_wait3A_174] : memref<2080xi32, #tpu.memory_space<vmem>> -> memref<2048xi32, #tpu.memory_space<vmem>>
      %dma_wait3A_176 = tpu.memref_slice %arg3[%mul3A_54] : memref<32768xi32, #tpu.memory_space<hbm>> -> memref<2048xi32, #tpu.memory_space<hbm>>
      %dma_wait3A_177 = arith.constant 8 : i32
      %dma_wait3A_178 = tpu.memref_slice %arg12[%dma_wait3A_177] : memref<2080xi32, #tpu.memory_space<vmem>> -> memref<2048xi32, #tpu.memory_space<vmem>>
      %dma_wait3A_179 = tpu.memref_slice %arg3[%mul3A_54] : memref<32768xi32, #tpu.memory_space<hbm>> -> memref<2048xi32, #tpu.memory_space<hbm>>
      tpu.wait_dma2 semaphore(%run_scoped3A : memref<!tpu.dma_semaphore, #tpu.memory_space<semaphore_mem>>) src(%dma_wait3A_179 : memref<2048xi32, #tpu.memory_space<hbm>>) dst(%dma_wait3A_178 : memref<2048xi32, #tpu.memory_space<vmem>>)
      tpu.yield
    }) : () -> ()
    %mul3A_55 = arith.constant 2048 : i32
    %mul3A_56 = arith.muli %select_n3A, %mul3A_55 : i32
    "tpu.region"() ({
      %run_scoped3A = tpu.sem_alloc : memref<!tpu.dma_semaphore, #tpu.memory_space<semaphore_mem>>
      %dma_start3A = arith.constant 8 : i32
      %dma_start3A_169 = tpu.memref_slice %arg13[%dma_start3A] : memref<2080xi32, #tpu.memory_space<vmem>> -> memref<2048xi32, #tpu.memory_space<vmem>>
      %dma_start3A_170 = tpu.memref_slice %arg4[%mul3A_56] : memref<32768xi32, #tpu.memory_space<hbm>> -> memref<2048xi32, #tpu.memory_space<hbm>>
      %dma_start3A_171 = arith.constant 8 : i32
      %dma_start3A_172 = tpu.memref_slice %arg13[%dma_start3A_171] : memref<2080xi32, #tpu.memory_space<vmem>> -> memref<2048xi32, #tpu.memory_space<vmem>>
      %dma_start3A_173 = tpu.memref_slice %arg4[%mul3A_56] : memref<32768xi32, #tpu.memory_space<hbm>> -> memref<2048xi32, #tpu.memory_space<hbm>>
      tpu.enqueue_dma source(%dma_start3A_173 : memref<2048xi32, #tpu.memory_space<hbm>>) target(%dma_start3A_172 : memref<2048xi32, #tpu.memory_space<vmem>>) target_semaphore(%run_scoped3A : memref<!tpu.dma_semaphore, #tpu.memory_space<semaphore_mem>>)
      %dma_wait3A_174 = arith.constant 8 : i32
      %dma_wait3A_175 = tpu.memref_slice %arg13[%dma_wait3A_174] : memref<2080xi32, #tpu.memory_space<vmem>> -> memref<2048xi32, #tpu.memory_space<vmem>>
      %dma_wait3A_176 = tpu.memref_slice %arg4[%mul3A_56] : memref<32768xi32, #tpu.memory_space<hbm>> -> memref<2048xi32, #tpu.memory_space<hbm>>
      %dma_wait3A_177 = arith.constant 8 : i32
      %dma_wait3A_178 = tpu.memref_slice %arg13[%dma_wait3A_177] : memref<2080xi32, #tpu.memory_space<vmem>> -> memref<2048xi32, #tpu.memory_space<vmem>>
      %dma_wait3A_179 = tpu.memref_slice %arg4[%mul3A_56] : memref<32768xi32, #tpu.memory_space<hbm>> -> memref<2048xi32, #tpu.memory_space<hbm>>
      tpu.wait_dma2 semaphore(%run_scoped3A : memref<!tpu.dma_semaphore, #tpu.memory_space<semaphore_mem>>) src(%dma_wait3A_179 : memref<2048xi32, #tpu.memory_space<hbm>>) dst(%dma_wait3A_178 : memref<2048xi32, #tpu.memory_space<vmem>>)
      tpu.yield
    }) : () -> ()
    "tpu.region"() ({
      %run_scoped3A = tpu.sem_alloc : memref<!tpu.dma_semaphore, #tpu.memory_space<semaphore_mem>>
      tpu.enqueue_dma source(%arg5 : memref<16xi32, #tpu.memory_space<hbm>>) target(%arg14 : memref<16xi32, #tpu.memory_space<vmem>>) target_semaphore(%run_scoped3A : memref<!tpu.dma_semaphore, #tpu.memory_space<semaphore_mem>>)
      tpu.wait_dma2 semaphore(%run_scoped3A : memref<!tpu.dma_semaphore, #tpu.memory_space<semaphore_mem>>) src(%arg5 : memref<16xi32, #tpu.memory_space<hbm>>) dst(%arg14 : memref<16xi32, #tpu.memory_space<vmem>>)
      tpu.yield
    }) : () -> ()
    "tpu.region"() ({
      %run_scoped3A = tpu.sem_alloc : memref<!tpu.dma_semaphore, #tpu.memory_space<semaphore_mem>>
      tpu.enqueue_dma source(%arg7 : memref<256xf32, #tpu.memory_space<hbm>>) target(%arg15 : memref<256xf32, #tpu.memory_space<vmem>>) target_semaphore(%run_scoped3A : memref<!tpu.dma_semaphore, #tpu.memory_space<semaphore_mem>>)
      tpu.wait_dma2 semaphore(%run_scoped3A : memref<!tpu.dma_semaphore, #tpu.memory_space<semaphore_mem>>) src(%arg7 : memref<256xf32, #tpu.memory_space<hbm>>) dst(%arg15 : memref<256xf32, #tpu.memory_space<vmem>>)
      tpu.yield
    }) : () -> ()
    "tpu.region"() ({
      %run_scoped3A = tpu.sem_alloc : memref<!tpu.dma_semaphore, #tpu.memory_space<semaphore_mem>>
      tpu.enqueue_dma source(%arg8 : memref<256xf32, #tpu.memory_space<hbm>>) target(%arg16 : memref<256xf32, #tpu.memory_space<vmem>>) target_semaphore(%run_scoped3A : memref<!tpu.dma_semaphore, #tpu.memory_space<semaphore_mem>>)
      tpu.wait_dma2 semaphore(%run_scoped3A : memref<!tpu.dma_semaphore, #tpu.memory_space<semaphore_mem>>) src(%arg8 : memref<256xf32, #tpu.memory_space<hbm>>) dst(%arg16 : memref<256xf32, #tpu.memory_space<vmem>>)
      tpu.yield
    }) : () -> ()
    %iota3A = tpu.iota {dimensions = array<i32: 0>} : vector<16xi32>
    %get3A = arith.constant 0 : index
    %get3A_57 = tpu.vector_load %arg14[%get3A] {strides = array<i32>} : memref<16xi32, #tpu.memory_space<vmem>>, vector<16xi32>,
    %broadcast_in_dim3A_58 = vector.broadcast %select_n3A : i32 to vector<16xi32>
    %lt3A_59 = arith.constant 0 : i32
    %lt3A_60 = vector.broadcast %lt3A_59 : i32 to vector<16xi32>
    %lt3A_61 = arith.cmpi slt, %broadcast_in_dim3A_58, %lt3A_60 : vector<16xi32>
    %add3A_62 = arith.constant 16 : i32
    %add3A_63 = vector.broadcast %add3A_62 : i32 to vector<16xi32>
    %add3A_64 = arith.addi %broadcast_in_dim3A_58, %add3A_63 : vector<16xi32>
    %select_n3A_65 = arith.select %lt3A_61, %add3A_64, %broadcast_in_dim3A_58 : vector<16xi1>, vector<16xi32>
    %broadcast_in_dim3A_66 = vector.shape_cast %select_n3A_65 : vector<16xi32> to vector<16x1xi32>
    %gather3A = vector.shape_cast %broadcast_in_dim3A_66 : vector<16x1xi32> to vector<16xi32>
    %gather3A_67 = tpu.dynamic_gather %get3A_57[%gather3A] in [0] : vector<16xi32>, vector<16xi32> -> vector<16xi32>
    %get3A_68 = arith.constant 0 : index
    %get3A_69 = tpu.vector_load %arg15[%get3A_68] {strides = array<i32>} : memref<256xf32, #tpu.memory_space<vmem>>, vector<16xf32>,
    %get3A_70 = arith.constant 16 : index
    %get3A_71 = tpu.vector_load %arg15[%get3A_70] {strides = array<i32>} : memref<256xf32, #tpu.memory_space<vmem>>, vector<16xf32>,
    %get3A_72 = arith.constant 32 : index
    %get3A_73 = tpu.vector_load %arg15[%get3A_72] {strides = array<i32>} : memref<256xf32, #tpu.memory_space<vmem>>, vector<16xf32>,
    %get3A_74 = arith.constant 48 : index
    %get3A_75 = tpu.vector_load %arg15[%get3A_74] {strides = array<i32>} : memref<256xf32, #tpu.memory_space<vmem>>, vector<16xf32>,
    %get3A_76 = arith.constant 64 : index
    %get3A_77 = tpu.vector_load %arg15[%get3A_76] {strides = array<i32>} : memref<256xf32, #tpu.memory_space<vmem>>, vector<16xf32>,
    %get3A_78 = arith.constant 80 : index
    %get3A_79 = tpu.vector_load %arg15[%get3A_78] {strides = array<i32>} : memref<256xf32, #tpu.memory_space<vmem>>, vector<16xf32>,
    %get3A_80 = arith.constant 96 : index
    %get3A_81 = tpu.vector_load %arg15[%get3A_80] {strides = array<i32>} : memref<256xf32, #tpu.memory_space<vmem>>, vector<16xf32>,
    %get3A_82 = arith.constant 112 : index
    %get3A_83 = tpu.vector_load %arg15[%get3A_82] {strides = array<i32>} : memref<256xf32, #tpu.memory_space<vmem>>, vector<16xf32>,
    %get3A_84 = arith.constant 128 : index
    %get3A_85 = tpu.vector_load %arg15[%get3A_84] {strides = array<i32>} : memref<256xf32, #tpu.memory_space<vmem>>, vector<16xf32>,
    %get3A_86 = arith.constant 144 : index
    %get3A_87 = tpu.vector_load %arg15[%get3A_86] {strides = array<i32>} : memref<256xf32, #tpu.memory_space<vmem>>, vector<16xf32>,
    %get3A_88 = arith.constant 160 : index
    %get3A_89 = tpu.vector_load %arg15[%get3A_88] {strides = array<i32>} : memref<256xf32, #tpu.memory_space<vmem>>, vector<16xf32>,
    %get3A_90 = arith.constant 176 : index
    %get3A_91 = tpu.vector_load %arg15[%get3A_90] {strides = array<i32>} : memref<256xf32, #tpu.memory_space<vmem>>, vector<16xf32>,
    %get3A_92 = arith.constant 192 : index
    %get3A_93 = tpu.vector_load %arg15[%get3A_92] {strides = array<i32>} : memref<256xf32, #tpu.memory_space<vmem>>, vector<16xf32>,
    %get3A_94 = arith.constant 208 : index
    %get3A_95 = tpu.vector_load %arg15[%get3A_94] {strides = array<i32>} : memref<256xf32, #tpu.memory_space<vmem>>, vector<16xf32>,
    %get3A_96 = arith.constant 224 : index
    %get3A_97 = tpu.vector_load %arg15[%get3A_96] {strides = array<i32>} : memref<256xf32, #tpu.memory_space<vmem>>, vector<16xf32>,
    %get3A_98 = arith.constant 240 : index
    %get3A_99 = tpu.vector_load %arg15[%get3A_98] {strides = array<i32>} : memref<256xf32, #tpu.memory_space<vmem>>, vector<16xf32>,
    %get3A_100 = arith.constant 0 : index
    %get3A_101 = tpu.vector_load %arg16[%get3A_100] {strides = array<i32>} : memref<256xf32, #tpu.memory_space<vmem>>, vector<16xf32>,
    %get3A_102 = arith.constant 16 : index
    %get3A_103 = tpu.vector_load %arg16[%get3A_102] {strides = array<i32>} : memref<256xf32, #tpu.memory_space<vmem>>, vector<16xf32>,
    %get3A_104 = arith.constant 32 : index
    %get3A_105 = tpu.vector_load %arg16[%get3A_104] {strides = array<i32>} : memref<256xf32, #tpu.memory_space<vmem>>, vector<16xf32>,
    %get3A_106 = arith.constant 48 : index
    %get3A_107 = tpu.vector_load %arg16[%get3A_106] {strides = array<i32>} : memref<256xf32, #tpu.memory_space<vmem>>, vector<16xf32>,
    %get3A_108 = arith.constant 64 : index
    %get3A_109 = tpu.vector_load %arg16[%get3A_108] {strides = array<i32>} : memref<256xf32, #tpu.memory_space<vmem>>, vector<16xf32>,
    %get3A_110 = arith.constant 80 : index
    %get3A_111 = tpu.vector_load %arg16[%get3A_110] {strides = array<i32>} : memref<256xf32, #tpu.memory_space<vmem>>, vector<16xf32>,
    %get3A_112 = arith.constant 96 : index
    %get3A_113 = tpu.vector_load %arg16[%get3A_112] {strides = array<i32>} : memref<256xf32, #tpu.memory_space<vmem>>, vector<16xf32>,
    %get3A_114 = arith.constant 112 : index
    %get3A_115 = tpu.vector_load %arg16[%get3A_114] {strides = array<i32>} : memref<256xf32, #tpu.memory_space<vmem>>, vector<16xf32>,
    %get3A_116 = arith.constant 128 : index
    %get3A_117 = tpu.vector_load %arg16[%get3A_116] {strides = array<i32>} : memref<256xf32, #tpu.memory_space<vmem>>, vector<16xf32>,
    %get3A_118 = arith.constant 144 : index
    %get3A_119 = tpu.vector_load %arg16[%get3A_118] {strides = array<i32>} : memref<256xf32, #tpu.memory_space<vmem>>, vector<16xf32>,
    %get3A_120 = arith.constant 160 : index
    %get3A_121 = tpu.vector_load %arg16[%get3A_120] {strides = array<i32>} : memref<256xf32, #tpu.memory_space<vmem>>, vector<16xf32>,
    %get3A_122 = arith.constant 176 : index
    %get3A_123 = tpu.vector_load %arg16[%get3A_122] {strides = array<i32>} : memref<256xf32, #tpu.memory_space<vmem>>, vector<16xf32>,
    %get3A_124 = arith.constant 192 : index
    %get3A_125 = tpu.vector_load %arg16[%get3A_124] {strides = array<i32>} : memref<256xf32, #tpu.memory_space<vmem>>, vector<16xf32>,
    %get3A_126 = arith.constant 208 : index
    %get3A_127 = tpu.vector_load %arg16[%get3A_126] {strides = array<i32>} : memref<256xf32, #tpu.memory_space<vmem>>, vector<16xf32>,
    %get3A_128 = arith.constant 224 : index
    %get3A_129 = tpu.vector_load %arg16[%get3A_128] {strides = array<i32>} : memref<256xf32, #tpu.memory_space<vmem>>, vector<16xf32>,
    %get3A_130 = arith.constant 240 : index
    %get3A_131 = tpu.vector_load %arg16[%get3A_130] {strides = array<i32>} : memref<256xf32, #tpu.memory_space<vmem>>, vector<16xf32>,
    %scan3A = arith.constant 0 : i32
    %scan3A_132 = arith.constant 0 : i32
    %scan3A_133 = arith.constant 64 : i32
    %scan3A_134 = arith.addi %scan3A_132, %scan3A_133 : i32
    %scan3A_135 = arith.constant 1 : i32
    scf.for %scan3A_169 = %scan3A_132 to %scan3A_134 step %scan3A_135  : i32 {
      %jit3A_170 = arith.constant 2 : i32
      %eq3A_171 = arith.constant 0 : i32
      %eq3A_172 = arith.cmpi eq, %jit3A_170, %eq3A_171 : i32
      %jit3A_173 = arith.constant 1 : i32
      %select_n3A_174 = arith.select %eq3A_172, %jit3A_173, %jit3A_170 : i32
      %rem3A_175 = arith.remsi %scan3A_169, %select_n3A_174 : i32
      %ne3A_176 = arith.constant 0 : i32
      %ne3A_177 = arith.cmpi ne, %rem3A_175, %ne3A_176 : i32
      %lt3A_178 = arith.constant 0 : i32
      %lt3A_179 = arith.cmpi slt, %rem3A_175, %lt3A_178 : i32
      %lt3A_180 = arith.constant 0 : i32
      %lt3A_181 = arith.cmpi slt, %select_n3A_174, %lt3A_180 : i32
      %ne3A_182 = arith.xori %lt3A_179, %lt3A_181 : i1
      %and3A_183 = arith.andi %ne3A_182, %ne3A_177 : i1
      %add3A_184 = arith.addi %rem3A_175, %select_n3A_174 : i32
      %select_n3A_185 = arith.select %and3A_183, %add3A_184, %rem3A_175 : i32
      %mul3A_186 = arith.constant 16 : i32
      %mul3A_187 = arith.muli %scan3A_169, %mul3A_186 : i32
      %add3A_188 = arith.addi %mul3A_32, %mul3A_187 : i32
      %ge3A = arith.constant 2 : i32
      %ge3A_189 = arith.cmpi sge, %scan3A_169, %ge3A : i32
      %eq3A_190 = arith.constant 0 : i32
      %eq3A_191 = arith.cmpi eq, %select_n3A_185, %eq3A_190 : i32
      %and3A_192 = arith.andi %ge3A_189, %eq3A_191 : i1
      %convert_element_type3A_193 = arith.extui %and3A_192 : i1 to i32
      %cond3A_194 = arith.constant 0 : i32
      %cond3A_195 = arith.cmpi ne, %convert_element_type3A_193, %cond3A_194 : i32
      scf.if %cond3A_195 {
        %dma_wait3A_302 = arith.constant 0 : i32
        %dma_wait3A_303 = arith.constant 0 : i32
        %dma_wait3A_304 = arith.constant 0 : i32
        %dma_wait3A_305 = tpu.memref_slice %arg17[%dma_wait3A_302, %dma_wait3A_303, %dma_wait3A_304] : memref<2x16x256xf32, #tpu.memory_space<vmem>> -> memref<1x16x256xf32, #tpu.memory_space<vmem>>
        %dma_wait3A_306 = tpu.memref_squeeze %dma_wait3A_305 : memref<1x16x256xf32, #tpu.memory_space<vmem>> -> memref<16x256xf32, #tpu.memory_space<vmem>>
        %dma_wait3A_307 = arith.constant 0 : i32
        %dma_wait3A_308 = tpu.memref_slice %arg9[%select_n3A, %add3A_188, %dma_wait3A_307] : memref<16x2050x256xf32, #tpu.memory_space<hbm>> -> memref<1x16x256xf32, #tpu.memory_space<hbm>>
        %dma_wait3A_309 = tpu.memref_squeeze %dma_wait3A_308 : memref<1x16x256xf32, #tpu.memory_space<hbm>> -> memref<16x256xf32, #tpu.memory_space<hbm>>
        %dma_wait3A_310 = arith.constant 0 : i32
        %dma_wait3A_311 = tpu.memref_slice %arg9[%select_n3A, %add3A_188, %dma_wait3A_310] : memref<16x2050x256xf32, #tpu.memory_space<hbm>> -> memref<1x16x256xf32, #tpu.memory_space<hbm>>
        %dma_wait3A_312 = tpu.memref_squeeze %dma_wait3A_311 : memref<1x16x256xf32, #tpu.memory_space<hbm>> -> memref<16x256xf32, #tpu.memory_space<hbm>>
        %dma_wait3A_313 = arith.constant 0 : i32
        %dma_wait3A_314 = arith.constant 0 : i32
        %dma_wait3A_315 = tpu.memref_slice %arg17[%dma_wait3A_302, %dma_wait3A_313, %dma_wait3A_314] : memref<2x16x256xf32, #tpu.memory_space<vmem>> -> memref<1x16x256xf32, #tpu.memory_space<vmem>>
        %dma_wait3A_316 = tpu.memref_squeeze %dma_wait3A_315 : memref<1x16x256xf32, #tpu.memory_space<vmem>> -> memref<16x256xf32, #tpu.memory_space<vmem>>
        tpu.wait_dma2 semaphore(%arg18 : memref<!tpu.dma_semaphore, #tpu.memory_space<semaphore_mem>>) src(%dma_wait3A_316 : memref<16x256xf32, #tpu.memory_space<vmem>>) dst(%dma_wait3A_312 : memref<16x256xf32, #tpu.memory_space<hbm>>)
      } else {
      }
      %ge3A_196 = arith.constant 2 : i32
      %ge3A_197 = arith.cmpi sge, %scan3A_169, %ge3A_196 : i32
      %eq3A_198 = arith.constant 1 : i32
      %eq3A_199 = arith.cmpi eq, %select_n3A_185, %eq3A_198 : i32
      %and3A_200 = arith.andi %ge3A_197, %eq3A_199 : i1
      %convert_element_type3A_201 = arith.extui %and3A_200 : i1 to i32
      %cond3A_202 = arith.constant 0 : i32
      %cond3A_203 = arith.cmpi ne, %convert_element_type3A_201, %cond3A_202 : i32
      scf.if %cond3A_203 {
        %dma_wait3A_302 = arith.constant 1 : i32
        %dma_wait3A_303 = arith.constant 0 : i32
        %dma_wait3A_304 = arith.constant 0 : i32
        %dma_wait3A_305 = tpu.memref_slice %arg17[%dma_wait3A_302, %dma_wait3A_303, %dma_wait3A_304] : memref<2x16x256xf32, #tpu.memory_space<vmem>> -> memref<1x16x256xf32, #tpu.memory_space<vmem>>
        %dma_wait3A_306 = tpu.memref_squeeze %dma_wait3A_305 : memref<1x16x256xf32, #tpu.memory_space<vmem>> -> memref<16x256xf32, #tpu.memory_space<vmem>>
        %dma_wait3A_307 = arith.constant 0 : i32
        %dma_wait3A_308 = tpu.memref_slice %arg9[%select_n3A, %add3A_188, %dma_wait3A_307] : memref<16x2050x256xf32, #tpu.memory_space<hbm>> -> memref<1x16x256xf32, #tpu.memory_space<hbm>>
        %dma_wait3A_309 = tpu.memref_squeeze %dma_wait3A_308 : memref<1x16x256xf32, #tpu.memory_space<hbm>> -> memref<16x256xf32, #tpu.memory_space<hbm>>
        %dma_wait3A_310 = arith.constant 0 : i32
        %dma_wait3A_311 = tpu.memref_slice %arg9[%select_n3A, %add3A_188, %dma_wait3A_310] : memref<16x2050x256xf32, #tpu.memory_space<hbm>> -> memref<1x16x256xf32, #tpu.memory_space<hbm>>
        %dma_wait3A_312 = tpu.memref_squeeze %dma_wait3A_311 : memref<1x16x256xf32, #tpu.memory_space<hbm>> -> memref<16x256xf32, #tpu.memory_space<hbm>>
        %dma_wait3A_313 = arith.constant 0 : i32
        %dma_wait3A_314 = arith.constant 0 : i32
        %dma_wait3A_315 = tpu.memref_slice %arg17[%dma_wait3A_302, %dma_wait3A_313, %dma_wait3A_314] : memref<2x16x256xf32, #tpu.memory_space<vmem>> -> memref<1x16x256xf32, #tpu.memory_space<vmem>>
        %dma_wait3A_316 = tpu.memref_squeeze %dma_wait3A_315 : memref<1x16x256xf32, #tpu.memory_space<vmem>> -> memref<16x256xf32, #tpu.memory_space<vmem>>
        tpu.wait_dma2 semaphore(%arg19 : memref<!tpu.dma_semaphore, #tpu.memory_space<semaphore_mem>>) src(%dma_wait3A_316 : memref<16x256xf32, #tpu.memory_space<vmem>>) dst(%dma_wait3A_312 : memref<16x256xf32, #tpu.memory_space<hbm>>)
      } else {
      }
      %add3A_204 = vector.broadcast %add3A_188 : i32 to vector<16xi32>
      %add3A_205 = arith.addi %add3A_204, %iota3A : vector<16xi32>
      %le3A = arith.cmpi sle, %add3A_205, %gather3A_67 : vector<16xi32>
      %eq3A_206 = arith.constant 0 : i32
      %eq3A_207 = vector.broadcast %eq3A_206 : i32 to vector<16xi32>
      %eq3A_208 = arith.cmpi eq, %add3A_205, %eq3A_207 : vector<16xi32>
      %add3A_209 = arith.constant 1 : i32
      %add3A_210 = vector.broadcast %add3A_209 : i32 to vector<16xi32>
      %add3A_211 = arith.addi %gather3A_67, %add3A_210 : vector<16xi32>
      %eq3A_212 = arith.cmpi eq, %add3A_205, %add3A_211 : vector<16xi32>
      %or3A = arith.ori %eq3A_208, %eq3A_212 : vector<16xi1>
      %add3A_213 = arith.constant 6 : i32
      %add3A_214 = arith.addi %add3A_188, %add3A_213 : i32
      %get3A_215 = arith.index_cast %add3A_214 : i32 to index
      %get3A_216 = tpu.vector_load %arg11[%get3A_215] {strides = array<i32>} : memref<2080xi32, #tpu.memory_space<vmem>>, vector<16xi32>,
      %add3A_217 = arith.constant 6 : i32
      %add3A_218 = arith.addi %add3A_188, %add3A_217 : i32
      %get3A_219 = arith.index_cast %add3A_218 : i32 to index
      %get3A_220 = tpu.vector_load %arg12[%get3A_219] {strides = array<i32>} : memref<2080xi32, #tpu.memory_space<vmem>>, vector<16xi32>,
      %add3A_221 = arith.constant 6 : i32
      %add3A_222 = arith.addi %add3A_188, %add3A_221 : i32
      %get3A_223 = arith.index_cast %add3A_222 : i32 to index
      %get3A_224 = tpu.vector_load %arg13[%get3A_223] {strides = array<i32>} : memref<2080xi32, #tpu.memory_space<vmem>>, vector<16xi32>,
      %add3A_225 = arith.constant 7 : i32
      %add3A_226 = arith.addi %add3A_188, %add3A_225 : i32
      %get3A_227 = arith.index_cast %add3A_226 : i32 to index
      %get3A_228 = tpu.vector_load %arg11[%get3A_227] {strides = array<i32>} : memref<2080xi32, #tpu.memory_space<vmem>>, vector<16xi32>,
      %add3A_229 = arith.constant 7 : i32
      %add3A_230 = arith.addi %add3A_188, %add3A_229 : i32
      %get3A_231 = arith.index_cast %add3A_230 : i32 to index
      %get3A_232 = tpu.vector_load %arg12[%get3A_231] {strides = array<i32>} : memref<2080xi32, #tpu.memory_space<vmem>>, vector<16xi32>,
      %add3A_233 = arith.constant 7 : i32
      %add3A_234 = arith.addi %add3A_188, %add3A_233 : i32
      %get3A_235 = arith.index_cast %add3A_234 : i32 to index
      %get3A_236 = tpu.vector_load %arg13[%get3A_235] {strides = array<i32>} : memref<2080xi32, #tpu.memory_space<vmem>>, vector<16xi32>,
      %select_n3A_237 = arith.select %le3A, %get3A_228, %get3A_216 : vector<16xi1>, vector<16xi32>
      %select_n3A_238 = arith.select %le3A, %get3A_232, %get3A_220 : vector<16xi1>, vector<16xi32>
      %select_n3A_239 = arith.select %le3A, %get3A_236, %get3A_224 : vector<16xi1>, vector<16xi32>
      %add3A_240 = arith.constant 1 : i32
      %add3A_241 = vector.broadcast %add3A_240 : i32 to vector<16xi32>
      %add3A_242 = arith.addi %select_n3A_237, %add3A_241 : vector<16xi32>
      %jit3A_243 = arith.constant 0 : i32
      %jit3A_244 = arith.constant 41 : i32
      %max3A = vector.broadcast %jit3A_243 : i32 to vector<16xi32>
      %max3A_245 = arith.maxsi %max3A, %add3A_242 : vector<16xi32>
      %min3A = vector.broadcast %jit3A_244 : i32 to vector<16xi32>
      %min3A_246 = arith.minsi %min3A, %max3A_245 : vector<16xi32>
      %jit3A_247 = arith.constant 106 : i32
      %jit3A_248 = arith.constant 107 : i32
      %broadcast_in_dim3A_249 = vector.broadcast %jit3A_247 : i32 to vector<16xi32>
      %broadcast_in_dim3A_250 = vector.broadcast %jit3A_248 : i32 to vector<16xi32>
      %select_n3A_251 = arith.select %eq3A_208, %broadcast_in_dim3A_249, %broadcast_in_dim3A_250 : vector<16xi1>, vector<16xi32>
      %select_n3A_252 = arith.select %or3A, %select_n3A_251, %min3A_246 : vector<16xi1>, vector<16xi32>
      %add3A_253 = arith.constant 1 : i32
      %add3A_254 = vector.broadcast %add3A_253 : i32 to vector<16xi32>
      %add3A_255 = arith.addi %select_n3A_238, %add3A_254 : vector<16xi32>
      %jit3A_256 = arith.constant 0 : i32
      %jit3A_257 = arith.constant 31 : i32
      %max3A_258 = vector.broadcast %jit3A_256 : i32 to vector<16xi32>
      %max3A_259 = arith.maxsi %max3A_258, %add3A_255 : vector<16xi32>
      %min3A_260 = vector.broadcast %jit3A_257 : i32 to vector<16xi32>
      %min3A_261 = arith.minsi %min3A_260, %max3A_259 : vector<16xi32>
      %add3A_262 = arith.constant 42 : i32
      %add3A_263 = vector.broadcast %add3A_262 : i32 to vector<16xi32>
      %add3A_264 = arith.addi %add3A_263, %min3A_261 : vector<16xi32>
      %jit3A_265 = arith.constant 108 : i32
      %broadcast_in_dim3A_266 = vector.broadcast %jit3A_265 : i32 to vector<16xi32>
      %select_n3A_267 = arith.select %or3A, %broadcast_in_dim3A_266, %add3A_264 : vector<16xi1>, vector<16xi32>
      %add3A_268 = arith.constant 1 : i32
      %add3A_269 = vector.broadcast %add3A_268 : i32 to vector<16xi32>
      %add3A_270 = arith.addi %select_n3A_239, %add3A_269 : vector<16xi32>
      %jit3A_271 = arith.constant 0 : i32
      %jit3A_272 = arith.constant 31 : i32
      %max3A_273 = vector.broadcast %jit3A_271 : i32 to vector<16xi32>
      %max3A_274 = arith.maxsi %max3A_273, %add3A_270 : vector<16xi32>
      %min3A_275 = vector.broadcast %jit3A_272 : i32 to vector<16xi32>
      %min3A_276 = arith.minsi %min3A_275, %max3A_274 : vector<16xi32>
      %add3A_277 = arith.constant 74 : i32
      %add3A_278 = vector.broadcast %add3A_277 : i32 to vector<16xi32>
      %add3A_279 = arith.addi %add3A_278, %min3A_276 : vector<16xi32>
      %jit3A_280 = arith.constant 109 : i32
      %broadcast_in_dim3A_281 = vector.broadcast %jit3A_280 : i32 to vector<16xi32>
      %select_n3A_282 = arith.select %or3A, %broadcast_in_dim3A_281, %add3A_279 : vector<16xi1>, vector<16xi32>
      %shift_left3A = arith.constant 7 : i32
      %shift_left3A_283 = vector.broadcast %shift_left3A : i32 to vector<16xi32>
      %shift_left3A_284 = arith.shli %select_n3A_267, %shift_left3A_283 : vector<16xi32>
      %or3A_285 = arith.ori %select_n3A_252, %shift_left3A_284 : vector<16xi32>
      %shift_left3A_286 = arith.constant 14 : i32
      %shift_left3A_287 = vector.broadcast %shift_left3A_286 : i32 to vector<16xi32>
      %shift_left3A_288 = arith.shli %select_n3A_282, %shift_left3A_287 : vector<16xi32>
      %or3A_289 = arith.ori %or3A_285, %shift_left3A_288 : vector<16xi32>
      %parallel_loop3A = arith.constant 0 : i32
      %parallel_loop3A_290 = arith.constant 16 : i32
      %parallel_loop3A_291 = arith.constant 1 : i32
      scf.for %parallel_loop3A_302 = %parallel_loop3A to %parallel_loop3A_290 step %parallel_loop3A_291  : i32 {
        %parallel_loop3A_303 = vector.broadcast %parallel_loop3A_302 : i32 to vector<16xi32>
        %parallel_loop3A_304 = arith.constant 0 : i32
        %parallel_loop3A_305 = vector.broadcast %parallel_loop3A_304 : i32 to vector<16xi32>
        %parallel_loop3A_306 = arith.cmpi slt, %parallel_loop3A_303, %parallel_loop3A_305 : vector<16xi32>
        %parallel_loop3A_307 = arith.constant 16 : i32
        %parallel_loop3A_308 = vector.broadcast %parallel_loop3A_307 : i32 to vector<16xi32>
        %parallel_loop3A_309 = arith.addi %parallel_loop3A_303, %parallel_loop3A_308 : vector<16xi32>
        %parallel_loop3A_310 = arith.select %parallel_loop3A_306, %parallel_loop3A_309, %parallel_loop3A_303 : vector<16xi1>, vector<16xi32>
        %parallel_loop3A_311 = vector.shape_cast %parallel_loop3A_310 : vector<16xi32> to vector<16x1xi32>
        %parallel_loop3A_312 = vector.shape_cast %parallel_loop3A_311 : vector<16x1xi32> to vector<16xi32>
        %parallel_loop3A_313 = tpu.dynamic_gather %or3A_289[%parallel_loop3A_312] in [0] : vector<16xi32>, vector<16xi32> -> vector<16xi32>
        %parallel_loop3A_314 = vector.extract_strided_slice %parallel_loop3A_313 {offsets = [0], sizes = [1], strides = [1]} : vector<16xi32> to vector<1xi32>
        %parallel_loop3A_315 = vector.extract %parallel_loop3A_314[0] : i32 from vector<1xi32>
        %parallel_loop3A_316 = arith.constant 127 : i32
        %parallel_loop3A_317 = arith.andi %parallel_loop3A_315, %parallel_loop3A_316 : i32
        %parallel_loop3A_318 = arith.constant 8 : i32
        %parallel_loop3A_319 = arith.shli %parallel_loop3A_317, %parallel_loop3A_318 : i32
        %parallel_loop3A_320 = arith.constant 7 : i32
        %parallel_loop3A_321 = arith.shrsi %parallel_loop3A_315, %parallel_loop3A_320 : i32
        %parallel_loop3A_322 = arith.constant 127 : i32
        %parallel_loop3A_323 = arith.andi %parallel_loop3A_321, %parallel_loop3A_322 : i32
        %parallel_loop3A_324 = arith.constant 8 : i32
        %parallel_loop3A_325 = arith.shli %parallel_loop3A_323, %parallel_loop3A_324 : i32
        %parallel_loop3A_326 = arith.constant 14 : i32
        %parallel_loop3A_327 = arith.shrsi %parallel_loop3A_315, %parallel_loop3A_326 : i32
        %parallel_loop3A_328 = arith.constant 8 : i32
        %parallel_loop3A_329 = arith.shli %parallel_loop3A_327, %parallel_loop3A_328 : i32
        %parallel_loop3A_330 = arith.constant 0 : i32
        %parallel_loop3A_331 = arith.addi %parallel_loop3A_319, %parallel_loop3A_330 : i32
        %parallel_loop3A_332 = arith.index_cast %parallel_loop3A_331 : i32 to index
        %parallel_loop3A_333 = tpu.vector_load %arg10[%parallel_loop3A_332] {strides = array<i32>} : memref<28672xf32, #tpu.memory_space<vmem>>, vector<16xf32>,
        %parallel_loop3A_334 = arith.constant 0 : i32
        %parallel_loop3A_335 = arith.addi %parallel_loop3A_325, %parallel_loop3A_334 : i32
        %parallel_loop3A_336 = arith.index_cast %parallel_loop3A_335 : i32 to index
        %parallel_loop3A_337 = tpu.vector_load %arg10[%parallel_loop3A_336] {strides = array<i32>} : memref<28672xf32, #tpu.memory_space<vmem>>, vector<16xf32>,
        %parallel_loop3A_338 = arith.constant 0 : i32
        %parallel_loop3A_339 = arith.addi %parallel_loop3A_329, %parallel_loop3A_338 : i32
        %parallel_loop3A_340 = arith.index_cast %parallel_loop3A_339 : i32 to index
        %parallel_loop3A_341 = tpu.vector_load %arg10[%parallel_loop3A_340] {strides = array<i32>} : memref<28672xf32, #tpu.memory_space<vmem>>, vector<16xf32>,
        %parallel_loop3A_342 = arith.addf %parallel_loop3A_333, %parallel_loop3A_337 : vector<16xf32>
        %parallel_loop3A_343 = arith.addf %parallel_loop3A_342, %parallel_loop3A_341 : vector<16xf32>
        %parallel_loop3A_344 = arith.constant 16 : i32
        %parallel_loop3A_345 = arith.addi %parallel_loop3A_319, %parallel_loop3A_344 : i32
        %parallel_loop3A_346 = arith.index_cast %parallel_loop3A_345 : i32 to index
        %parallel_loop3A_347 = tpu.vector_load %arg10[%parallel_loop3A_346] {strides = array<i32>} : memref<28672xf32, #tpu.memory_space<vmem>>, vector<16xf32>,
        %parallel_loop3A_348 = arith.constant 16 : i32
        %parallel_loop3A_349 = arith.addi %parallel_loop3A_325, %parallel_loop3A_348 : i32
        %parallel_loop3A_350 = arith.index_cast %parallel_loop3A_349 : i32 to index
        %parallel_loop3A_351 = tpu.vector_load %arg10[%parallel_loop3A_350] {strides = array<i32>} : memref<28672xf32, #tpu.memory_space<vmem>>, vector<16xf32>,
        %parallel_loop3A_352 = arith.constant 16 : i32
        %parallel_loop3A_353 = arith.addi %parallel_loop3A_329, %parallel_loop3A_352 : i32
        %parallel_loop3A_354 = arith.index_cast %parallel_loop3A_353 : i32 to index
        %parallel_loop3A_355 = tpu.vector_load %arg10[%parallel_loop3A_354] {strides = array<i32>} : memref<28672xf32, #tpu.memory_space<vmem>>, vector<16xf32>,
        %parallel_loop3A_356 = arith.addf %parallel_loop3A_347, %parallel_loop3A_351 : vector<16xf32>
        %parallel_loop3A_357 = arith.addf %parallel_loop3A_356, %parallel_loop3A_355 : vector<16xf32>
        %parallel_loop3A_358 = arith.constant 32 : i32
        %parallel_loop3A_359 = arith.addi %parallel_loop3A_319, %parallel_loop3A_358 : i32
        %parallel_loop3A_360 = arith.index_cast %parallel_loop3A_359 : i32 to index
        %parallel_loop3A_361 = tpu.vector_load %arg10[%parallel_loop3A_360] {strides = array<i32>} : memref<28672xf32, #tpu.memory_space<vmem>>, vector<16xf32>,
        %parallel_loop3A_362 = arith.constant 32 : i32
        %parallel_loop3A_363 = arith.addi %parallel_loop3A_325, %parallel_loop3A_362 : i32
        %parallel_loop3A_364 = arith.index_cast %parallel_loop3A_363 : i32 to index
        %parallel_loop3A_365 = tpu.vector_load %arg10[%parallel_loop3A_364] {strides = array<i32>} : memref<28672xf32, #tpu.memory_space<vmem>>, vector<16xf32>,
        %parallel_loop3A_366 = arith.constant 32 : i32
        %parallel_loop3A_367 = arith.addi %parallel_loop3A_329, %parallel_loop3A_366 : i32
        %parallel_loop3A_368 = arith.index_cast %parallel_loop3A_367 : i32 to index
        %parallel_loop3A_369 = tpu.vector_load %arg10[%parallel_loop3A_368] {strides = array<i32>} : memref<28672xf32, #tpu.memory_space<vmem>>, vector<16xf32>,
        %parallel_loop3A_370 = arith.addf %parallel_loop3A_361, %parallel_loop3A_365 : vector<16xf32>
        %parallel_loop3A_371 = arith.addf %parallel_loop3A_370, %parallel_loop3A_369 : vector<16xf32>
        %parallel_loop3A_372 = arith.constant 48 : i32
        %parallel_loop3A_373 = arith.addi %parallel_loop3A_319, %parallel_loop3A_372 : i32
        %parallel_loop3A_374 = arith.index_cast %parallel_loop3A_373 : i32 to index
        %parallel_loop3A_375 = tpu.vector_load %arg10[%parallel_loop3A_374] {strides = array<i32>} : memref<28672xf32, #tpu.memory_space<vmem>>, vector<16xf32>,
        %parallel_loop3A_376 = arith.constant 48 : i32
        %parallel_loop3A_377 = arith.addi %parallel_loop3A_325, %parallel_loop3A_376 : i32
        %parallel_loop3A_378 = arith.index_cast %parallel_loop3A_377 : i32 to index
        %parallel_loop3A_379 = tpu.vector_load %arg10[%parallel_loop3A_378] {strides = array<i32>} : memref<28672xf32, #tpu.memory_space<vmem>>, vector<16xf32>,
        %parallel_loop3A_380 = arith.constant 48 : i32
        %parallel_loop3A_381 = arith.addi %parallel_loop3A_329, %parallel_loop3A_380 : i32
        %parallel_loop3A_382 = arith.index_cast %parallel_loop3A_381 : i32 to index
        %parallel_loop3A_383 = tpu.vector_load %arg10[%parallel_loop3A_382] {strides = array<i32>} : memref<28672xf32, #tpu.memory_space<vmem>>, vector<16xf32>,
        %parallel_loop3A_384 = arith.addf %parallel_loop3A_375, %parallel_loop3A_379 : vector<16xf32>
        %parallel_loop3A_385 = arith.addf %parallel_loop3A_384, %parallel_loop3A_383 : vector<16xf32>
        %parallel_loop3A_386 = arith.constant 64 : i32
        %parallel_loop3A_387 = arith.addi %parallel_loop3A_319, %parallel_loop3A_386 : i32
        %parallel_loop3A_388 = arith.index_cast %parallel_loop3A_387 : i32 to index
        %parallel_loop3A_389 = tpu.vector_load %arg10[%parallel_loop3A_388] {strides = array<i32>} : memref<28672xf32, #tpu.memory_space<vmem>>, vector<16xf32>,
        %parallel_loop3A_390 = arith.constant 64 : i32
        %parallel_loop3A_391 = arith.addi %parallel_loop3A_325, %parallel_loop3A_390 : i32
        %parallel_loop3A_392 = arith.index_cast %parallel_loop3A_391 : i32 to index
        %parallel_loop3A_393 = tpu.vector_load %arg10[%parallel_loop3A_392] {strides = array<i32>} : memref<28672xf32, #tpu.memory_space<vmem>>, vector<16xf32>,
        %parallel_loop3A_394 = arith.constant 64 : i32
        %parallel_loop3A_395 = arith.addi %parallel_loop3A_329, %parallel_loop3A_394 : i32
        %parallel_loop3A_396 = arith.index_cast %parallel_loop3A_395 : i32 to index
        %parallel_loop3A_397 = tpu.vector_load %arg10[%parallel_loop3A_396] {strides = array<i32>} : memref<28672xf32, #tpu.memory_space<vmem>>, vector<16xf32>,
        %parallel_loop3A_398 = arith.addf %parallel_loop3A_389, %parallel_loop3A_393 : vector<16xf32>
        %parallel_loop3A_399 = arith.addf %parallel_loop3A_398, %parallel_loop3A_397 : vector<16xf32>
        %parallel_loop3A_400 = arith.constant 80 : i32
        %parallel_loop3A_401 = arith.addi %parallel_loop3A_319, %parallel_loop3A_400 : i32
        %parallel_loop3A_402 = arith.index_cast %parallel_loop3A_401 : i32 to index
        %parallel_loop3A_403 = tpu.vector_load %arg10[%parallel_loop3A_402] {strides = array<i32>} : memref<28672xf32, #tpu.memory_space<vmem>>, vector<16xf32>,
        %parallel_loop3A_404 = arith.constant 80 : i32
        %parallel_loop3A_405 = arith.addi %parallel_loop3A_325, %parallel_loop3A_404 : i32
        %parallel_loop3A_406 = arith.index_cast %parallel_loop3A_405 : i32 to index
        %parallel_loop3A_407 = tpu.vector_load %arg10[%parallel_loop3A_406] {strides = array<i32>} : memref<28672xf32, #tpu.memory_space<vmem>>, vector<16xf32>,
        %parallel_loop3A_408 = arith.constant 80 : i32
        %parallel_loop3A_409 = arith.addi %parallel_loop3A_329, %parallel_loop3A_408 : i32
        %parallel_loop3A_410 = arith.index_cast %parallel_loop3A_409 : i32 to index
        %parallel_loop3A_411 = tpu.vector_load %arg10[%parallel_loop3A_410] {strides = array<i32>} : memref<28672xf32, #tpu.memory_space<vmem>>, vector<16xf32>,
        %parallel_loop3A_412 = arith.addf %parallel_loop3A_403, %parallel_loop3A_407 : vector<16xf32>
        %parallel_loop3A_413 = arith.addf %parallel_loop3A_412, %parallel_loop3A_411 : vector<16xf32>
        %parallel_loop3A_414 = arith.constant 96 : i32
        %parallel_loop3A_415 = arith.addi %parallel_loop3A_319, %parallel_loop3A_414 : i32
        %parallel_loop3A_416 = arith.index_cast %parallel_loop3A_415 : i32 to index
        %parallel_loop3A_417 = tpu.vector_load %arg10[%parallel_loop3A_416] {strides = array<i32>} : memref<28672xf32, #tpu.memory_space<vmem>>, vector<16xf32>,
        %parallel_loop3A_418 = arith.constant 96 : i32
        %parallel_loop3A_419 = arith.addi %parallel_loop3A_325, %parallel_loop3A_418 : i32
        %parallel_loop3A_420 = arith.index_cast %parallel_loop3A_419 : i32 to index
        %parallel_loop3A_421 = tpu.vector_load %arg10[%parallel_loop3A_420] {strides = array<i32>} : memref<28672xf32, #tpu.memory_space<vmem>>, vector<16xf32>,
        %parallel_loop3A_422 = arith.constant 96 : i32
        %parallel_loop3A_423 = arith.addi %parallel_loop3A_329, %parallel_loop3A_422 : i32
        %parallel_loop3A_424 = arith.index_cast %parallel_loop3A_423 : i32 to index
        %parallel_loop3A_425 = tpu.vector_load %arg10[%parallel_loop3A_424] {strides = array<i32>} : memref<28672xf32, #tpu.memory_space<vmem>>, vector<16xf32>,
        %parallel_loop3A_426 = arith.addf %parallel_loop3A_417, %parallel_loop3A_421 : vector<16xf32>
        %parallel_loop3A_427 = arith.addf %parallel_loop3A_426, %parallel_loop3A_425 : vector<16xf32>
        %parallel_loop3A_428 = arith.constant 112 : i32
        %parallel_loop3A_429 = arith.addi %parallel_loop3A_319, %parallel_loop3A_428 : i32
        %parallel_loop3A_430 = arith.index_cast %parallel_loop3A_429 : i32 to index
        %parallel_loop3A_431 = tpu.vector_load %arg10[%parallel_loop3A_430] {strides = array<i32>} : memref<28672xf32, #tpu.memory_space<vmem>>, vector<16xf32>,
        %parallel_loop3A_432 = arith.constant 112 : i32
        %parallel_loop3A_433 = arith.addi %parallel_loop3A_325, %parallel_loop3A_432 : i32
        %parallel_loop3A_434 = arith.index_cast %parallel_loop3A_433 : i32 to index
        %parallel_loop3A_435 = tpu.vector_load %arg10[%parallel_loop3A_434] {strides = array<i32>} : memref<28672xf32, #tpu.memory_space<vmem>>, vector<16xf32>,
        %parallel_loop3A_436 = arith.constant 112 : i32
        %parallel_loop3A_437 = arith.addi %parallel_loop3A_329, %parallel_loop3A_436 : i32
        %parallel_loop3A_438 = arith.index_cast %parallel_loop3A_437 : i32 to index
        %parallel_loop3A_439 = tpu.vector_load %arg10[%parallel_loop3A_438] {strides = array<i32>} : memref<28672xf32, #tpu.memory_space<vmem>>, vector<16xf32>,
        %parallel_loop3A_440 = arith.addf %parallel_loop3A_431, %parallel_loop3A_435 : vector<16xf32>
        %parallel_loop3A_441 = arith.addf %parallel_loop3A_440, %parallel_loop3A_439 : vector<16xf32>
        %parallel_loop3A_442 = arith.constant 128 : i32
        %parallel_loop3A_443 = arith.addi %parallel_loop3A_319, %parallel_loop3A_442 : i32
        %parallel_loop3A_444 = arith.index_cast %parallel_loop3A_443 : i32 to index
        %parallel_loop3A_445 = tpu.vector_load %arg10[%parallel_loop3A_444] {strides = array<i32>} : memref<28672xf32, #tpu.memory_space<vmem>>, vector<16xf32>,
        %parallel_loop3A_446 = arith.constant 128 : i32
        %parallel_loop3A_447 = arith.addi %parallel_loop3A_325, %parallel_loop3A_446 : i32
        %parallel_loop3A_448 = arith.index_cast %parallel_loop3A_447 : i32 to index
        %parallel_loop3A_449 = tpu.vector_load %arg10[%parallel_loop3A_448] {strides = array<i32>} : memref<28672xf32, #tpu.memory_space<vmem>>, vector<16xf32>,
        %parallel_loop3A_450 = arith.constant 128 : i32
        %parallel_loop3A_451 = arith.addi %parallel_loop3A_329, %parallel_loop3A_450 : i32
        %parallel_loop3A_452 = arith.index_cast %parallel_loop3A_451 : i32 to index
        %parallel_loop3A_453 = tpu.vector_load %arg10[%parallel_loop3A_452] {strides = array<i32>} : memref<28672xf32, #tpu.memory_space<vmem>>, vector<16xf32>,
        %parallel_loop3A_454 = arith.addf %parallel_loop3A_445, %parallel_loop3A_449 : vector<16xf32>
        %parallel_loop3A_455 = arith.addf %parallel_loop3A_454, %parallel_loop3A_453 : vector<16xf32>
        %parallel_loop3A_456 = arith.constant 144 : i32
        %parallel_loop3A_457 = arith.addi %parallel_loop3A_319, %parallel_loop3A_456 : i32
        %parallel_loop3A_458 = arith.index_cast %parallel_loop3A_457 : i32 to index
        %parallel_loop3A_459 = tpu.vector_load %arg10[%parallel_loop3A_458] {strides = array<i32>} : memref<28672xf32, #tpu.memory_space<vmem>>, vector<16xf32>,
        %parallel_loop3A_460 = arith.constant 144 : i32
        %parallel_loop3A_461 = arith.addi %parallel_loop3A_325, %parallel_loop3A_460 : i32
        %parallel_loop3A_462 = arith.index_cast %parallel_loop3A_461 : i32 to index
        %parallel_loop3A_463 = tpu.vector_load %arg10[%parallel_loop3A_462] {strides = array<i32>} : memref<28672xf32, #tpu.memory_space<vmem>>, vector<16xf32>,
        %parallel_loop3A_464 = arith.constant 144 : i32
        %parallel_loop3A_465 = arith.addi %parallel_loop3A_329, %parallel_loop3A_464 : i32
        %parallel_loop3A_466 = arith.index_cast %parallel_loop3A_465 : i32 to index
        %parallel_loop3A_467 = tpu.vector_load %arg10[%parallel_loop3A_466] {strides = array<i32>} : memref<28672xf32, #tpu.memory_space<vmem>>, vector<16xf32>,
        %parallel_loop3A_468 = arith.addf %parallel_loop3A_459, %parallel_loop3A_463 : vector<16xf32>
        %parallel_loop3A_469 = arith.addf %parallel_loop3A_468, %parallel_loop3A_467 : vector<16xf32>
        %parallel_loop3A_470 = arith.constant 160 : i32
        %parallel_loop3A_471 = arith.addi %parallel_loop3A_319, %parallel_loop3A_470 : i32
        %parallel_loop3A_472 = arith.index_cast %parallel_loop3A_471 : i32 to index
        %parallel_loop3A_473 = tpu.vector_load %arg10[%parallel_loop3A_472] {strides = array<i32>} : memref<28672xf32, #tpu.memory_space<vmem>>, vector<16xf32>,
        %parallel_loop3A_474 = arith.constant 160 : i32
        %parallel_loop3A_475 = arith.addi %parallel_loop3A_325, %parallel_loop3A_474 : i32
        %parallel_loop3A_476 = arith.index_cast %parallel_loop3A_475 : i32 to index
        %parallel_loop3A_477 = tpu.vector_load %arg10[%parallel_loop3A_476] {strides = array<i32>} : memref<28672xf32, #tpu.memory_space<vmem>>, vector<16xf32>,
        %parallel_loop3A_478 = arith.constant 160 : i32
        %parallel_loop3A_479 = arith.addi %parallel_loop3A_329, %parallel_loop3A_478 : i32
        %parallel_loop3A_480 = arith.index_cast %parallel_loop3A_479 : i32 to index
        %parallel_loop3A_481 = tpu.vector_load %arg10[%parallel_loop3A_480] {strides = array<i32>} : memref<28672xf32, #tpu.memory_space<vmem>>, vector<16xf32>,
        %parallel_loop3A_482 = arith.addf %parallel_loop3A_473, %parallel_loop3A_477 : vector<16xf32>
        %parallel_loop3A_483 = arith.addf %parallel_loop3A_482, %parallel_loop3A_481 : vector<16xf32>
        %parallel_loop3A_484 = arith.constant 176 : i32
        %parallel_loop3A_485 = arith.addi %parallel_loop3A_319, %parallel_loop3A_484 : i32
        %parallel_loop3A_486 = arith.index_cast %parallel_loop3A_485 : i32 to index
        %parallel_loop3A_487 = tpu.vector_load %arg10[%parallel_loop3A_486] {strides = array<i32>} : memref<28672xf32, #tpu.memory_space<vmem>>, vector<16xf32>,
        %parallel_loop3A_488 = arith.constant 176 : i32
        %parallel_loop3A_489 = arith.addi %parallel_loop3A_325, %parallel_loop3A_488 : i32
        %parallel_loop3A_490 = arith.index_cast %parallel_loop3A_489 : i32 to index
        %parallel_loop3A_491 = tpu.vector_load %arg10[%parallel_loop3A_490] {strides = array<i32>} : memref<28672xf32, #tpu.memory_space<vmem>>, vector<16xf32>,
        %parallel_loop3A_492 = arith.constant 176 : i32
        %parallel_loop3A_493 = arith.addi %parallel_loop3A_329, %parallel_loop3A_492 : i32
        %parallel_loop3A_494 = arith.index_cast %parallel_loop3A_493 : i32 to index
        %parallel_loop3A_495 = tpu.vector_load %arg10[%parallel_loop3A_494] {strides = array<i32>} : memref<28672xf32, #tpu.memory_space<vmem>>, vector<16xf32>,
        %parallel_loop3A_496 = arith.addf %parallel_loop3A_487, %parallel_loop3A_491 : vector<16xf32>
        %parallel_loop3A_497 = arith.addf %parallel_loop3A_496, %parallel_loop3A_495 : vector<16xf32>
        %parallel_loop3A_498 = arith.constant 192 : i32
        %parallel_loop3A_499 = arith.addi %parallel_loop3A_319, %parallel_loop3A_498 : i32
        %parallel_loop3A_500 = arith.index_cast %parallel_loop3A_499 : i32 to index
        %parallel_loop3A_501 = tpu.vector_load %arg10[%parallel_loop3A_500] {strides = array<i32>} : memref<28672xf32, #tpu.memory_space<vmem>>, vector<16xf32>,
        %parallel_loop3A_502 = arith.constant 192 : i32
        %parallel_loop3A_503 = arith.addi %parallel_loop3A_325, %parallel_loop3A_502 : i32
        %parallel_loop3A_504 = arith.index_cast %parallel_loop3A_503 : i32 to index
        %parallel_loop3A_505 = tpu.vector_load %arg10[%parallel_loop3A_504] {strides = array<i32>} : memref<28672xf32, #tpu.memory_space<vmem>>, vector<16xf32>,
        %parallel_loop3A_506 = arith.constant 192 : i32
        %parallel_loop3A_507 = arith.addi %parallel_loop3A_329, %parallel_loop3A_506 : i32
        %parallel_loop3A_508 = arith.index_cast %parallel_loop3A_507 : i32 to index
        %parallel_loop3A_509 = tpu.vector_load %arg10[%parallel_loop3A_508] {strides = array<i32>} : memref<28672xf32, #tpu.memory_space<vmem>>, vector<16xf32>,
        %parallel_loop3A_510 = arith.addf %parallel_loop3A_501, %parallel_loop3A_505 : vector<16xf32>
        %parallel_loop3A_511 = arith.addf %parallel_loop3A_510, %parallel_loop3A_509 : vector<16xf32>
        %parallel_loop3A_512 = arith.constant 208 : i32
        %parallel_loop3A_513 = arith.addi %parallel_loop3A_319, %parallel_loop3A_512 : i32
        %parallel_loop3A_514 = arith.index_cast %parallel_loop3A_513 : i32 to index
        %parallel_loop3A_515 = tpu.vector_load %arg10[%parallel_loop3A_514] {strides = array<i32>} : memref<28672xf32, #tpu.memory_space<vmem>>, vector<16xf32>,
        %parallel_loop3A_516 = arith.constant 208 : i32
        %parallel_loop3A_517 = arith.addi %parallel_loop3A_325, %parallel_loop3A_516 : i32
        %parallel_loop3A_518 = arith.index_cast %parallel_loop3A_517 : i32 to index
        %parallel_loop3A_519 = tpu.vector_load %arg10[%parallel_loop3A_518] {strides = array<i32>} : memref<28672xf32, #tpu.memory_space<vmem>>, vector<16xf32>,
        %parallel_loop3A_520 = arith.constant 208 : i32
        %parallel_loop3A_521 = arith.addi %parallel_loop3A_329, %parallel_loop3A_520 : i32
        %parallel_loop3A_522 = arith.index_cast %parallel_loop3A_521 : i32 to index
        %parallel_loop3A_523 = tpu.vector_load %arg10[%parallel_loop3A_522] {strides = array<i32>} : memref<28672xf32, #tpu.memory_space<vmem>>, vector<16xf32>,
        %parallel_loop3A_524 = arith.addf %parallel_loop3A_515, %parallel_loop3A_519 : vector<16xf32>
        %parallel_loop3A_525 = arith.addf %parallel_loop3A_524, %parallel_loop3A_523 : vector<16xf32>
        %parallel_loop3A_526 = arith.constant 224 : i32
        %parallel_loop3A_527 = arith.addi %parallel_loop3A_319, %parallel_loop3A_526 : i32
        %parallel_loop3A_528 = arith.index_cast %parallel_loop3A_527 : i32 to index
        %parallel_loop3A_529 = tpu.vector_load %arg10[%parallel_loop3A_528] {strides = array<i32>} : memref<28672xf32, #tpu.memory_space<vmem>>, vector<16xf32>,
        %parallel_loop3A_530 = arith.constant 224 : i32
        %parallel_loop3A_531 = arith.addi %parallel_loop3A_325, %parallel_loop3A_530 : i32
        %parallel_loop3A_532 = arith.index_cast %parallel_loop3A_531 : i32 to index
        %parallel_loop3A_533 = tpu.vector_load %arg10[%parallel_loop3A_532] {strides = array<i32>} : memref<28672xf32, #tpu.memory_space<vmem>>, vector<16xf32>,
        %parallel_loop3A_534 = arith.constant 224 : i32
        %parallel_loop3A_535 = arith.addi %parallel_loop3A_329, %parallel_loop3A_534 : i32
        %parallel_loop3A_536 = arith.index_cast %parallel_loop3A_535 : i32 to index
        %parallel_loop3A_537 = tpu.vector_load %arg10[%parallel_loop3A_536] {strides = array<i32>} : memref<28672xf32, #tpu.memory_space<vmem>>, vector<16xf32>,
        %parallel_loop3A_538 = arith.addf %parallel_loop3A_529, %parallel_loop3A_533 : vector<16xf32>
        %parallel_loop3A_539 = arith.addf %parallel_loop3A_538, %parallel_loop3A_537 : vector<16xf32>
        %parallel_loop3A_540 = arith.constant 240 : i32
        %parallel_loop3A_541 = arith.addi %parallel_loop3A_319, %parallel_loop3A_540 : i32
        %parallel_loop3A_542 = arith.index_cast %parallel_loop3A_541 : i32 to index
        %parallel_loop3A_543 = tpu.vector_load %arg10[%parallel_loop3A_542] {strides = array<i32>} : memref<28672xf32, #tpu.memory_space<vmem>>, vector<16xf32>,
        %parallel_loop3A_544 = arith.constant 240 : i32
        %parallel_loop3A_545 = arith.addi %parallel_loop3A_325, %parallel_loop3A_544 : i32
        %parallel_loop3A_546 = arith.index_cast %parallel_loop3A_545 : i32 to index
        %parallel_loop3A_547 = tpu.vector_load %arg10[%parallel_loop3A_546] {strides = array<i32>} : memref<28672xf32, #tpu.memory_space<vmem>>, vector<16xf32>,
        %parallel_loop3A_548 = arith.constant 240 : i32
        %parallel_loop3A_549 = arith.addi %parallel_loop3A_329, %parallel_loop3A_548 : i32
        %parallel_loop3A_550 = arith.index_cast %parallel_loop3A_549 : i32 to index
        %parallel_loop3A_551 = tpu.vector_load %arg10[%parallel_loop3A_550] {strides = array<i32>} : memref<28672xf32, #tpu.memory_space<vmem>>, vector<16xf32>,
        %parallel_loop3A_552 = arith.addf %parallel_loop3A_543, %parallel_loop3A_547 : vector<16xf32>
        %parallel_loop3A_553 = arith.addf %parallel_loop3A_552, %parallel_loop3A_551 : vector<16xf32>
        %parallel_loop3A_554 = arith.mulf %parallel_loop3A_343, %parallel_loop3A_343 : vector<16xf32>
        %parallel_loop3A_555 = arith.mulf %parallel_loop3A_357, %parallel_loop3A_357 : vector<16xf32>
        %parallel_loop3A_556 = arith.mulf %parallel_loop3A_371, %parallel_loop3A_371 : vector<16xf32>
        %parallel_loop3A_557 = arith.mulf %parallel_loop3A_385, %parallel_loop3A_385 : vector<16xf32>
        %parallel_loop3A_558 = arith.mulf %parallel_loop3A_399, %parallel_loop3A_399 : vector<16xf32>
        %parallel_loop3A_559 = arith.mulf %parallel_loop3A_413, %parallel_loop3A_413 : vector<16xf32>
        %parallel_loop3A_560 = arith.mulf %parallel_loop3A_427, %parallel_loop3A_427 : vector<16xf32>
        %parallel_loop3A_561 = arith.mulf %parallel_loop3A_441, %parallel_loop3A_441 : vector<16xf32>
        %parallel_loop3A_562 = arith.mulf %parallel_loop3A_455, %parallel_loop3A_455 : vector<16xf32>
        %parallel_loop3A_563 = arith.mulf %parallel_loop3A_469, %parallel_loop3A_469 : vector<16xf32>
        %parallel_loop3A_564 = arith.mulf %parallel_loop3A_483, %parallel_loop3A_483 : vector<16xf32>
        %parallel_loop3A_565 = arith.mulf %parallel_loop3A_497, %parallel_loop3A_497 : vector<16xf32>
        %parallel_loop3A_566 = arith.mulf %parallel_loop3A_511, %parallel_loop3A_511 : vector<16xf32>
        %parallel_loop3A_567 = arith.mulf %parallel_loop3A_525, %parallel_loop3A_525 : vector<16xf32>
        %parallel_loop3A_568 = arith.mulf %parallel_loop3A_539, %parallel_loop3A_539 : vector<16xf32>
        %parallel_loop3A_569 = arith.mulf %parallel_loop3A_553, %parallel_loop3A_553 : vector<16xf32>
        %parallel_loop3A_570 = arith.addf %parallel_loop3A_343, %parallel_loop3A_357 : vector<16xf32>
        %parallel_loop3A_571 = arith.addf %parallel_loop3A_371, %parallel_loop3A_385 : vector<16xf32>
        %parallel_loop3A_572 = arith.addf %parallel_loop3A_399, %parallel_loop3A_413 : vector<16xf32>
        %parallel_loop3A_573 = arith.addf %parallel_loop3A_427, %parallel_loop3A_441 : vector<16xf32>
        %parallel_loop3A_574 = arith.addf %parallel_loop3A_455, %parallel_loop3A_469 : vector<16xf32>
        %parallel_loop3A_575 = arith.addf %parallel_loop3A_483, %parallel_loop3A_497 : vector<16xf32>
        %parallel_loop3A_576 = arith.addf %parallel_loop3A_511, %parallel_loop3A_525 : vector<16xf32>
        %parallel_loop3A_577 = arith.addf %parallel_loop3A_539, %parallel_loop3A_553 : vector<16xf32>
        %parallel_loop3A_578 = arith.addf %parallel_loop3A_570, %parallel_loop3A_571 : vector<16xf32>
        %parallel_loop3A_579 = arith.addf %parallel_loop3A_572, %parallel_loop3A_573 : vector<16xf32>
        %parallel_loop3A_580 = arith.addf %parallel_loop3A_574, %parallel_loop3A_575 : vector<16xf32>
        %parallel_loop3A_581 = arith.addf %parallel_loop3A_576, %parallel_loop3A_577 : vector<16xf32>
        %parallel_loop3A_582 = arith.addf %parallel_loop3A_578, %parallel_loop3A_579 : vector<16xf32>
        %parallel_loop3A_583 = arith.addf %parallel_loop3A_580, %parallel_loop3A_581 : vector<16xf32>
        %parallel_loop3A_584 = arith.addf %parallel_loop3A_582, %parallel_loop3A_583 : vector<16xf32>
        %parallel_loop3A_585 = arith.addf %parallel_loop3A_554, %parallel_loop3A_555 : vector<16xf32>
        %parallel_loop3A_586 = arith.addf %parallel_loop3A_556, %parallel_loop3A_557 : vector<16xf32>
        %parallel_loop3A_587 = arith.addf %parallel_loop3A_558, %parallel_loop3A_559 : vector<16xf32>
        %parallel_loop3A_588 = arith.addf %parallel_loop3A_560, %parallel_loop3A_561 : vector<16xf32>
        %parallel_loop3A_589 = arith.addf %parallel_loop3A_562, %parallel_loop3A_563 : vector<16xf32>
        %parallel_loop3A_590 = arith.addf %parallel_loop3A_564, %parallel_loop3A_565 : vector<16xf32>
        %parallel_loop3A_591 = arith.addf %parallel_loop3A_566, %parallel_loop3A_567 : vector<16xf32>
        %parallel_loop3A_592 = arith.addf %parallel_loop3A_568, %parallel_loop3A_569 : vector<16xf32>
        %parallel_loop3A_593 = arith.addf %parallel_loop3A_585, %parallel_loop3A_586 : vector<16xf32>
        %parallel_loop3A_594 = arith.addf %parallel_loop3A_587, %parallel_loop3A_588 : vector<16xf32>
        %parallel_loop3A_595 = arith.addf %parallel_loop3A_589, %parallel_loop3A_590 : vector<16xf32>
        %parallel_loop3A_596 = arith.addf %parallel_loop3A_591, %parallel_loop3A_592 : vector<16xf32>
        %parallel_loop3A_597 = arith.addf %parallel_loop3A_593, %parallel_loop3A_594 : vector<16xf32>
        %parallel_loop3A_598 = arith.addf %parallel_loop3A_595, %parallel_loop3A_596 : vector<16xf32>
        %parallel_loop3A_599 = arith.addf %parallel_loop3A_597, %parallel_loop3A_598 : vector<16xf32>
        %parallel_loop3A_600 = arith.constant true
        %parallel_loop3A_601 = vector.broadcast %parallel_loop3A_600 : i1 to vector<16xi1>
        %parallel_loop3A_602 = tpu.scan <sum>, %parallel_loop3A_584 masked %parallel_loop3A_601 : vector<16xf32>, vector<16xi1> -> vector<16xf32>
        %parallel_loop3A_603 = arith.constant 15 : i32
        %parallel_loop3A_604 = vector.broadcast %parallel_loop3A_603 : i32 to vector<16xi32>
        %parallel_loop3A_605 = arith.constant 0 : i32
        %parallel_loop3A_606 = vector.broadcast %parallel_loop3A_605 : i32 to vector<16xi32>
        %parallel_loop3A_607 = arith.cmpi slt, %parallel_loop3A_604, %parallel_loop3A_606 : vector<16xi32>
        %parallel_loop3A_608 = arith.constant 16 : i32
        %parallel_loop3A_609 = vector.broadcast %parallel_loop3A_608 : i32 to vector<16xi32>
        %parallel_loop3A_610 = arith.addi %parallel_loop3A_604, %parallel_loop3A_609 : vector<16xi32>
        %parallel_loop3A_611 = arith.select %parallel_loop3A_607, %parallel_loop3A_610, %parallel_loop3A_604 : vector<16xi1>, vector<16xi32>
        %parallel_loop3A_612 = vector.shape_cast %parallel_loop3A_611 : vector<16xi32> to vector<16x1xi32>
        %parallel_loop3A_613 = vector.shape_cast %parallel_loop3A_612 : vector<16x1xi32> to vector<16xi32>
        %parallel_loop3A_614 = tpu.dynamic_gather %parallel_loop3A_602[%parallel_loop3A_613] in [0] : vector<16xf32>, vector<16xi32> -> vector<16xf32>
        %parallel_loop3A_615 = arith.constant 3.906250e-03 : f32
        %parallel_loop3A_616 = vector.broadcast %parallel_loop3A_615 : f32 to vector<16xf32>
        %parallel_loop3A_617 = arith.mulf %parallel_loop3A_614, %parallel_loop3A_616 : vector<16xf32>
        %parallel_loop3A_618 = arith.constant true
        %parallel_loop3A_619 = vector.broadcast %parallel_loop3A_618 : i1 to vector<16xi1>
        %parallel_loop3A_620 = tpu.scan <sum>, %parallel_loop3A_599 masked %parallel_loop3A_619 : vector<16xf32>, vector<16xi1> -> vector<16xf32>
        %parallel_loop3A_621 = arith.constant 15 : i32
        %parallel_loop3A_622 = vector.broadcast %parallel_loop3A_621 : i32 to vector<16xi32>
        %parallel_loop3A_623 = arith.constant 0 : i32
        %parallel_loop3A_624 = vector.broadcast %parallel_loop3A_623 : i32 to vector<16xi32>
        %parallel_loop3A_625 = arith.cmpi slt, %parallel_loop3A_622, %parallel_loop3A_624 : vector<16xi32>
        %parallel_loop3A_626 = arith.constant 16 : i32
        %parallel_loop3A_627 = vector.broadcast %parallel_loop3A_626 : i32 to vector<16xi32>
        %parallel_loop3A_628 = arith.addi %parallel_loop3A_622, %parallel_loop3A_627 : vector<16xi32>
        %parallel_loop3A_629 = arith.select %parallel_loop3A_625, %parallel_loop3A_628, %parallel_loop3A_622 : vector<16xi1>, vector<16xi32>
        %parallel_loop3A_630 = vector.shape_cast %parallel_loop3A_629 : vector<16xi32> to vector<16x1xi32>
        %parallel_loop3A_631 = vector.shape_cast %parallel_loop3A_630 : vector<16x1xi32> to vector<16xi32>
        %parallel_loop3A_632 = tpu.dynamic_gather %parallel_loop3A_620[%parallel_loop3A_631] in [0] : vector<16xf32>, vector<16xi32> -> vector<16xf32>
        %parallel_loop3A_633 = arith.constant 3.906250e-03 : f32
        %parallel_loop3A_634 = vector.broadcast %parallel_loop3A_633 : f32 to vector<16xf32>
        %parallel_loop3A_635 = arith.mulf %parallel_loop3A_632, %parallel_loop3A_634 : vector<16xf32>
        %parallel_loop3A_636 = arith.mulf %parallel_loop3A_617, %parallel_loop3A_617 : vector<16xf32>
        %parallel_loop3A_637 = arith.subf %parallel_loop3A_635, %parallel_loop3A_636 : vector<16xf32>
        %parallel_loop3A_638 = arith.constant 9.99999974E-6 : f32
        %parallel_loop3A_639 = vector.broadcast %parallel_loop3A_638 : f32 to vector<16xf32>
        %parallel_loop3A_640 = arith.addf %parallel_loop3A_637, %parallel_loop3A_639 : vector<16xf32>
        %parallel_loop3A_641 = arith.constant 1597463007 : i32
        %parallel_loop3A_642 = vector.broadcast %parallel_loop3A_641 : i32 to vector<16xi32>
        %parallel_loop3A_643 = vector.bitcast %parallel_loop3A_640 : vector<16xf32> to vector<16xi32>
        %parallel_loop3A_644 = arith.constant 1 : i32
        %parallel_loop3A_645 = vector.broadcast %parallel_loop3A_644 : i32 to vector<16xi32>
        %parallel_loop3A_646 = arith.shrsi %parallel_loop3A_643, %parallel_loop3A_645 : vector<16xi32>
        %parallel_loop3A_647 = arith.subi %parallel_loop3A_642, %parallel_loop3A_646 : vector<16xi32>
        %parallel_loop3A_648 = vector.bitcast %parallel_loop3A_647 : vector<16xi32> to vector<16xf32>
        %parallel_loop3A_649 = arith.constant 5.000000e-01 : f32
        %parallel_loop3A_650 = vector.broadcast %parallel_loop3A_649 : f32 to vector<16xf32>
        %parallel_loop3A_651 = arith.mulf %parallel_loop3A_640, %parallel_loop3A_650 : vector<16xf32>
        %parallel_loop3A_652 = arith.mulf %parallel_loop3A_651, %parallel_loop3A_648 : vector<16xf32>
        %parallel_loop3A_653 = arith.mulf %parallel_loop3A_652, %parallel_loop3A_648 : vector<16xf32>
        %parallel_loop3A_654 = arith.constant 1.500000e+00 : f32
        %parallel_loop3A_655 = vector.broadcast %parallel_loop3A_654 : f32 to vector<16xf32>
        %parallel_loop3A_656 = arith.subf %parallel_loop3A_655, %parallel_loop3A_653 : vector<16xf32>
        %parallel_loop3A_657 = arith.mulf %parallel_loop3A_648, %parallel_loop3A_656 : vector<16xf32>
        %parallel_loop3A_658 = arith.mulf %parallel_loop3A_651, %parallel_loop3A_657 : vector<16xf32>
        %parallel_loop3A_659 = arith.mulf %parallel_loop3A_658, %parallel_loop3A_657 : vector<16xf32>
        %parallel_loop3A_660 = arith.constant 1.500000e+00 : f32
        %parallel_loop3A_661 = vector.broadcast %parallel_loop3A_660 : f32 to vector<16xf32>
        %parallel_loop3A_662 = arith.subf %parallel_loop3A_661, %parallel_loop3A_659 : vector<16xf32>
        %parallel_loop3A_663 = arith.mulf %parallel_loop3A_657, %parallel_loop3A_662 : vector<16xf32>
        %parallel_loop3A_664 = arith.subf %parallel_loop3A_343, %parallel_loop3A_617 : vector<16xf32>
        %parallel_loop3A_665 = arith.mulf %parallel_loop3A_664, %parallel_loop3A_663 : vector<16xf32>
        %parallel_loop3A_666 = arith.mulf %parallel_loop3A_665, %get3A_69 : vector<16xf32>
        %parallel_loop3A_667 = arith.addf %parallel_loop3A_666, %get3A_101 : vector<16xf32>
        %parallel_loop3A_668 = arith.index_cast %select_n3A_185 : i32 to index
        %parallel_loop3A_669 = arith.index_cast %parallel_loop3A_302 : i32 to index
        %parallel_loop3A_670 = arith.constant 0 : index
        %parallel_loop3A_671 = tpu.vector_load %arg17[%parallel_loop3A_668, %parallel_loop3A_669, %parallel_loop3A_670] {strides = array<i32>} : memref<2x16x256xf32, #tpu.memory_space<vmem>>, vector<16xf32>,
        tpu.vector_store %arg17[%parallel_loop3A_668, %parallel_loop3A_669, %parallel_loop3A_670], %parallel_loop3A_667 {strides = array<i32>} : memref<2x16x256xf32, #tpu.memory_space<vmem>>, vector<16xf32>,
        %parallel_loop3A_672 = arith.subf %parallel_loop3A_357, %parallel_loop3A_617 : vector<16xf32>
        %parallel_loop3A_673 = arith.mulf %parallel_loop3A_672, %parallel_loop3A_663 : vector<16xf32>
        %parallel_loop3A_674 = arith.mulf %parallel_loop3A_673, %get3A_71 : vector<16xf32>
        %parallel_loop3A_675 = arith.addf %parallel_loop3A_674, %get3A_103 : vector<16xf32>
        %parallel_loop3A_676 = arith.index_cast %select_n3A_185 : i32 to index
        %parallel_loop3A_677 = arith.index_cast %parallel_loop3A_302 : i32 to index
        %parallel_loop3A_678 = arith.constant 16 : index
        %parallel_loop3A_679 = tpu.vector_load %arg17[%parallel_loop3A_676, %parallel_loop3A_677, %parallel_loop3A_678] {strides = array<i32>} : memref<2x16x256xf32, #tpu.memory_space<vmem>>, vector<16xf32>,
        tpu.vector_store %arg17[%parallel_loop3A_676, %parallel_loop3A_677, %parallel_loop3A_678], %parallel_loop3A_675 {strides = array<i32>} : memref<2x16x256xf32, #tpu.memory_space<vmem>>, vector<16xf32>,
        %parallel_loop3A_680 = arith.subf %parallel_loop3A_371, %parallel_loop3A_617 : vector<16xf32>
        %parallel_loop3A_681 = arith.mulf %parallel_loop3A_680, %parallel_loop3A_663 : vector<16xf32>
        %parallel_loop3A_682 = arith.mulf %parallel_loop3A_681, %get3A_73 : vector<16xf32>
        %parallel_loop3A_683 = arith.addf %parallel_loop3A_682, %get3A_105 : vector<16xf32>
        %parallel_loop3A_684 = arith.index_cast %select_n3A_185 : i32 to index
        %parallel_loop3A_685 = arith.index_cast %parallel_loop3A_302 : i32 to index
        %parallel_loop3A_686 = arith.constant 32 : index
        %parallel_loop3A_687 = tpu.vector_load %arg17[%parallel_loop3A_684, %parallel_loop3A_685, %parallel_loop3A_686] {strides = array<i32>} : memref<2x16x256xf32, #tpu.memory_space<vmem>>, vector<16xf32>,
        tpu.vector_store %arg17[%parallel_loop3A_684, %parallel_loop3A_685, %parallel_loop3A_686], %parallel_loop3A_683 {strides = array<i32>} : memref<2x16x256xf32, #tpu.memory_space<vmem>>, vector<16xf32>,
        %parallel_loop3A_688 = arith.subf %parallel_loop3A_385, %parallel_loop3A_617 : vector<16xf32>
        %parallel_loop3A_689 = arith.mulf %parallel_loop3A_688, %parallel_loop3A_663 : vector<16xf32>
        %parallel_loop3A_690 = arith.mulf %parallel_loop3A_689, %get3A_75 : vector<16xf32>
        %parallel_loop3A_691 = arith.addf %parallel_loop3A_690, %get3A_107 : vector<16xf32>
        %parallel_loop3A_692 = arith.index_cast %select_n3A_185 : i32 to index
        %parallel_loop3A_693 = arith.index_cast %parallel_loop3A_302 : i32 to index
        %parallel_loop3A_694 = arith.constant 48 : index
        %parallel_loop3A_695 = tpu.vector_load %arg17[%parallel_loop3A_692, %parallel_loop3A_693, %parallel_loop3A_694] {strides = array<i32>} : memref<2x16x256xf32, #tpu.memory_space<vmem>>, vector<16xf32>,
        tpu.vector_store %arg17[%parallel_loop3A_692, %parallel_loop3A_693, %parallel_loop3A_694], %parallel_loop3A_691 {strides = array<i32>} : memref<2x16x256xf32, #tpu.memory_space<vmem>>, vector<16xf32>,
        %parallel_loop3A_696 = arith.subf %parallel_loop3A_399, %parallel_loop3A_617 : vector<16xf32>
        %parallel_loop3A_697 = arith.mulf %parallel_loop3A_696, %parallel_loop3A_663 : vector<16xf32>
        %parallel_loop3A_698 = arith.mulf %parallel_loop3A_697, %get3A_77 : vector<16xf32>
        %parallel_loop3A_699 = arith.addf %parallel_loop3A_698, %get3A_109 : vector<16xf32>
        %parallel_loop3A_700 = arith.index_cast %select_n3A_185 : i32 to index
        %parallel_loop3A_701 = arith.index_cast %parallel_loop3A_302 : i32 to index
        %parallel_loop3A_702 = arith.constant 64 : index
        %parallel_loop3A_703 = tpu.vector_load %arg17[%parallel_loop3A_700, %parallel_loop3A_701, %parallel_loop3A_702] {strides = array<i32>} : memref<2x16x256xf32, #tpu.memory_space<vmem>>, vector<16xf32>,
        tpu.vector_store %arg17[%parallel_loop3A_700, %parallel_loop3A_701, %parallel_loop3A_702], %parallel_loop3A_699 {strides = array<i32>} : memref<2x16x256xf32, #tpu.memory_space<vmem>>, vector<16xf32>,
        %parallel_loop3A_704 = arith.subf %parallel_loop3A_413, %parallel_loop3A_617 : vector<16xf32>
        %parallel_loop3A_705 = arith.mulf %parallel_loop3A_704, %parallel_loop3A_663 : vector<16xf32>
        %parallel_loop3A_706 = arith.mulf %parallel_loop3A_705, %get3A_79 : vector<16xf32>
        %parallel_loop3A_707 = arith.addf %parallel_loop3A_706, %get3A_111 : vector<16xf32>
        %parallel_loop3A_708 = arith.index_cast %select_n3A_185 : i32 to index
        %parallel_loop3A_709 = arith.index_cast %parallel_loop3A_302 : i32 to index
        %parallel_loop3A_710 = arith.constant 80 : index
        %parallel_loop3A_711 = tpu.vector_load %arg17[%parallel_loop3A_708, %parallel_loop3A_709, %parallel_loop3A_710] {strides = array<i32>} : memref<2x16x256xf32, #tpu.memory_space<vmem>>, vector<16xf32>,
        tpu.vector_store %arg17[%parallel_loop3A_708, %parallel_loop3A_709, %parallel_loop3A_710], %parallel_loop3A_707 {strides = array<i32>} : memref<2x16x256xf32, #tpu.memory_space<vmem>>, vector<16xf32>,
        %parallel_loop3A_712 = arith.subf %parallel_loop3A_427, %parallel_loop3A_617 : vector<16xf32>
        %parallel_loop3A_713 = arith.mulf %parallel_loop3A_712, %parallel_loop3A_663 : vector<16xf32>
        %parallel_loop3A_714 = arith.mulf %parallel_loop3A_713, %get3A_81 : vector<16xf32>
        %parallel_loop3A_715 = arith.addf %parallel_loop3A_714, %get3A_113 : vector<16xf32>
        %parallel_loop3A_716 = arith.index_cast %select_n3A_185 : i32 to index
        %parallel_loop3A_717 = arith.index_cast %parallel_loop3A_302 : i32 to index
        %parallel_loop3A_718 = arith.constant 96 : index
        %parallel_loop3A_719 = tpu.vector_load %arg17[%parallel_loop3A_716, %parallel_loop3A_717, %parallel_loop3A_718] {strides = array<i32>} : memref<2x16x256xf32, #tpu.memory_space<vmem>>, vector<16xf32>,
        tpu.vector_store %arg17[%parallel_loop3A_716, %parallel_loop3A_717, %parallel_loop3A_718], %parallel_loop3A_715 {strides = array<i32>} : memref<2x16x256xf32, #tpu.memory_space<vmem>>, vector<16xf32>,
        %parallel_loop3A_720 = arith.subf %parallel_loop3A_441, %parallel_loop3A_617 : vector<16xf32>
        %parallel_loop3A_721 = arith.mulf %parallel_loop3A_720, %parallel_loop3A_663 : vector<16xf32>
        %parallel_loop3A_722 = arith.mulf %parallel_loop3A_721, %get3A_83 : vector<16xf32>
        %parallel_loop3A_723 = arith.addf %parallel_loop3A_722, %get3A_115 : vector<16xf32>
        %parallel_loop3A_724 = arith.index_cast %select_n3A_185 : i32 to index
        %parallel_loop3A_725 = arith.index_cast %parallel_loop3A_302 : i32 to index
        %parallel_loop3A_726 = arith.constant 112 : index
        %parallel_loop3A_727 = tpu.vector_load %arg17[%parallel_loop3A_724, %parallel_loop3A_725, %parallel_loop3A_726] {strides = array<i32>} : memref<2x16x256xf32, #tpu.memory_space<vmem>>, vector<16xf32>,
        tpu.vector_store %arg17[%parallel_loop3A_724, %parallel_loop3A_725, %parallel_loop3A_726], %parallel_loop3A_723 {strides = array<i32>} : memref<2x16x256xf32, #tpu.memory_space<vmem>>, vector<16xf32>,
        %parallel_loop3A_728 = arith.subf %parallel_loop3A_455, %parallel_loop3A_617 : vector<16xf32>
        %parallel_loop3A_729 = arith.mulf %parallel_loop3A_728, %parallel_loop3A_663 : vector<16xf32>
        %parallel_loop3A_730 = arith.mulf %parallel_loop3A_729, %get3A_85 : vector<16xf32>
        %parallel_loop3A_731 = arith.addf %parallel_loop3A_730, %get3A_117 : vector<16xf32>
        %parallel_loop3A_732 = arith.index_cast %select_n3A_185 : i32 to index
        %parallel_loop3A_733 = arith.index_cast %parallel_loop3A_302 : i32 to index
        %parallel_loop3A_734 = arith.constant 128 : index
        %parallel_loop3A_735 = tpu.vector_load %arg17[%parallel_loop3A_732, %parallel_loop3A_733, %parallel_loop3A_734] {strides = array<i32>} : memref<2x16x256xf32, #tpu.memory_space<vmem>>, vector<16xf32>,
        tpu.vector_store %arg17[%parallel_loop3A_732, %parallel_loop3A_733, %parallel_loop3A_734], %parallel_loop3A_731 {strides = array<i32>} : memref<2x16x256xf32, #tpu.memory_space<vmem>>, vector<16xf32>,
        %parallel_loop3A_736 = arith.subf %parallel_loop3A_469, %parallel_loop3A_617 : vector<16xf32>
        %parallel_loop3A_737 = arith.mulf %parallel_loop3A_736, %parallel_loop3A_663 : vector<16xf32>
        %parallel_loop3A_738 = arith.mulf %parallel_loop3A_737, %get3A_87 : vector<16xf32>
        %parallel_loop3A_739 = arith.addf %parallel_loop3A_738, %get3A_119 : vector<16xf32>
        %parallel_loop3A_740 = arith.index_cast %select_n3A_185 : i32 to index
        %parallel_loop3A_741 = arith.index_cast %parallel_loop3A_302 : i32 to index
        %parallel_loop3A_742 = arith.constant 144 : index
        %parallel_loop3A_743 = tpu.vector_load %arg17[%parallel_loop3A_740, %parallel_loop3A_741, %parallel_loop3A_742] {strides = array<i32>} : memref<2x16x256xf32, #tpu.memory_space<vmem>>, vector<16xf32>,
        tpu.vector_store %arg17[%parallel_loop3A_740, %parallel_loop3A_741, %parallel_loop3A_742], %parallel_loop3A_739 {strides = array<i32>} : memref<2x16x256xf32, #tpu.memory_space<vmem>>, vector<16xf32>,
        %parallel_loop3A_744 = arith.subf %parallel_loop3A_483, %parallel_loop3A_617 : vector<16xf32>
        %parallel_loop3A_745 = arith.mulf %parallel_loop3A_744, %parallel_loop3A_663 : vector<16xf32>
        %parallel_loop3A_746 = arith.mulf %parallel_loop3A_745, %get3A_89 : vector<16xf32>
        %parallel_loop3A_747 = arith.addf %parallel_loop3A_746, %get3A_121 : vector<16xf32>
        %parallel_loop3A_748 = arith.index_cast %select_n3A_185 : i32 to index
        %parallel_loop3A_749 = arith.index_cast %parallel_loop3A_302 : i32 to index
        %parallel_loop3A_750 = arith.constant 160 : index
        %parallel_loop3A_751 = tpu.vector_load %arg17[%parallel_loop3A_748, %parallel_loop3A_749, %parallel_loop3A_750] {strides = array<i32>} : memref<2x16x256xf32, #tpu.memory_space<vmem>>, vector<16xf32>,
        tpu.vector_store %arg17[%parallel_loop3A_748, %parallel_loop3A_749, %parallel_loop3A_750], %parallel_loop3A_747 {strides = array<i32>} : memref<2x16x256xf32, #tpu.memory_space<vmem>>, vector<16xf32>,
        %parallel_loop3A_752 = arith.subf %parallel_loop3A_497, %parallel_loop3A_617 : vector<16xf32>
        %parallel_loop3A_753 = arith.mulf %parallel_loop3A_752, %parallel_loop3A_663 : vector<16xf32>
        %parallel_loop3A_754 = arith.mulf %parallel_loop3A_753, %get3A_91 : vector<16xf32>
        %parallel_loop3A_755 = arith.addf %parallel_loop3A_754, %get3A_123 : vector<16xf32>
        %parallel_loop3A_756 = arith.index_cast %select_n3A_185 : i32 to index
        %parallel_loop3A_757 = arith.index_cast %parallel_loop3A_302 : i32 to index
        %parallel_loop3A_758 = arith.constant 176 : index
        %parallel_loop3A_759 = tpu.vector_load %arg17[%parallel_loop3A_756, %parallel_loop3A_757, %parallel_loop3A_758] {strides = array<i32>} : memref<2x16x256xf32, #tpu.memory_space<vmem>>, vector<16xf32>,
        tpu.vector_store %arg17[%parallel_loop3A_756, %parallel_loop3A_757, %parallel_loop3A_758], %parallel_loop3A_755 {strides = array<i32>} : memref<2x16x256xf32, #tpu.memory_space<vmem>>, vector<16xf32>,
        %parallel_loop3A_760 = arith.subf %parallel_loop3A_511, %parallel_loop3A_617 : vector<16xf32>
        %parallel_loop3A_761 = arith.mulf %parallel_loop3A_760, %parallel_loop3A_663 : vector<16xf32>
        %parallel_loop3A_762 = arith.mulf %parallel_loop3A_761, %get3A_93 : vector<16xf32>
        %parallel_loop3A_763 = arith.addf %parallel_loop3A_762, %get3A_125 : vector<16xf32>
        %parallel_loop3A_764 = arith.index_cast %select_n3A_185 : i32 to index
        %parallel_loop3A_765 = arith.index_cast %parallel_loop3A_302 : i32 to index
        %parallel_loop3A_766 = arith.constant 192 : index
        %parallel_loop3A_767 = tpu.vector_load %arg17[%parallel_loop3A_764, %parallel_loop3A_765, %parallel_loop3A_766] {strides = array<i32>} : memref<2x16x256xf32, #tpu.memory_space<vmem>>, vector<16xf32>,
        tpu.vector_store %arg17[%parallel_loop3A_764, %parallel_loop3A_765, %parallel_loop3A_766], %parallel_loop3A_763 {strides = array<i32>} : memref<2x16x256xf32, #tpu.memory_space<vmem>>, vector<16xf32>,
        %parallel_loop3A_768 = arith.subf %parallel_loop3A_525, %parallel_loop3A_617 : vector<16xf32>
        %parallel_loop3A_769 = arith.mulf %parallel_loop3A_768, %parallel_loop3A_663 : vector<16xf32>
        %parallel_loop3A_770 = arith.mulf %parallel_loop3A_769, %get3A_95 : vector<16xf32>
        %parallel_loop3A_771 = arith.addf %parallel_loop3A_770, %get3A_127 : vector<16xf32>
        %parallel_loop3A_772 = arith.index_cast %select_n3A_185 : i32 to index
        %parallel_loop3A_773 = arith.index_cast %parallel_loop3A_302 : i32 to index
        %parallel_loop3A_774 = arith.constant 208 : index
        %parallel_loop3A_775 = tpu.vector_load %arg17[%parallel_loop3A_772, %parallel_loop3A_773, %parallel_loop3A_774] {strides = array<i32>} : memref<2x16x256xf32, #tpu.memory_space<vmem>>, vector<16xf32>,
        tpu.vector_store %arg17[%parallel_loop3A_772, %parallel_loop3A_773, %parallel_loop3A_774], %parallel_loop3A_771 {strides = array<i32>} : memref<2x16x256xf32, #tpu.memory_space<vmem>>, vector<16xf32>,
        %parallel_loop3A_776 = arith.subf %parallel_loop3A_539, %parallel_loop3A_617 : vector<16xf32>
        %parallel_loop3A_777 = arith.mulf %parallel_loop3A_776, %parallel_loop3A_663 : vector<16xf32>
        %parallel_loop3A_778 = arith.mulf %parallel_loop3A_777, %get3A_97 : vector<16xf32>
        %parallel_loop3A_779 = arith.addf %parallel_loop3A_778, %get3A_129 : vector<16xf32>
        %parallel_loop3A_780 = arith.index_cast %select_n3A_185 : i32 to index
        %parallel_loop3A_781 = arith.index_cast %parallel_loop3A_302 : i32 to index
        %parallel_loop3A_782 = arith.constant 224 : index
        %parallel_loop3A_783 = tpu.vector_load %arg17[%parallel_loop3A_780, %parallel_loop3A_781, %parallel_loop3A_782] {strides = array<i32>} : memref<2x16x256xf32, #tpu.memory_space<vmem>>, vector<16xf32>,
        tpu.vector_store %arg17[%parallel_loop3A_780, %parallel_loop3A_781, %parallel_loop3A_782], %parallel_loop3A_779 {strides = array<i32>} : memref<2x16x256xf32, #tpu.memory_space<vmem>>, vector<16xf32>,
        %parallel_loop3A_784 = arith.subf %parallel_loop3A_553, %parallel_loop3A_617 : vector<16xf32>
        %parallel_loop3A_785 = arith.mulf %parallel_loop3A_784, %parallel_loop3A_663 : vector<16xf32>
        %parallel_loop3A_786 = arith.mulf %parallel_loop3A_785, %get3A_99 : vector<16xf32>
        %parallel_loop3A_787 = arith.addf %parallel_loop3A_786, %get3A_131 : vector<16xf32>
        %parallel_loop3A_788 = arith.index_cast %select_n3A_185 : i32 to index
        %parallel_loop3A_789 = arith.index_cast %parallel_loop3A_302 : i32 to index
        %parallel_loop3A_790 = arith.constant 240 : index
        %parallel_loop3A_791 = tpu.vector_load %arg17[%parallel_loop3A_788, %parallel_loop3A_789, %parallel_loop3A_790] {strides = array<i32>} : memref<2x16x256xf32, #tpu.memory_space<vmem>>, vector<16xf32>,
        tpu.vector_store %arg17[%parallel_loop3A_788, %parallel_loop3A_789, %parallel_loop3A_790], %parallel_loop3A_787 {strides = array<i32>} : memref<2x16x256xf32, #tpu.memory_space<vmem>>, vector<16xf32>,
      } {sc.loop_unroll_factor = 2 : i64, sc.parallel_access}
      %eq3A_292 = arith.constant 0 : i32
      %eq3A_293 = arith.cmpi eq, %select_n3A_185, %eq3A_292 : i32
      %convert_element_type3A_294 = arith.extui %eq3A_293 : i1 to i32
      %cond3A_295 = arith.constant 0 : i32
      %cond3A_296 = arith.cmpi ne, %convert_element_type3A_294, %cond3A_295 : i32
      scf.if %cond3A_296 {
        %dma_start3A = arith.constant 0 : i32
        %dma_start3A_302 = arith.constant 0 : i32
        %dma_start3A_303 = arith.constant 0 : i32
        %dma_start3A_304 = tpu.memref_slice %arg17[%dma_start3A, %dma_start3A_302, %dma_start3A_303] : memref<2x16x256xf32, #tpu.memory_space<vmem>> -> memref<1x16x256xf32, #tpu.memory_space<vmem>>
        %dma_start3A_305 = tpu.memref_squeeze %dma_start3A_304 : memref<1x16x256xf32, #tpu.memory_space<vmem>> -> memref<16x256xf32, #tpu.memory_space<vmem>>
        %dma_start3A_306 = arith.constant 0 : i32
        %dma_start3A_307 = tpu.memref_slice %arg9[%select_n3A, %add3A_188, %dma_start3A_306] : memref<16x2050x256xf32, #tpu.memory_space<hbm>> -> memref<1x16x256xf32, #tpu.memory_space<hbm>>
        %dma_start3A_308 = tpu.memref_squeeze %dma_start3A_307 : memref<1x16x256xf32, #tpu.memory_space<hbm>> -> memref<16x256xf32, #tpu.memory_space<hbm>>
        %dma_start3A_309 = arith.constant 0 : i32
        %dma_start3A_310 = tpu.memref_slice %arg9[%select_n3A, %add3A_188, %dma_start3A_309] : memref<16x2050x256xf32, #tpu.memory_space<hbm>> -> memref<1x16x256xf32, #tpu.memory_space<hbm>>
        %dma_start3A_311 = tpu.memref_squeeze %dma_start3A_310 : memref<1x16x256xf32, #tpu.memory_space<hbm>> -> memref<16x256xf32, #tpu.memory_space<hbm>>
        %dma_start3A_312 = arith.constant 0 : i32
        %dma_start3A_313 = arith.constant 0 : i32
        %dma_start3A_314 = tpu.memref_slice %arg17[%dma_start3A, %dma_start3A_312, %dma_start3A_313] : memref<2x16x256xf32, #tpu.memory_space<vmem>> -> memref<1x16x256xf32, #tpu.memory_space<vmem>>
        %dma_start3A_315 = tpu.memref_squeeze %dma_start3A_314 : memref<1x16x256xf32, #tpu.memory_space<vmem>> -> memref<16x256xf32, #tpu.memory_space<vmem>>
        tpu.enqueue_dma source(%dma_start3A_315 : memref<16x256xf32, #tpu.memory_space<vmem>>) target(%dma_start3A_311 : memref<16x256xf32, #tpu.memory_space<hbm>>) target_semaphore(%arg18 : memref<!tpu.dma_semaphore, #tpu.memory_space<semaphore_mem>>)
      } else {
      }
      %eq3A_297 = arith.constant 1 : i32
      %eq3A_298 = arith.cmpi eq, %select_n3A_185, %eq3A_297 : i32
      %convert_element_type3A_299 = arith.extui %eq3A_298 : i1 to i32
      %cond3A_300 = arith.constant 0 : i32
      %cond3A_301 = arith.cmpi ne, %convert_element_type3A_299, %cond3A_300 : i32
      scf.if %cond3A_301 {
        %dma_start3A = arith.constant 1 : i32
        %dma_start3A_302 = arith.constant 0 : i32
        %dma_start3A_303 = arith.constant 0 : i32
        %dma_start3A_304 = tpu.memref_slice %arg17[%dma_start3A, %dma_start3A_302, %dma_start3A_303] : memref<2x16x256xf32, #tpu.memory_space<vmem>> -> memref<1x16x256xf32, #tpu.memory_space<vmem>>
        %dma_start3A_305 = tpu.memref_squeeze %dma_start3A_304 : memref<1x16x256xf32, #tpu.memory_space<vmem>> -> memref<16x256xf32, #tpu.memory_space<vmem>>
        %dma_start3A_306 = arith.constant 0 : i32
        %dma_start3A_307 = tpu.memref_slice %arg9[%select_n3A, %add3A_188, %dma_start3A_306] : memref<16x2050x256xf32, #tpu.memory_space<hbm>> -> memref<1x16x256xf32, #tpu.memory_space<hbm>>
        %dma_start3A_308 = tpu.memref_squeeze %dma_start3A_307 : memref<1x16x256xf32, #tpu.memory_space<hbm>> -> memref<16x256xf32, #tpu.memory_space<hbm>>
        %dma_start3A_309 = arith.constant 0 : i32
        %dma_start3A_310 = tpu.memref_slice %arg9[%select_n3A, %add3A_188, %dma_start3A_309] : memref<16x2050x256xf32, #tpu.memory_space<hbm>> -> memref<1x16x256xf32, #tpu.memory_space<hbm>>
        %dma_start3A_311 = tpu.memref_squeeze %dma_start3A_310 : memref<1x16x256xf32, #tpu.memory_space<hbm>> -> memref<16x256xf32, #tpu.memory_space<hbm>>
        %dma_start3A_312 = arith.constant 0 : i32
        %dma_start3A_313 = arith.constant 0 : i32
        %dma_start3A_314 = tpu.memref_slice %arg17[%dma_start3A, %dma_start3A_312, %dma_start3A_313] : memref<2x16x256xf32, #tpu.memory_space<vmem>> -> memref<1x16x256xf32, #tpu.memory_space<vmem>>
        %dma_start3A_315 = tpu.memref_squeeze %dma_start3A_314 : memref<1x16x256xf32, #tpu.memory_space<vmem>> -> memref<16x256xf32, #tpu.memory_space<vmem>>
        tpu.enqueue_dma source(%dma_start3A_315 : memref<16x256xf32, #tpu.memory_space<vmem>>) target(%dma_start3A_311 : memref<16x256xf32, #tpu.memory_space<hbm>>) target_semaphore(%arg19 : memref<!tpu.dma_semaphore, #tpu.memory_space<semaphore_mem>>)
      } else {
      }
    }
    %scan3A_136 = arith.constant 64 : i32
    %dma_wait3A = arith.constant 0 : i32
    %dma_wait3A_137 = arith.constant 0 : i32
    %dma_wait3A_138 = arith.constant 0 : i32
    %dma_wait3A_139 = tpu.memref_slice %arg17[%dma_wait3A, %dma_wait3A_137, %dma_wait3A_138] : memref<2x16x256xf32, #tpu.memory_space<vmem>> -> memref<1x16x256xf32, #tpu.memory_space<vmem>>
    %dma_wait3A_140 = tpu.memref_squeeze %dma_wait3A_139 : memref<1x16x256xf32, #tpu.memory_space<vmem>> -> memref<16x256xf32, #tpu.memory_space<vmem>>
    %dma_wait3A_141 = arith.constant 0 : i32
    %dma_wait3A_142 = tpu.memref_slice %arg9[%select_n3A, %mul3A_32, %dma_wait3A_141] : memref<16x2050x256xf32, #tpu.memory_space<hbm>> -> memref<1x16x256xf32, #tpu.memory_space<hbm>>
    %dma_wait3A_143 = tpu.memref_squeeze %dma_wait3A_142 : memref<1x16x256xf32, #tpu.memory_space<hbm>> -> memref<16x256xf32, #tpu.memory_space<hbm>>
    %dma_wait3A_144 = arith.constant 0 : i32
    %dma_wait3A_145 = tpu.memref_slice %arg9[%select_n3A, %mul3A_32, %dma_wait3A_144] : memref<16x2050x256xf32, #tpu.memory_space<hbm>> -> memref<1x16x256xf32, #tpu.memory_space<hbm>>
    %dma_wait3A_146 = tpu.memref_squeeze %dma_wait3A_145 : memref<1x16x256xf32, #tpu.memory_space<hbm>> -> memref<16x256xf32, #tpu.memory_space<hbm>>
    %dma_wait3A_147 = arith.constant 0 : i32
    %dma_wait3A_148 = arith.constant 0 : i32
    %dma_wait3A_149 = tpu.memref_slice %arg17[%dma_wait3A, %dma_wait3A_147, %dma_wait3A_148] : memref<2x16x256xf32, #tpu.memory_space<vmem>> -> memref<1x16x256xf32, #tpu.memory_space<vmem>>
    %dma_wait3A_150 = tpu.memref_squeeze %dma_wait3A_149 : memref<1x16x256xf32, #tpu.memory_space<vmem>> -> memref<16x256xf32, #tpu.memory_space<vmem>>
    tpu.wait_dma2 semaphore(%arg18 : memref<!tpu.dma_semaphore, #tpu.memory_space<semaphore_mem>>) src(%dma_wait3A_150 : memref<16x256xf32, #tpu.memory_space<vmem>>) dst(%dma_wait3A_146 : memref<16x256xf32, #tpu.memory_space<hbm>>)
    %dma_wait3A_151 = arith.constant 1 : i32
    %dma_wait3A_152 = arith.constant 0 : i32
    %dma_wait3A_153 = arith.constant 0 : i32
    %dma_wait3A_154 = tpu.memref_slice %arg17[%dma_wait3A_151, %dma_wait3A_152, %dma_wait3A_153] : memref<2x16x256xf32, #tpu.memory_space<vmem>> -> memref<1x16x256xf32, #tpu.memory_space<vmem>>
    %dma_wait3A_155 = tpu.memref_squeeze %dma_wait3A_154 : memref<1x16x256xf32, #tpu.memory_space<vmem>> -> memref<16x256xf32, #tpu.memory_space<vmem>>
    %dma_wait3A_156 = arith.constant 0 : i32
    %dma_wait3A_157 = tpu.memref_slice %arg9[%select_n3A, %mul3A_32, %dma_wait3A_156] : memref<16x2050x256xf32, #tpu.memory_space<hbm>> -> memref<1x16x256xf32, #tpu.memory_space<hbm>>
    %dma_wait3A_158 = tpu.memref_squeeze %dma_wait3A_157 : memref<1x16x256xf32, #tpu.memory_space<hbm>> -> memref<16x256xf32, #tpu.memory_space<hbm>>
    %dma_wait3A_159 = arith.constant 0 : i32
    %dma_wait3A_160 = tpu.memref_slice %arg9[%select_n3A, %mul3A_32, %dma_wait3A_159] : memref<16x2050x256xf32, #tpu.memory_space<hbm>> -> memref<1x16x256xf32, #tpu.memory_space<hbm>>
    %dma_wait3A_161 = tpu.memref_squeeze %dma_wait3A_160 : memref<1x16x256xf32, #tpu.memory_space<hbm>> -> memref<16x256xf32, #tpu.memory_space<hbm>>
    %dma_wait3A_162 = arith.constant 0 : i32
    %dma_wait3A_163 = arith.constant 0 : i32
    %dma_wait3A_164 = tpu.memref_slice %arg17[%dma_wait3A_151, %dma_wait3A_162, %dma_wait3A_163] : memref<2x16x256xf32, #tpu.memory_space<vmem>> -> memref<1x16x256xf32, #tpu.memory_space<vmem>>
    %dma_wait3A_165 = tpu.memref_squeeze %dma_wait3A_164 : memref<1x16x256xf32, #tpu.memory_space<vmem>> -> memref<16x256xf32, #tpu.memory_space<vmem>>
    tpu.wait_dma2 semaphore(%arg19 : memref<!tpu.dma_semaphore, #tpu.memory_space<semaphore_mem>>) src(%dma_wait3A_165 : memref<16x256xf32, #tpu.memory_space<vmem>>) dst(%dma_wait3A_161 : memref<16x256xf32, #tpu.memory_space<hbm>>)
    %eq3A_166 = arith.constant 1 : i32
    %eq3A_167 = arith.cmpi eq, %select_n3A_30, %eq3A_166 : i32
    %convert_element_type3A = arith.extui %eq3A_167 : i1 to i32
    %cond3A = arith.constant 0 : i32
    %cond3A_168 = arith.cmpi ne, %convert_element_type3A, %cond3A : i32
    scf.if %cond3A_168 {
      %add3A_169 = arith.constant 2048 : i32
      %add3A_170 = vector.broadcast %add3A_169 : i32 to vector<16xi32>
      %add3A_171 = arith.addi %add3A_170, %iota3A : vector<16xi32>
      %le3A = arith.cmpi sle, %add3A_171, %gather3A_67 : vector<16xi32>
      %eq3A_172 = arith.constant 0 : i32
      %eq3A_173 = vector.broadcast %eq3A_172 : i32 to vector<16xi32>
      %eq3A_174 = arith.cmpi eq, %add3A_171, %eq3A_173 : vector<16xi32>
      %add3A_175 = arith.constant 1 : i32
      %add3A_176 = vector.broadcast %add3A_175 : i32 to vector<16xi32>
      %add3A_177 = arith.addi %gather3A_67, %add3A_176 : vector<16xi32>
      %eq3A_178 = arith.cmpi eq, %add3A_171, %add3A_177 : vector<16xi32>
      %or3A = arith.ori %eq3A_174, %eq3A_178 : vector<16xi1>
      %add3A_179 = arith.constant 2048 : i32
      %add3A_180 = arith.constant 6 : i32
      %add3A_181 = arith.addi %add3A_179, %add3A_180 : i32
      %get3A_182 = arith.index_cast %add3A_181 : i32 to index
      %get3A_183 = tpu.vector_load %arg11[%get3A_182] {strides = array<i32>} : memref<2080xi32, #tpu.memory_space<vmem>>, vector<16xi32>,
      %add3A_184 = arith.constant 2048 : i32
      %add3A_185 = arith.constant 6 : i32
      %add3A_186 = arith.addi %add3A_184, %add3A_185 : i32
      %get3A_187 = arith.index_cast %add3A_186 : i32 to index
      %get3A_188 = tpu.vector_load %arg12[%get3A_187] {strides = array<i32>} : memref<2080xi32, #tpu.memory_space<vmem>>, vector<16xi32>,
      %add3A_189 = arith.constant 2048 : i32
      %add3A_190 = arith.constant 6 : i32
      %add3A_191 = arith.addi %add3A_189, %add3A_190 : i32
      %get3A_192 = arith.index_cast %add3A_191 : i32 to index
      %get3A_193 = tpu.vector_load %arg13[%get3A_192] {strides = array<i32>} : memref<2080xi32, #tpu.memory_space<vmem>>, vector<16xi32>,
      %add3A_194 = arith.constant 2048 : i32
      %add3A_195 = arith.constant 7 : i32
      %add3A_196 = arith.addi %add3A_194, %add3A_195 : i32
      %get3A_197 = arith.index_cast %add3A_196 : i32 to index
      %get3A_198 = tpu.vector_load %arg11[%get3A_197] {strides = array<i32>} : memref<2080xi32, #tpu.memory_space<vmem>>, vector<16xi32>,
      %add3A_199 = arith.constant 2048 : i32
      %add3A_200 = arith.constant 7 : i32
      %add3A_201 = arith.addi %add3A_199, %add3A_200 : i32
      %get3A_202 = arith.index_cast %add3A_201 : i32 to index
      %get3A_203 = tpu.vector_load %arg12[%get3A_202] {strides = array<i32>} : memref<2080xi32, #tpu.memory_space<vmem>>, vector<16xi32>,
      %add3A_204 = arith.constant 2048 : i32
      %add3A_205 = arith.constant 7 : i32
      %add3A_206 = arith.addi %add3A_204, %add3A_205 : i32
      %get3A_207 = arith.index_cast %add3A_206 : i32 to index
      %get3A_208 = tpu.vector_load %arg13[%get3A_207] {strides = array<i32>} : memref<2080xi32, #tpu.memory_space<vmem>>, vector<16xi32>,
      %select_n3A_209 = arith.select %le3A, %get3A_198, %get3A_183 : vector<16xi1>, vector<16xi32>
      %select_n3A_210 = arith.select %le3A, %get3A_203, %get3A_188 : vector<16xi1>, vector<16xi32>
      %select_n3A_211 = arith.select %le3A, %get3A_208, %get3A_193 : vector<16xi1>, vector<16xi32>
      %add3A_212 = arith.constant 1 : i32
      %add3A_213 = vector.broadcast %add3A_212 : i32 to vector<16xi32>
      %add3A_214 = arith.addi %select_n3A_209, %add3A_213 : vector<16xi32>
      %jit3A_215 = arith.constant 0 : i32
      %jit3A_216 = arith.constant 41 : i32
      %max3A = vector.broadcast %jit3A_215 : i32 to vector<16xi32>
      %max3A_217 = arith.maxsi %max3A, %add3A_214 : vector<16xi32>
      %min3A = vector.broadcast %jit3A_216 : i32 to vector<16xi32>
      %min3A_218 = arith.minsi %min3A, %max3A_217 : vector<16xi32>
      %jit3A_219 = arith.constant 106 : i32
      %jit3A_220 = arith.constant 107 : i32
      %broadcast_in_dim3A_221 = vector.broadcast %jit3A_219 : i32 to vector<16xi32>
      %broadcast_in_dim3A_222 = vector.broadcast %jit3A_220 : i32 to vector<16xi32>
      %select_n3A_223 = arith.select %eq3A_174, %broadcast_in_dim3A_221, %broadcast_in_dim3A_222 : vector<16xi1>, vector<16xi32>
      %select_n3A_224 = arith.select %or3A, %select_n3A_223, %min3A_218 : vector<16xi1>, vector<16xi32>
      %add3A_225 = arith.constant 1 : i32
      %add3A_226 = vector.broadcast %add3A_225 : i32 to vector<16xi32>
      %add3A_227 = arith.addi %select_n3A_210, %add3A_226 : vector<16xi32>
      %jit3A_228 = arith.constant 0 : i32
      %jit3A_229 = arith.constant 31 : i32
      %max3A_230 = vector.broadcast %jit3A_228 : i32 to vector<16xi32>
      %max3A_231 = arith.maxsi %max3A_230, %add3A_227 : vector<16xi32>
      %min3A_232 = vector.broadcast %jit3A_229 : i32 to vector<16xi32>
      %min3A_233 = arith.minsi %min3A_232, %max3A_231 : vector<16xi32>
      %add3A_234 = arith.constant 42 : i32
      %add3A_235 = vector.broadcast %add3A_234 : i32 to vector<16xi32>
      %add3A_236 = arith.addi %add3A_235, %min3A_233 : vector<16xi32>
      %jit3A_237 = arith.constant 108 : i32
      %broadcast_in_dim3A_238 = vector.broadcast %jit3A_237 : i32 to vector<16xi32>
      %select_n3A_239 = arith.select %or3A, %broadcast_in_dim3A_238, %add3A_236 : vector<16xi1>, vector<16xi32>
      %add3A_240 = arith.constant 1 : i32
      %add3A_241 = vector.broadcast %add3A_240 : i32 to vector<16xi32>
      %add3A_242 = arith.addi %select_n3A_211, %add3A_241 : vector<16xi32>
      %jit3A_243 = arith.constant 0 : i32
      %jit3A_244 = arith.constant 31 : i32
      %max3A_245 = vector.broadcast %jit3A_243 : i32 to vector<16xi32>
      %max3A_246 = arith.maxsi %max3A_245, %add3A_242 : vector<16xi32>
      %min3A_247 = vector.broadcast %jit3A_244 : i32 to vector<16xi32>
      %min3A_248 = arith.minsi %min3A_247, %max3A_246 : vector<16xi32>
      %add3A_249 = arith.constant 74 : i32
      %add3A_250 = vector.broadcast %add3A_249 : i32 to vector<16xi32>
      %add3A_251 = arith.addi %add3A_250, %min3A_248 : vector<16xi32>
      %jit3A_252 = arith.constant 109 : i32
      %broadcast_in_dim3A_253 = vector.broadcast %jit3A_252 : i32 to vector<16xi32>
      %select_n3A_254 = arith.select %or3A, %broadcast_in_dim3A_253, %add3A_251 : vector<16xi1>, vector<16xi32>
      %shift_left3A = arith.constant 7 : i32
      %shift_left3A_255 = vector.broadcast %shift_left3A : i32 to vector<16xi32>
      %shift_left3A_256 = arith.shli %select_n3A_239, %shift_left3A_255 : vector<16xi32>
      %or3A_257 = arith.ori %select_n3A_224, %shift_left3A_256 : vector<16xi32>
      %shift_left3A_258 = arith.constant 14 : i32
      %shift_left3A_259 = vector.broadcast %shift_left3A_258 : i32 to vector<16xi32>
      %shift_left3A_260 = arith.shli %select_n3A_254, %shift_left3A_259 : vector<16xi32>
      %or3A_261 = arith.ori %or3A_257, %shift_left3A_260 : vector<16xi32>
      %parallel_loop3A = arith.constant 0 : i32
      %parallel_loop3A_262 = arith.constant 2 : i32
      %parallel_loop3A_263 = arith.constant 1 : i32
      scf.for %parallel_loop3A_264 = %parallel_loop3A to %parallel_loop3A_262 step %parallel_loop3A_263  : i32 {
        %parallel_loop3A_265 = vector.broadcast %parallel_loop3A_264 : i32 to vector<16xi32>
        %parallel_loop3A_266 = arith.constant 0 : i32
        %parallel_loop3A_267 = vector.broadcast %parallel_loop3A_266 : i32 to vector<16xi32>
        %parallel_loop3A_268 = arith.cmpi slt, %parallel_loop3A_265, %parallel_loop3A_267 : vector<16xi32>
        %parallel_loop3A_269 = arith.constant 16 : i32
        %parallel_loop3A_270 = vector.broadcast %parallel_loop3A_269 : i32 to vector<16xi32>
        %parallel_loop3A_271 = arith.addi %parallel_loop3A_265, %parallel_loop3A_270 : vector<16xi32>
        %parallel_loop3A_272 = arith.select %parallel_loop3A_268, %parallel_loop3A_271, %parallel_loop3A_265 : vector<16xi1>, vector<16xi32>
        %parallel_loop3A_273 = vector.shape_cast %parallel_loop3A_272 : vector<16xi32> to vector<16x1xi32>
        %parallel_loop3A_274 = vector.shape_cast %parallel_loop3A_273 : vector<16x1xi32> to vector<16xi32>
        %parallel_loop3A_275 = tpu.dynamic_gather %or3A_261[%parallel_loop3A_274] in [0] : vector<16xi32>, vector<16xi32> -> vector<16xi32>
        %parallel_loop3A_276 = vector.extract_strided_slice %parallel_loop3A_275 {offsets = [0], sizes = [1], strides = [1]} : vector<16xi32> to vector<1xi32>
        %parallel_loop3A_277 = vector.extract %parallel_loop3A_276[0] : i32 from vector<1xi32>
        %parallel_loop3A_278 = arith.constant 127 : i32
        %parallel_loop3A_279 = arith.andi %parallel_loop3A_277, %parallel_loop3A_278 : i32
        %parallel_loop3A_280 = arith.constant 8 : i32
        %parallel_loop3A_281 = arith.shli %parallel_loop3A_279, %parallel_loop3A_280 : i32
        %parallel_loop3A_282 = arith.constant 7 : i32
        %parallel_loop3A_283 = arith.shrsi %parallel_loop3A_277, %parallel_loop3A_282 : i32
        %parallel_loop3A_284 = arith.constant 127 : i32
        %parallel_loop3A_285 = arith.andi %parallel_loop3A_283, %parallel_loop3A_284 : i32
        %parallel_loop3A_286 = arith.constant 8 : i32
        %parallel_loop3A_287 = arith.shli %parallel_loop3A_285, %parallel_loop3A_286 : i32
        %parallel_loop3A_288 = arith.constant 14 : i32
        %parallel_loop3A_289 = arith.shrsi %parallel_loop3A_277, %parallel_loop3A_288 : i32
        %parallel_loop3A_290 = arith.constant 8 : i32
        %parallel_loop3A_291 = arith.shli %parallel_loop3A_289, %parallel_loop3A_290 : i32
        %parallel_loop3A_292 = arith.constant 0 : i32
        %parallel_loop3A_293 = arith.addi %parallel_loop3A_281, %parallel_loop3A_292 : i32
        %parallel_loop3A_294 = arith.index_cast %parallel_loop3A_293 : i32 to index
        %parallel_loop3A_295 = tpu.vector_load %arg10[%parallel_loop3A_294] {strides = array<i32>} : memref<28672xf32, #tpu.memory_space<vmem>>, vector<16xf32>,
        %parallel_loop3A_296 = arith.constant 0 : i32
        %parallel_loop3A_297 = arith.addi %parallel_loop3A_287, %parallel_loop3A_296 : i32
        %parallel_loop3A_298 = arith.index_cast %parallel_loop3A_297 : i32 to index
        %parallel_loop3A_299 = tpu.vector_load %arg10[%parallel_loop3A_298] {strides = array<i32>} : memref<28672xf32, #tpu.memory_space<vmem>>, vector<16xf32>,
        %parallel_loop3A_300 = arith.constant 0 : i32
        %parallel_loop3A_301 = arith.addi %parallel_loop3A_291, %parallel_loop3A_300 : i32
        %parallel_loop3A_302 = arith.index_cast %parallel_loop3A_301 : i32 to index
        %parallel_loop3A_303 = tpu.vector_load %arg10[%parallel_loop3A_302] {strides = array<i32>} : memref<28672xf32, #tpu.memory_space<vmem>>, vector<16xf32>,
        %parallel_loop3A_304 = arith.addf %parallel_loop3A_295, %parallel_loop3A_299 : vector<16xf32>
        %parallel_loop3A_305 = arith.addf %parallel_loop3A_304, %parallel_loop3A_303 : vector<16xf32>
        %parallel_loop3A_306 = arith.constant 16 : i32
        %parallel_loop3A_307 = arith.addi %parallel_loop3A_281, %parallel_loop3A_306 : i32
        %parallel_loop3A_308 = arith.index_cast %parallel_loop3A_307 : i32 to index
        %parallel_loop3A_309 = tpu.vector_load %arg10[%parallel_loop3A_308] {strides = array<i32>} : memref<28672xf32, #tpu.memory_space<vmem>>, vector<16xf32>,
        %parallel_loop3A_310 = arith.constant 16 : i32
        %parallel_loop3A_311 = arith.addi %parallel_loop3A_287, %parallel_loop3A_310 : i32
        %parallel_loop3A_312 = arith.index_cast %parallel_loop3A_311 : i32 to index
        %parallel_loop3A_313 = tpu.vector_load %arg10[%parallel_loop3A_312] {strides = array<i32>} : memref<28672xf32, #tpu.memory_space<vmem>>, vector<16xf32>,
        %parallel_loop3A_314 = arith.constant 16 : i32
        %parallel_loop3A_315 = arith.addi %parallel_loop3A_291, %parallel_loop3A_314 : i32
        %parallel_loop3A_316 = arith.index_cast %parallel_loop3A_315 : i32 to index
        %parallel_loop3A_317 = tpu.vector_load %arg10[%parallel_loop3A_316] {strides = array<i32>} : memref<28672xf32, #tpu.memory_space<vmem>>, vector<16xf32>,
        %parallel_loop3A_318 = arith.addf %parallel_loop3A_309, %parallel_loop3A_313 : vector<16xf32>
        %parallel_loop3A_319 = arith.addf %parallel_loop3A_318, %parallel_loop3A_317 : vector<16xf32>
        %parallel_loop3A_320 = arith.constant 32 : i32
        %parallel_loop3A_321 = arith.addi %parallel_loop3A_281, %parallel_loop3A_320 : i32
        %parallel_loop3A_322 = arith.index_cast %parallel_loop3A_321 : i32 to index
        %parallel_loop3A_323 = tpu.vector_load %arg10[%parallel_loop3A_322] {strides = array<i32>} : memref<28672xf32, #tpu.memory_space<vmem>>, vector<16xf32>,
        %parallel_loop3A_324 = arith.constant 32 : i32
        %parallel_loop3A_325 = arith.addi %parallel_loop3A_287, %parallel_loop3A_324 : i32
        %parallel_loop3A_326 = arith.index_cast %parallel_loop3A_325 : i32 to index
        %parallel_loop3A_327 = tpu.vector_load %arg10[%parallel_loop3A_326] {strides = array<i32>} : memref<28672xf32, #tpu.memory_space<vmem>>, vector<16xf32>,
        %parallel_loop3A_328 = arith.constant 32 : i32
        %parallel_loop3A_329 = arith.addi %parallel_loop3A_291, %parallel_loop3A_328 : i32
        %parallel_loop3A_330 = arith.index_cast %parallel_loop3A_329 : i32 to index
        %parallel_loop3A_331 = tpu.vector_load %arg10[%parallel_loop3A_330] {strides = array<i32>} : memref<28672xf32, #tpu.memory_space<vmem>>, vector<16xf32>,
        %parallel_loop3A_332 = arith.addf %parallel_loop3A_323, %parallel_loop3A_327 : vector<16xf32>
        %parallel_loop3A_333 = arith.addf %parallel_loop3A_332, %parallel_loop3A_331 : vector<16xf32>
        %parallel_loop3A_334 = arith.constant 48 : i32
        %parallel_loop3A_335 = arith.addi %parallel_loop3A_281, %parallel_loop3A_334 : i32
        %parallel_loop3A_336 = arith.index_cast %parallel_loop3A_335 : i32 to index
        %parallel_loop3A_337 = tpu.vector_load %arg10[%parallel_loop3A_336] {strides = array<i32>} : memref<28672xf32, #tpu.memory_space<vmem>>, vector<16xf32>,
        %parallel_loop3A_338 = arith.constant 48 : i32
        %parallel_loop3A_339 = arith.addi %parallel_loop3A_287, %parallel_loop3A_338 : i32
        %parallel_loop3A_340 = arith.index_cast %parallel_loop3A_339 : i32 to index
        %parallel_loop3A_341 = tpu.vector_load %arg10[%parallel_loop3A_340] {strides = array<i32>} : memref<28672xf32, #tpu.memory_space<vmem>>, vector<16xf32>,
        %parallel_loop3A_342 = arith.constant 48 : i32
        %parallel_loop3A_343 = arith.addi %parallel_loop3A_291, %parallel_loop3A_342 : i32
        %parallel_loop3A_344 = arith.index_cast %parallel_loop3A_343 : i32 to index
        %parallel_loop3A_345 = tpu.vector_load %arg10[%parallel_loop3A_344] {strides = array<i32>} : memref<28672xf32, #tpu.memory_space<vmem>>, vector<16xf32>,
        %parallel_loop3A_346 = arith.addf %parallel_loop3A_337, %parallel_loop3A_341 : vector<16xf32>
        %parallel_loop3A_347 = arith.addf %parallel_loop3A_346, %parallel_loop3A_345 : vector<16xf32>
        %parallel_loop3A_348 = arith.constant 64 : i32
        %parallel_loop3A_349 = arith.addi %parallel_loop3A_281, %parallel_loop3A_348 : i32
        %parallel_loop3A_350 = arith.index_cast %parallel_loop3A_349 : i32 to index
        %parallel_loop3A_351 = tpu.vector_load %arg10[%parallel_loop3A_350] {strides = array<i32>} : memref<28672xf32, #tpu.memory_space<vmem>>, vector<16xf32>,
        %parallel_loop3A_352 = arith.constant 64 : i32
        %parallel_loop3A_353 = arith.addi %parallel_loop3A_287, %parallel_loop3A_352 : i32
        %parallel_loop3A_354 = arith.index_cast %parallel_loop3A_353 : i32 to index
        %parallel_loop3A_355 = tpu.vector_load %arg10[%parallel_loop3A_354] {strides = array<i32>} : memref<28672xf32, #tpu.memory_space<vmem>>, vector<16xf32>,
        %parallel_loop3A_356 = arith.constant 64 : i32
        %parallel_loop3A_357 = arith.addi %parallel_loop3A_291, %parallel_loop3A_356 : i32
        %parallel_loop3A_358 = arith.index_cast %parallel_loop3A_357 : i32 to index
        %parallel_loop3A_359 = tpu.vector_load %arg10[%parallel_loop3A_358] {strides = array<i32>} : memref<28672xf32, #tpu.memory_space<vmem>>, vector<16xf32>,
        %parallel_loop3A_360 = arith.addf %parallel_loop3A_351, %parallel_loop3A_355 : vector<16xf32>
        %parallel_loop3A_361 = arith.addf %parallel_loop3A_360, %parallel_loop3A_359 : vector<16xf32>
        %parallel_loop3A_362 = arith.constant 80 : i32
        %parallel_loop3A_363 = arith.addi %parallel_loop3A_281, %parallel_loop3A_362 : i32
        %parallel_loop3A_364 = arith.index_cast %parallel_loop3A_363 : i32 to index
        %parallel_loop3A_365 = tpu.vector_load %arg10[%parallel_loop3A_364] {strides = array<i32>} : memref<28672xf32, #tpu.memory_space<vmem>>, vector<16xf32>,
        %parallel_loop3A_366 = arith.constant 80 : i32
        %parallel_loop3A_367 = arith.addi %parallel_loop3A_287, %parallel_loop3A_366 : i32
        %parallel_loop3A_368 = arith.index_cast %parallel_loop3A_367 : i32 to index
        %parallel_loop3A_369 = tpu.vector_load %arg10[%parallel_loop3A_368] {strides = array<i32>} : memref<28672xf32, #tpu.memory_space<vmem>>, vector<16xf32>,
        %parallel_loop3A_370 = arith.constant 80 : i32
        %parallel_loop3A_371 = arith.addi %parallel_loop3A_291, %parallel_loop3A_370 : i32
        %parallel_loop3A_372 = arith.index_cast %parallel_loop3A_371 : i32 to index
        %parallel_loop3A_373 = tpu.vector_load %arg10[%parallel_loop3A_372] {strides = array<i32>} : memref<28672xf32, #tpu.memory_space<vmem>>, vector<16xf32>,
        %parallel_loop3A_374 = arith.addf %parallel_loop3A_365, %parallel_loop3A_369 : vector<16xf32>
        %parallel_loop3A_375 = arith.addf %parallel_loop3A_374, %parallel_loop3A_373 : vector<16xf32>
        %parallel_loop3A_376 = arith.constant 96 : i32
        %parallel_loop3A_377 = arith.addi %parallel_loop3A_281, %parallel_loop3A_376 : i32
        %parallel_loop3A_378 = arith.index_cast %parallel_loop3A_377 : i32 to index
        %parallel_loop3A_379 = tpu.vector_load %arg10[%parallel_loop3A_378] {strides = array<i32>} : memref<28672xf32, #tpu.memory_space<vmem>>, vector<16xf32>,
        %parallel_loop3A_380 = arith.constant 96 : i32
        %parallel_loop3A_381 = arith.addi %parallel_loop3A_287, %parallel_loop3A_380 : i32
        %parallel_loop3A_382 = arith.index_cast %parallel_loop3A_381 : i32 to index
        %parallel_loop3A_383 = tpu.vector_load %arg10[%parallel_loop3A_382] {strides = array<i32>} : memref<28672xf32, #tpu.memory_space<vmem>>, vector<16xf32>,
        %parallel_loop3A_384 = arith.constant 96 : i32
        %parallel_loop3A_385 = arith.addi %parallel_loop3A_291, %parallel_loop3A_384 : i32
        %parallel_loop3A_386 = arith.index_cast %parallel_loop3A_385 : i32 to index
        %parallel_loop3A_387 = tpu.vector_load %arg10[%parallel_loop3A_386] {strides = array<i32>} : memref<28672xf32, #tpu.memory_space<vmem>>, vector<16xf32>,
        %parallel_loop3A_388 = arith.addf %parallel_loop3A_379, %parallel_loop3A_383 : vector<16xf32>
        %parallel_loop3A_389 = arith.addf %parallel_loop3A_388, %parallel_loop3A_387 : vector<16xf32>
        %parallel_loop3A_390 = arith.constant 112 : i32
        %parallel_loop3A_391 = arith.addi %parallel_loop3A_281, %parallel_loop3A_390 : i32
        %parallel_loop3A_392 = arith.index_cast %parallel_loop3A_391 : i32 to index
        %parallel_loop3A_393 = tpu.vector_load %arg10[%parallel_loop3A_392] {strides = array<i32>} : memref<28672xf32, #tpu.memory_space<vmem>>, vector<16xf32>,
        %parallel_loop3A_394 = arith.constant 112 : i32
        %parallel_loop3A_395 = arith.addi %parallel_loop3A_287, %parallel_loop3A_394 : i32
        %parallel_loop3A_396 = arith.index_cast %parallel_loop3A_395 : i32 to index
        %parallel_loop3A_397 = tpu.vector_load %arg10[%parallel_loop3A_396] {strides = array<i32>} : memref<28672xf32, #tpu.memory_space<vmem>>, vector<16xf32>,
        %parallel_loop3A_398 = arith.constant 112 : i32
        %parallel_loop3A_399 = arith.addi %parallel_loop3A_291, %parallel_loop3A_398 : i32
        %parallel_loop3A_400 = arith.index_cast %parallel_loop3A_399 : i32 to index
        %parallel_loop3A_401 = tpu.vector_load %arg10[%parallel_loop3A_400] {strides = array<i32>} : memref<28672xf32, #tpu.memory_space<vmem>>, vector<16xf32>,
        %parallel_loop3A_402 = arith.addf %parallel_loop3A_393, %parallel_loop3A_397 : vector<16xf32>
        %parallel_loop3A_403 = arith.addf %parallel_loop3A_402, %parallel_loop3A_401 : vector<16xf32>
        %parallel_loop3A_404 = arith.constant 128 : i32
        %parallel_loop3A_405 = arith.addi %parallel_loop3A_281, %parallel_loop3A_404 : i32
        %parallel_loop3A_406 = arith.index_cast %parallel_loop3A_405 : i32 to index
        %parallel_loop3A_407 = tpu.vector_load %arg10[%parallel_loop3A_406] {strides = array<i32>} : memref<28672xf32, #tpu.memory_space<vmem>>, vector<16xf32>,
        %parallel_loop3A_408 = arith.constant 128 : i32
        %parallel_loop3A_409 = arith.addi %parallel_loop3A_287, %parallel_loop3A_408 : i32
        %parallel_loop3A_410 = arith.index_cast %parallel_loop3A_409 : i32 to index
        %parallel_loop3A_411 = tpu.vector_load %arg10[%parallel_loop3A_410] {strides = array<i32>} : memref<28672xf32, #tpu.memory_space<vmem>>, vector<16xf32>,
        %parallel_loop3A_412 = arith.constant 128 : i32
        %parallel_loop3A_413 = arith.addi %parallel_loop3A_291, %parallel_loop3A_412 : i32
        %parallel_loop3A_414 = arith.index_cast %parallel_loop3A_413 : i32 to index
        %parallel_loop3A_415 = tpu.vector_load %arg10[%parallel_loop3A_414] {strides = array<i32>} : memref<28672xf32, #tpu.memory_space<vmem>>, vector<16xf32>,
        %parallel_loop3A_416 = arith.addf %parallel_loop3A_407, %parallel_loop3A_411 : vector<16xf32>
        %parallel_loop3A_417 = arith.addf %parallel_loop3A_416, %parallel_loop3A_415 : vector<16xf32>
        %parallel_loop3A_418 = arith.constant 144 : i32
        %parallel_loop3A_419 = arith.addi %parallel_loop3A_281, %parallel_loop3A_418 : i32
        %parallel_loop3A_420 = arith.index_cast %parallel_loop3A_419 : i32 to index
        %parallel_loop3A_421 = tpu.vector_load %arg10[%parallel_loop3A_420] {strides = array<i32>} : memref<28672xf32, #tpu.memory_space<vmem>>, vector<16xf32>,
        %parallel_loop3A_422 = arith.constant 144 : i32
        %parallel_loop3A_423 = arith.addi %parallel_loop3A_287, %parallel_loop3A_422 : i32
        %parallel_loop3A_424 = arith.index_cast %parallel_loop3A_423 : i32 to index
        %parallel_loop3A_425 = tpu.vector_load %arg10[%parallel_loop3A_424] {strides = array<i32>} : memref<28672xf32, #tpu.memory_space<vmem>>, vector<16xf32>,
        %parallel_loop3A_426 = arith.constant 144 : i32
        %parallel_loop3A_427 = arith.addi %parallel_loop3A_291, %parallel_loop3A_426 : i32
        %parallel_loop3A_428 = arith.index_cast %parallel_loop3A_427 : i32 to index
        %parallel_loop3A_429 = tpu.vector_load %arg10[%parallel_loop3A_428] {strides = array<i32>} : memref<28672xf32, #tpu.memory_space<vmem>>, vector<16xf32>,
        %parallel_loop3A_430 = arith.addf %parallel_loop3A_421, %parallel_loop3A_425 : vector<16xf32>
        %parallel_loop3A_431 = arith.addf %parallel_loop3A_430, %parallel_loop3A_429 : vector<16xf32>
        %parallel_loop3A_432 = arith.constant 160 : i32
        %parallel_loop3A_433 = arith.addi %parallel_loop3A_281, %parallel_loop3A_432 : i32
        %parallel_loop3A_434 = arith.index_cast %parallel_loop3A_433 : i32 to index
        %parallel_loop3A_435 = tpu.vector_load %arg10[%parallel_loop3A_434] {strides = array<i32>} : memref<28672xf32, #tpu.memory_space<vmem>>, vector<16xf32>,
        %parallel_loop3A_436 = arith.constant 160 : i32
        %parallel_loop3A_437 = arith.addi %parallel_loop3A_287, %parallel_loop3A_436 : i32
        %parallel_loop3A_438 = arith.index_cast %parallel_loop3A_437 : i32 to index
        %parallel_loop3A_439 = tpu.vector_load %arg10[%parallel_loop3A_438] {strides = array<i32>} : memref<28672xf32, #tpu.memory_space<vmem>>, vector<16xf32>,
        %parallel_loop3A_440 = arith.constant 160 : i32
        %parallel_loop3A_441 = arith.addi %parallel_loop3A_291, %parallel_loop3A_440 : i32
        %parallel_loop3A_442 = arith.index_cast %parallel_loop3A_441 : i32 to index
        %parallel_loop3A_443 = tpu.vector_load %arg10[%parallel_loop3A_442] {strides = array<i32>} : memref<28672xf32, #tpu.memory_space<vmem>>, vector<16xf32>,
        %parallel_loop3A_444 = arith.addf %parallel_loop3A_435, %parallel_loop3A_439 : vector<16xf32>
        %parallel_loop3A_445 = arith.addf %parallel_loop3A_444, %parallel_loop3A_443 : vector<16xf32>
        %parallel_loop3A_446 = arith.constant 176 : i32
        %parallel_loop3A_447 = arith.addi %parallel_loop3A_281, %parallel_loop3A_446 : i32
        %parallel_loop3A_448 = arith.index_cast %parallel_loop3A_447 : i32 to index
        %parallel_loop3A_449 = tpu.vector_load %arg10[%parallel_loop3A_448] {strides = array<i32>} : memref<28672xf32, #tpu.memory_space<vmem>>, vector<16xf32>,
        %parallel_loop3A_450 = arith.constant 176 : i32
        %parallel_loop3A_451 = arith.addi %parallel_loop3A_287, %parallel_loop3A_450 : i32
        %parallel_loop3A_452 = arith.index_cast %parallel_loop3A_451 : i32 to index
        %parallel_loop3A_453 = tpu.vector_load %arg10[%parallel_loop3A_452] {strides = array<i32>} : memref<28672xf32, #tpu.memory_space<vmem>>, vector<16xf32>,
        %parallel_loop3A_454 = arith.constant 176 : i32
        %parallel_loop3A_455 = arith.addi %parallel_loop3A_291, %parallel_loop3A_454 : i32
        %parallel_loop3A_456 = arith.index_cast %parallel_loop3A_455 : i32 to index
        %parallel_loop3A_457 = tpu.vector_load %arg10[%parallel_loop3A_456] {strides = array<i32>} : memref<28672xf32, #tpu.memory_space<vmem>>, vector<16xf32>,
        %parallel_loop3A_458 = arith.addf %parallel_loop3A_449, %parallel_loop3A_453 : vector<16xf32>
        %parallel_loop3A_459 = arith.addf %parallel_loop3A_458, %parallel_loop3A_457 : vector<16xf32>
        %parallel_loop3A_460 = arith.constant 192 : i32
        %parallel_loop3A_461 = arith.addi %parallel_loop3A_281, %parallel_loop3A_460 : i32
        %parallel_loop3A_462 = arith.index_cast %parallel_loop3A_461 : i32 to index
        %parallel_loop3A_463 = tpu.vector_load %arg10[%parallel_loop3A_462] {strides = array<i32>} : memref<28672xf32, #tpu.memory_space<vmem>>, vector<16xf32>,
        %parallel_loop3A_464 = arith.constant 192 : i32
        %parallel_loop3A_465 = arith.addi %parallel_loop3A_287, %parallel_loop3A_464 : i32
        %parallel_loop3A_466 = arith.index_cast %parallel_loop3A_465 : i32 to index
        %parallel_loop3A_467 = tpu.vector_load %arg10[%parallel_loop3A_466] {strides = array<i32>} : memref<28672xf32, #tpu.memory_space<vmem>>, vector<16xf32>,
        %parallel_loop3A_468 = arith.constant 192 : i32
        %parallel_loop3A_469 = arith.addi %parallel_loop3A_291, %parallel_loop3A_468 : i32
        %parallel_loop3A_470 = arith.index_cast %parallel_loop3A_469 : i32 to index
        %parallel_loop3A_471 = tpu.vector_load %arg10[%parallel_loop3A_470] {strides = array<i32>} : memref<28672xf32, #tpu.memory_space<vmem>>, vector<16xf32>,
        %parallel_loop3A_472 = arith.addf %parallel_loop3A_463, %parallel_loop3A_467 : vector<16xf32>
        %parallel_loop3A_473 = arith.addf %parallel_loop3A_472, %parallel_loop3A_471 : vector<16xf32>
        %parallel_loop3A_474 = arith.constant 208 : i32
        %parallel_loop3A_475 = arith.addi %parallel_loop3A_281, %parallel_loop3A_474 : i32
        %parallel_loop3A_476 = arith.index_cast %parallel_loop3A_475 : i32 to index
        %parallel_loop3A_477 = tpu.vector_load %arg10[%parallel_loop3A_476] {strides = array<i32>} : memref<28672xf32, #tpu.memory_space<vmem>>, vector<16xf32>,
        %parallel_loop3A_478 = arith.constant 208 : i32
        %parallel_loop3A_479 = arith.addi %parallel_loop3A_287, %parallel_loop3A_478 : i32
        %parallel_loop3A_480 = arith.index_cast %parallel_loop3A_479 : i32 to index
        %parallel_loop3A_481 = tpu.vector_load %arg10[%parallel_loop3A_480] {strides = array<i32>} : memref<28672xf32, #tpu.memory_space<vmem>>, vector<16xf32>,
        %parallel_loop3A_482 = arith.constant 208 : i32
        %parallel_loop3A_483 = arith.addi %parallel_loop3A_291, %parallel_loop3A_482 : i32
        %parallel_loop3A_484 = arith.index_cast %parallel_loop3A_483 : i32 to index
        %parallel_loop3A_485 = tpu.vector_load %arg10[%parallel_loop3A_484] {strides = array<i32>} : memref<28672xf32, #tpu.memory_space<vmem>>, vector<16xf32>,
        %parallel_loop3A_486 = arith.addf %parallel_loop3A_477, %parallel_loop3A_481 : vector<16xf32>
        %parallel_loop3A_487 = arith.addf %parallel_loop3A_486, %parallel_loop3A_485 : vector<16xf32>
        %parallel_loop3A_488 = arith.constant 224 : i32
        %parallel_loop3A_489 = arith.addi %parallel_loop3A_281, %parallel_loop3A_488 : i32
        %parallel_loop3A_490 = arith.index_cast %parallel_loop3A_489 : i32 to index
        %parallel_loop3A_491 = tpu.vector_load %arg10[%parallel_loop3A_490] {strides = array<i32>} : memref<28672xf32, #tpu.memory_space<vmem>>, vector<16xf32>,
        %parallel_loop3A_492 = arith.constant 224 : i32
        %parallel_loop3A_493 = arith.addi %parallel_loop3A_287, %parallel_loop3A_492 : i32
        %parallel_loop3A_494 = arith.index_cast %parallel_loop3A_493 : i32 to index
        %parallel_loop3A_495 = tpu.vector_load %arg10[%parallel_loop3A_494] {strides = array<i32>} : memref<28672xf32, #tpu.memory_space<vmem>>, vector<16xf32>,
        %parallel_loop3A_496 = arith.constant 224 : i32
        %parallel_loop3A_497 = arith.addi %parallel_loop3A_291, %parallel_loop3A_496 : i32
        %parallel_loop3A_498 = arith.index_cast %parallel_loop3A_497 : i32 to index
        %parallel_loop3A_499 = tpu.vector_load %arg10[%parallel_loop3A_498] {strides = array<i32>} : memref<28672xf32, #tpu.memory_space<vmem>>, vector<16xf32>,
        %parallel_loop3A_500 = arith.addf %parallel_loop3A_491, %parallel_loop3A_495 : vector<16xf32>
        %parallel_loop3A_501 = arith.addf %parallel_loop3A_500, %parallel_loop3A_499 : vector<16xf32>
        %parallel_loop3A_502 = arith.constant 240 : i32
        %parallel_loop3A_503 = arith.addi %parallel_loop3A_281, %parallel_loop3A_502 : i32
        %parallel_loop3A_504 = arith.index_cast %parallel_loop3A_503 : i32 to index
        %parallel_loop3A_505 = tpu.vector_load %arg10[%parallel_loop3A_504] {strides = array<i32>} : memref<28672xf32, #tpu.memory_space<vmem>>, vector<16xf32>,
        %parallel_loop3A_506 = arith.constant 240 : i32
        %parallel_loop3A_507 = arith.addi %parallel_loop3A_287, %parallel_loop3A_506 : i32
        %parallel_loop3A_508 = arith.index_cast %parallel_loop3A_507 : i32 to index
        %parallel_loop3A_509 = tpu.vector_load %arg10[%parallel_loop3A_508] {strides = array<i32>} : memref<28672xf32, #tpu.memory_space<vmem>>, vector<16xf32>,
        %parallel_loop3A_510 = arith.constant 240 : i32
        %parallel_loop3A_511 = arith.addi %parallel_loop3A_291, %parallel_loop3A_510 : i32
        %parallel_loop3A_512 = arith.index_cast %parallel_loop3A_511 : i32 to index
        %parallel_loop3A_513 = tpu.vector_load %arg10[%parallel_loop3A_512] {strides = array<i32>} : memref<28672xf32, #tpu.memory_space<vmem>>, vector<16xf32>,
        %parallel_loop3A_514 = arith.addf %parallel_loop3A_505, %parallel_loop3A_509 : vector<16xf32>
        %parallel_loop3A_515 = arith.addf %parallel_loop3A_514, %parallel_loop3A_513 : vector<16xf32>
        %parallel_loop3A_516 = arith.mulf %parallel_loop3A_305, %parallel_loop3A_305 : vector<16xf32>
        %parallel_loop3A_517 = arith.mulf %parallel_loop3A_319, %parallel_loop3A_319 : vector<16xf32>
        %parallel_loop3A_518 = arith.mulf %parallel_loop3A_333, %parallel_loop3A_333 : vector<16xf32>
        %parallel_loop3A_519 = arith.mulf %parallel_loop3A_347, %parallel_loop3A_347 : vector<16xf32>
        %parallel_loop3A_520 = arith.mulf %parallel_loop3A_361, %parallel_loop3A_361 : vector<16xf32>
        %parallel_loop3A_521 = arith.mulf %parallel_loop3A_375, %parallel_loop3A_375 : vector<16xf32>
        %parallel_loop3A_522 = arith.mulf %parallel_loop3A_389, %parallel_loop3A_389 : vector<16xf32>
        %parallel_loop3A_523 = arith.mulf %parallel_loop3A_403, %parallel_loop3A_403 : vector<16xf32>
        %parallel_loop3A_524 = arith.mulf %parallel_loop3A_417, %parallel_loop3A_417 : vector<16xf32>
        %parallel_loop3A_525 = arith.mulf %parallel_loop3A_431, %parallel_loop3A_431 : vector<16xf32>
        %parallel_loop3A_526 = arith.mulf %parallel_loop3A_445, %parallel_loop3A_445 : vector<16xf32>
        %parallel_loop3A_527 = arith.mulf %parallel_loop3A_459, %parallel_loop3A_459 : vector<16xf32>
        %parallel_loop3A_528 = arith.mulf %parallel_loop3A_473, %parallel_loop3A_473 : vector<16xf32>
        %parallel_loop3A_529 = arith.mulf %parallel_loop3A_487, %parallel_loop3A_487 : vector<16xf32>
        %parallel_loop3A_530 = arith.mulf %parallel_loop3A_501, %parallel_loop3A_501 : vector<16xf32>
        %parallel_loop3A_531 = arith.mulf %parallel_loop3A_515, %parallel_loop3A_515 : vector<16xf32>
        %parallel_loop3A_532 = arith.addf %parallel_loop3A_305, %parallel_loop3A_319 : vector<16xf32>
        %parallel_loop3A_533 = arith.addf %parallel_loop3A_333, %parallel_loop3A_347 : vector<16xf32>
        %parallel_loop3A_534 = arith.addf %parallel_loop3A_361, %parallel_loop3A_375 : vector<16xf32>
        %parallel_loop3A_535 = arith.addf %parallel_loop3A_389, %parallel_loop3A_403 : vector<16xf32>
        %parallel_loop3A_536 = arith.addf %parallel_loop3A_417, %parallel_loop3A_431 : vector<16xf32>
        %parallel_loop3A_537 = arith.addf %parallel_loop3A_445, %parallel_loop3A_459 : vector<16xf32>
        %parallel_loop3A_538 = arith.addf %parallel_loop3A_473, %parallel_loop3A_487 : vector<16xf32>
        %parallel_loop3A_539 = arith.addf %parallel_loop3A_501, %parallel_loop3A_515 : vector<16xf32>
        %parallel_loop3A_540 = arith.addf %parallel_loop3A_532, %parallel_loop3A_533 : vector<16xf32>
        %parallel_loop3A_541 = arith.addf %parallel_loop3A_534, %parallel_loop3A_535 : vector<16xf32>
        %parallel_loop3A_542 = arith.addf %parallel_loop3A_536, %parallel_loop3A_537 : vector<16xf32>
        %parallel_loop3A_543 = arith.addf %parallel_loop3A_538, %parallel_loop3A_539 : vector<16xf32>
        %parallel_loop3A_544 = arith.addf %parallel_loop3A_540, %parallel_loop3A_541 : vector<16xf32>
        %parallel_loop3A_545 = arith.addf %parallel_loop3A_542, %parallel_loop3A_543 : vector<16xf32>
        %parallel_loop3A_546 = arith.addf %parallel_loop3A_544, %parallel_loop3A_545 : vector<16xf32>
        %parallel_loop3A_547 = arith.addf %parallel_loop3A_516, %parallel_loop3A_517 : vector<16xf32>
        %parallel_loop3A_548 = arith.addf %parallel_loop3A_518, %parallel_loop3A_519 : vector<16xf32>
        %parallel_loop3A_549 = arith.addf %parallel_loop3A_520, %parallel_loop3A_521 : vector<16xf32>
        %parallel_loop3A_550 = arith.addf %parallel_loop3A_522, %parallel_loop3A_523 : vector<16xf32>
        %parallel_loop3A_551 = arith.addf %parallel_loop3A_524, %parallel_loop3A_525 : vector<16xf32>
        %parallel_loop3A_552 = arith.addf %parallel_loop3A_526, %parallel_loop3A_527 : vector<16xf32>
        %parallel_loop3A_553 = arith.addf %parallel_loop3A_528, %parallel_loop3A_529 : vector<16xf32>
        %parallel_loop3A_554 = arith.addf %parallel_loop3A_530, %parallel_loop3A_531 : vector<16xf32>
        %parallel_loop3A_555 = arith.addf %parallel_loop3A_547, %parallel_loop3A_548 : vector<16xf32>
        %parallel_loop3A_556 = arith.addf %parallel_loop3A_549, %parallel_loop3A_550 : vector<16xf32>
        %parallel_loop3A_557 = arith.addf %parallel_loop3A_551, %parallel_loop3A_552 : vector<16xf32>
        %parallel_loop3A_558 = arith.addf %parallel_loop3A_553, %parallel_loop3A_554 : vector<16xf32>
        %parallel_loop3A_559 = arith.addf %parallel_loop3A_555, %parallel_loop3A_556 : vector<16xf32>
        %parallel_loop3A_560 = arith.addf %parallel_loop3A_557, %parallel_loop3A_558 : vector<16xf32>
        %parallel_loop3A_561 = arith.addf %parallel_loop3A_559, %parallel_loop3A_560 : vector<16xf32>
        %parallel_loop3A_562 = arith.constant true
        %parallel_loop3A_563 = vector.broadcast %parallel_loop3A_562 : i1 to vector<16xi1>
        %parallel_loop3A_564 = tpu.scan <sum>, %parallel_loop3A_546 masked %parallel_loop3A_563 : vector<16xf32>, vector<16xi1> -> vector<16xf32>
        %parallel_loop3A_565 = arith.constant 15 : i32
        %parallel_loop3A_566 = vector.broadcast %parallel_loop3A_565 : i32 to vector<16xi32>
        %parallel_loop3A_567 = arith.constant 0 : i32
        %parallel_loop3A_568 = vector.broadcast %parallel_loop3A_567 : i32 to vector<16xi32>
        %parallel_loop3A_569 = arith.cmpi slt, %parallel_loop3A_566, %parallel_loop3A_568 : vector<16xi32>
        %parallel_loop3A_570 = arith.constant 16 : i32
        %parallel_loop3A_571 = vector.broadcast %parallel_loop3A_570 : i32 to vector<16xi32>
        %parallel_loop3A_572 = arith.addi %parallel_loop3A_566, %parallel_loop3A_571 : vector<16xi32>
        %parallel_loop3A_573 = arith.select %parallel_loop3A_569, %parallel_loop3A_572, %parallel_loop3A_566 : vector<16xi1>, vector<16xi32>
        %parallel_loop3A_574 = vector.shape_cast %parallel_loop3A_573 : vector<16xi32> to vector<16x1xi32>
        %parallel_loop3A_575 = vector.shape_cast %parallel_loop3A_574 : vector<16x1xi32> to vector<16xi32>
        %parallel_loop3A_576 = tpu.dynamic_gather %parallel_loop3A_564[%parallel_loop3A_575] in [0] : vector<16xf32>, vector<16xi32> -> vector<16xf32>
        %parallel_loop3A_577 = arith.constant 3.906250e-03 : f32
        %parallel_loop3A_578 = vector.broadcast %parallel_loop3A_577 : f32 to vector<16xf32>
        %parallel_loop3A_579 = arith.mulf %parallel_loop3A_576, %parallel_loop3A_578 : vector<16xf32>
        %parallel_loop3A_580 = arith.constant true
        %parallel_loop3A_581 = vector.broadcast %parallel_loop3A_580 : i1 to vector<16xi1>
        %parallel_loop3A_582 = tpu.scan <sum>, %parallel_loop3A_561 masked %parallel_loop3A_581 : vector<16xf32>, vector<16xi1> -> vector<16xf32>
        %parallel_loop3A_583 = arith.constant 15 : i32
        %parallel_loop3A_584 = vector.broadcast %parallel_loop3A_583 : i32 to vector<16xi32>
        %parallel_loop3A_585 = arith.constant 0 : i32
        %parallel_loop3A_586 = vector.broadcast %parallel_loop3A_585 : i32 to vector<16xi32>
        %parallel_loop3A_587 = arith.cmpi slt, %parallel_loop3A_584, %parallel_loop3A_586 : vector<16xi32>
        %parallel_loop3A_588 = arith.constant 16 : i32
        %parallel_loop3A_589 = vector.broadcast %parallel_loop3A_588 : i32 to vector<16xi32>
        %parallel_loop3A_590 = arith.addi %parallel_loop3A_584, %parallel_loop3A_589 : vector<16xi32>
        %parallel_loop3A_591 = arith.select %parallel_loop3A_587, %parallel_loop3A_590, %parallel_loop3A_584 : vector<16xi1>, vector<16xi32>
        %parallel_loop3A_592 = vector.shape_cast %parallel_loop3A_591 : vector<16xi32> to vector<16x1xi32>
        %parallel_loop3A_593 = vector.shape_cast %parallel_loop3A_592 : vector<16x1xi32> to vector<16xi32>
        %parallel_loop3A_594 = tpu.dynamic_gather %parallel_loop3A_582[%parallel_loop3A_593] in [0] : vector<16xf32>, vector<16xi32> -> vector<16xf32>
        %parallel_loop3A_595 = arith.constant 3.906250e-03 : f32
        %parallel_loop3A_596 = vector.broadcast %parallel_loop3A_595 : f32 to vector<16xf32>
        %parallel_loop3A_597 = arith.mulf %parallel_loop3A_594, %parallel_loop3A_596 : vector<16xf32>
        %parallel_loop3A_598 = arith.mulf %parallel_loop3A_579, %parallel_loop3A_579 : vector<16xf32>
        %parallel_loop3A_599 = arith.subf %parallel_loop3A_597, %parallel_loop3A_598 : vector<16xf32>
        %parallel_loop3A_600 = arith.constant 9.99999974E-6 : f32
        %parallel_loop3A_601 = vector.broadcast %parallel_loop3A_600 : f32 to vector<16xf32>
        %parallel_loop3A_602 = arith.addf %parallel_loop3A_599, %parallel_loop3A_601 : vector<16xf32>
        %parallel_loop3A_603 = arith.constant 1597463007 : i32
        %parallel_loop3A_604 = vector.broadcast %parallel_loop3A_603 : i32 to vector<16xi32>
        %parallel_loop3A_605 = vector.bitcast %parallel_loop3A_602 : vector<16xf32> to vector<16xi32>
        %parallel_loop3A_606 = arith.constant 1 : i32
        %parallel_loop3A_607 = vector.broadcast %parallel_loop3A_606 : i32 to vector<16xi32>
        %parallel_loop3A_608 = arith.shrsi %parallel_loop3A_605, %parallel_loop3A_607 : vector<16xi32>
        %parallel_loop3A_609 = arith.subi %parallel_loop3A_604, %parallel_loop3A_608 : vector<16xi32>
        %parallel_loop3A_610 = vector.bitcast %parallel_loop3A_609 : vector<16xi32> to vector<16xf32>
        %parallel_loop3A_611 = arith.constant 5.000000e-01 : f32
        %parallel_loop3A_612 = vector.broadcast %parallel_loop3A_611 : f32 to vector<16xf32>
        %parallel_loop3A_613 = arith.mulf %parallel_loop3A_602, %parallel_loop3A_612 : vector<16xf32>
        %parallel_loop3A_614 = arith.mulf %parallel_loop3A_613, %parallel_loop3A_610 : vector<16xf32>
        %parallel_loop3A_615 = arith.mulf %parallel_loop3A_614, %parallel_loop3A_610 : vector<16xf32>
        %parallel_loop3A_616 = arith.constant 1.500000e+00 : f32
        %parallel_loop3A_617 = vector.broadcast %parallel_loop3A_616 : f32 to vector<16xf32>
        %parallel_loop3A_618 = arith.subf %parallel_loop3A_617, %parallel_loop3A_615 : vector<16xf32>
        %parallel_loop3A_619 = arith.mulf %parallel_loop3A_610, %parallel_loop3A_618 : vector<16xf32>
        %parallel_loop3A_620 = arith.mulf %parallel_loop3A_613, %parallel_loop3A_619 : vector<16xf32>
        %parallel_loop3A_621 = arith.mulf %parallel_loop3A_620, %parallel_loop3A_619 : vector<16xf32>
        %parallel_loop3A_622 = arith.constant 1.500000e+00 : f32
        %parallel_loop3A_623 = vector.broadcast %parallel_loop3A_622 : f32 to vector<16xf32>
        %parallel_loop3A_624 = arith.subf %parallel_loop3A_623, %parallel_loop3A_621 : vector<16xf32>
        %parallel_loop3A_625 = arith.mulf %parallel_loop3A_619, %parallel_loop3A_624 : vector<16xf32>
        %parallel_loop3A_626 = arith.subf %parallel_loop3A_305, %parallel_loop3A_579 : vector<16xf32>
        %parallel_loop3A_627 = arith.mulf %parallel_loop3A_626, %parallel_loop3A_625 : vector<16xf32>
        %parallel_loop3A_628 = arith.mulf %parallel_loop3A_627, %get3A_69 : vector<16xf32>
        %parallel_loop3A_629 = arith.addf %parallel_loop3A_628, %get3A_101 : vector<16xf32>
        %parallel_loop3A_630 = arith.constant 0 : i32
        %parallel_loop3A_631 = arith.index_cast %parallel_loop3A_630 : i32 to index
        %parallel_loop3A_632 = arith.index_cast %parallel_loop3A_264 : i32 to index
        %parallel_loop3A_633 = arith.constant 0 : index
        %parallel_loop3A_634 = tpu.vector_load %arg17[%parallel_loop3A_631, %parallel_loop3A_632, %parallel_loop3A_633] {strides = array<i32>} : memref<2x16x256xf32, #tpu.memory_space<vmem>>, vector<16xf32>,
        tpu.vector_store %arg17[%parallel_loop3A_631, %parallel_loop3A_632, %parallel_loop3A_633], %parallel_loop3A_629 {strides = array<i32>} : memref<2x16x256xf32, #tpu.memory_space<vmem>>, vector<16xf32>,
        %parallel_loop3A_635 = arith.subf %parallel_loop3A_319, %parallel_loop3A_579 : vector<16xf32>
        %parallel_loop3A_636 = arith.mulf %parallel_loop3A_635, %parallel_loop3A_625 : vector<16xf32>
        %parallel_loop3A_637 = arith.mulf %parallel_loop3A_636, %get3A_71 : vector<16xf32>
        %parallel_loop3A_638 = arith.addf %parallel_loop3A_637, %get3A_103 : vector<16xf32>
        %parallel_loop3A_639 = arith.constant 0 : i32
        %parallel_loop3A_640 = arith.index_cast %parallel_loop3A_639 : i32 to index
        %parallel_loop3A_641 = arith.index_cast %parallel_loop3A_264 : i32 to index
        %parallel_loop3A_642 = arith.constant 16 : index
        %parallel_loop3A_643 = tpu.vector_load %arg17[%parallel_loop3A_640, %parallel_loop3A_641, %parallel_loop3A_642] {strides = array<i32>} : memref<2x16x256xf32, #tpu.memory_space<vmem>>, vector<16xf32>,
        tpu.vector_store %arg17[%parallel_loop3A_640, %parallel_loop3A_641, %parallel_loop3A_642], %parallel_loop3A_638 {strides = array<i32>} : memref<2x16x256xf32, #tpu.memory_space<vmem>>, vector<16xf32>,
        %parallel_loop3A_644 = arith.subf %parallel_loop3A_333, %parallel_loop3A_579 : vector<16xf32>
        %parallel_loop3A_645 = arith.mulf %parallel_loop3A_644, %parallel_loop3A_625 : vector<16xf32>
        %parallel_loop3A_646 = arith.mulf %parallel_loop3A_645, %get3A_73 : vector<16xf32>
        %parallel_loop3A_647 = arith.addf %parallel_loop3A_646, %get3A_105 : vector<16xf32>
        %parallel_loop3A_648 = arith.constant 0 : i32
        %parallel_loop3A_649 = arith.index_cast %parallel_loop3A_648 : i32 to index
        %parallel_loop3A_650 = arith.index_cast %parallel_loop3A_264 : i32 to index
        %parallel_loop3A_651 = arith.constant 32 : index
        %parallel_loop3A_652 = tpu.vector_load %arg17[%parallel_loop3A_649, %parallel_loop3A_650, %parallel_loop3A_651] {strides = array<i32>} : memref<2x16x256xf32, #tpu.memory_space<vmem>>, vector<16xf32>,
        tpu.vector_store %arg17[%parallel_loop3A_649, %parallel_loop3A_650, %parallel_loop3A_651], %parallel_loop3A_647 {strides = array<i32>} : memref<2x16x256xf32, #tpu.memory_space<vmem>>, vector<16xf32>,
        %parallel_loop3A_653 = arith.subf %parallel_loop3A_347, %parallel_loop3A_579 : vector<16xf32>
        %parallel_loop3A_654 = arith.mulf %parallel_loop3A_653, %parallel_loop3A_625 : vector<16xf32>
        %parallel_loop3A_655 = arith.mulf %parallel_loop3A_654, %get3A_75 : vector<16xf32>
        %parallel_loop3A_656 = arith.addf %parallel_loop3A_655, %get3A_107 : vector<16xf32>
        %parallel_loop3A_657 = arith.constant 0 : i32
        %parallel_loop3A_658 = arith.index_cast %parallel_loop3A_657 : i32 to index
        %parallel_loop3A_659 = arith.index_cast %parallel_loop3A_264 : i32 to index
        %parallel_loop3A_660 = arith.constant 48 : index
        %parallel_loop3A_661 = tpu.vector_load %arg17[%parallel_loop3A_658, %parallel_loop3A_659, %parallel_loop3A_660] {strides = array<i32>} : memref<2x16x256xf32, #tpu.memory_space<vmem>>, vector<16xf32>,
        tpu.vector_store %arg17[%parallel_loop3A_658, %parallel_loop3A_659, %parallel_loop3A_660], %parallel_loop3A_656 {strides = array<i32>} : memref<2x16x256xf32, #tpu.memory_space<vmem>>, vector<16xf32>,
        %parallel_loop3A_662 = arith.subf %parallel_loop3A_361, %parallel_loop3A_579 : vector<16xf32>
        %parallel_loop3A_663 = arith.mulf %parallel_loop3A_662, %parallel_loop3A_625 : vector<16xf32>
        %parallel_loop3A_664 = arith.mulf %parallel_loop3A_663, %get3A_77 : vector<16xf32>
        %parallel_loop3A_665 = arith.addf %parallel_loop3A_664, %get3A_109 : vector<16xf32>
        %parallel_loop3A_666 = arith.constant 0 : i32
        %parallel_loop3A_667 = arith.index_cast %parallel_loop3A_666 : i32 to index
        %parallel_loop3A_668 = arith.index_cast %parallel_loop3A_264 : i32 to index
        %parallel_loop3A_669 = arith.constant 64 : index
        %parallel_loop3A_670 = tpu.vector_load %arg17[%parallel_loop3A_667, %parallel_loop3A_668, %parallel_loop3A_669] {strides = array<i32>} : memref<2x16x256xf32, #tpu.memory_space<vmem>>, vector<16xf32>,
        tpu.vector_store %arg17[%parallel_loop3A_667, %parallel_loop3A_668, %parallel_loop3A_669], %parallel_loop3A_665 {strides = array<i32>} : memref<2x16x256xf32, #tpu.memory_space<vmem>>, vector<16xf32>,
        %parallel_loop3A_671 = arith.subf %parallel_loop3A_375, %parallel_loop3A_579 : vector<16xf32>
        %parallel_loop3A_672 = arith.mulf %parallel_loop3A_671, %parallel_loop3A_625 : vector<16xf32>
        %parallel_loop3A_673 = arith.mulf %parallel_loop3A_672, %get3A_79 : vector<16xf32>
        %parallel_loop3A_674 = arith.addf %parallel_loop3A_673, %get3A_111 : vector<16xf32>
        %parallel_loop3A_675 = arith.constant 0 : i32
        %parallel_loop3A_676 = arith.index_cast %parallel_loop3A_675 : i32 to index
        %parallel_loop3A_677 = arith.index_cast %parallel_loop3A_264 : i32 to index
        %parallel_loop3A_678 = arith.constant 80 : index
        %parallel_loop3A_679 = tpu.vector_load %arg17[%parallel_loop3A_676, %parallel_loop3A_677, %parallel_loop3A_678] {strides = array<i32>} : memref<2x16x256xf32, #tpu.memory_space<vmem>>, vector<16xf32>,
        tpu.vector_store %arg17[%parallel_loop3A_676, %parallel_loop3A_677, %parallel_loop3A_678], %parallel_loop3A_674 {strides = array<i32>} : memref<2x16x256xf32, #tpu.memory_space<vmem>>, vector<16xf32>,
        %parallel_loop3A_680 = arith.subf %parallel_loop3A_389, %parallel_loop3A_579 : vector<16xf32>
        %parallel_loop3A_681 = arith.mulf %parallel_loop3A_680, %parallel_loop3A_625 : vector<16xf32>
        %parallel_loop3A_682 = arith.mulf %parallel_loop3A_681, %get3A_81 : vector<16xf32>
        %parallel_loop3A_683 = arith.addf %parallel_loop3A_682, %get3A_113 : vector<16xf32>
        %parallel_loop3A_684 = arith.constant 0 : i32
        %parallel_loop3A_685 = arith.index_cast %parallel_loop3A_684 : i32 to index
        %parallel_loop3A_686 = arith.index_cast %parallel_loop3A_264 : i32 to index
        %parallel_loop3A_687 = arith.constant 96 : index
        %parallel_loop3A_688 = tpu.vector_load %arg17[%parallel_loop3A_685, %parallel_loop3A_686, %parallel_loop3A_687] {strides = array<i32>} : memref<2x16x256xf32, #tpu.memory_space<vmem>>, vector<16xf32>,
        tpu.vector_store %arg17[%parallel_loop3A_685, %parallel_loop3A_686, %parallel_loop3A_687], %parallel_loop3A_683 {strides = array<i32>} : memref<2x16x256xf32, #tpu.memory_space<vmem>>, vector<16xf32>,
        %parallel_loop3A_689 = arith.subf %parallel_loop3A_403, %parallel_loop3A_579 : vector<16xf32>
        %parallel_loop3A_690 = arith.mulf %parallel_loop3A_689, %parallel_loop3A_625 : vector<16xf32>
        %parallel_loop3A_691 = arith.mulf %parallel_loop3A_690, %get3A_83 : vector<16xf32>
        %parallel_loop3A_692 = arith.addf %parallel_loop3A_691, %get3A_115 : vector<16xf32>
        %parallel_loop3A_693 = arith.constant 0 : i32
        %parallel_loop3A_694 = arith.index_cast %parallel_loop3A_693 : i32 to index
        %parallel_loop3A_695 = arith.index_cast %parallel_loop3A_264 : i32 to index
        %parallel_loop3A_696 = arith.constant 112 : index
        %parallel_loop3A_697 = tpu.vector_load %arg17[%parallel_loop3A_694, %parallel_loop3A_695, %parallel_loop3A_696] {strides = array<i32>} : memref<2x16x256xf32, #tpu.memory_space<vmem>>, vector<16xf32>,
        tpu.vector_store %arg17[%parallel_loop3A_694, %parallel_loop3A_695, %parallel_loop3A_696], %parallel_loop3A_692 {strides = array<i32>} : memref<2x16x256xf32, #tpu.memory_space<vmem>>, vector<16xf32>,
        %parallel_loop3A_698 = arith.subf %parallel_loop3A_417, %parallel_loop3A_579 : vector<16xf32>
        %parallel_loop3A_699 = arith.mulf %parallel_loop3A_698, %parallel_loop3A_625 : vector<16xf32>
        %parallel_loop3A_700 = arith.mulf %parallel_loop3A_699, %get3A_85 : vector<16xf32>
        %parallel_loop3A_701 = arith.addf %parallel_loop3A_700, %get3A_117 : vector<16xf32>
        %parallel_loop3A_702 = arith.constant 0 : i32
        %parallel_loop3A_703 = arith.index_cast %parallel_loop3A_702 : i32 to index
        %parallel_loop3A_704 = arith.index_cast %parallel_loop3A_264 : i32 to index
        %parallel_loop3A_705 = arith.constant 128 : index
        %parallel_loop3A_706 = tpu.vector_load %arg17[%parallel_loop3A_703, %parallel_loop3A_704, %parallel_loop3A_705] {strides = array<i32>} : memref<2x16x256xf32, #tpu.memory_space<vmem>>, vector<16xf32>,
        tpu.vector_store %arg17[%parallel_loop3A_703, %parallel_loop3A_704, %parallel_loop3A_705], %parallel_loop3A_701 {strides = array<i32>} : memref<2x16x256xf32, #tpu.memory_space<vmem>>, vector<16xf32>,
        %parallel_loop3A_707 = arith.subf %parallel_loop3A_431, %parallel_loop3A_579 : vector<16xf32>
        %parallel_loop3A_708 = arith.mulf %parallel_loop3A_707, %parallel_loop3A_625 : vector<16xf32>
        %parallel_loop3A_709 = arith.mulf %parallel_loop3A_708, %get3A_87 : vector<16xf32>
        %parallel_loop3A_710 = arith.addf %parallel_loop3A_709, %get3A_119 : vector<16xf32>
        %parallel_loop3A_711 = arith.constant 0 : i32
        %parallel_loop3A_712 = arith.index_cast %parallel_loop3A_711 : i32 to index
        %parallel_loop3A_713 = arith.index_cast %parallel_loop3A_264 : i32 to index
        %parallel_loop3A_714 = arith.constant 144 : index
        %parallel_loop3A_715 = tpu.vector_load %arg17[%parallel_loop3A_712, %parallel_loop3A_713, %parallel_loop3A_714] {strides = array<i32>} : memref<2x16x256xf32, #tpu.memory_space<vmem>>, vector<16xf32>,
        tpu.vector_store %arg17[%parallel_loop3A_712, %parallel_loop3A_713, %parallel_loop3A_714], %parallel_loop3A_710 {strides = array<i32>} : memref<2x16x256xf32, #tpu.memory_space<vmem>>, vector<16xf32>,
        %parallel_loop3A_716 = arith.subf %parallel_loop3A_445, %parallel_loop3A_579 : vector<16xf32>
        %parallel_loop3A_717 = arith.mulf %parallel_loop3A_716, %parallel_loop3A_625 : vector<16xf32>
        %parallel_loop3A_718 = arith.mulf %parallel_loop3A_717, %get3A_89 : vector<16xf32>
        %parallel_loop3A_719 = arith.addf %parallel_loop3A_718, %get3A_121 : vector<16xf32>
        %parallel_loop3A_720 = arith.constant 0 : i32
        %parallel_loop3A_721 = arith.index_cast %parallel_loop3A_720 : i32 to index
        %parallel_loop3A_722 = arith.index_cast %parallel_loop3A_264 : i32 to index
        %parallel_loop3A_723 = arith.constant 160 : index
        %parallel_loop3A_724 = tpu.vector_load %arg17[%parallel_loop3A_721, %parallel_loop3A_722, %parallel_loop3A_723] {strides = array<i32>} : memref<2x16x256xf32, #tpu.memory_space<vmem>>, vector<16xf32>,
        tpu.vector_store %arg17[%parallel_loop3A_721, %parallel_loop3A_722, %parallel_loop3A_723], %parallel_loop3A_719 {strides = array<i32>} : memref<2x16x256xf32, #tpu.memory_space<vmem>>, vector<16xf32>,
        %parallel_loop3A_725 = arith.subf %parallel_loop3A_459, %parallel_loop3A_579 : vector<16xf32>
        %parallel_loop3A_726 = arith.mulf %parallel_loop3A_725, %parallel_loop3A_625 : vector<16xf32>
        %parallel_loop3A_727 = arith.mulf %parallel_loop3A_726, %get3A_91 : vector<16xf32>
        %parallel_loop3A_728 = arith.addf %parallel_loop3A_727, %get3A_123 : vector<16xf32>
        %parallel_loop3A_729 = arith.constant 0 : i32
        %parallel_loop3A_730 = arith.index_cast %parallel_loop3A_729 : i32 to index
        %parallel_loop3A_731 = arith.index_cast %parallel_loop3A_264 : i32 to index
        %parallel_loop3A_732 = arith.constant 176 : index
        %parallel_loop3A_733 = tpu.vector_load %arg17[%parallel_loop3A_730, %parallel_loop3A_731, %parallel_loop3A_732] {strides = array<i32>} : memref<2x16x256xf32, #tpu.memory_space<vmem>>, vector<16xf32>,
        tpu.vector_store %arg17[%parallel_loop3A_730, %parallel_loop3A_731, %parallel_loop3A_732], %parallel_loop3A_728 {strides = array<i32>} : memref<2x16x256xf32, #tpu.memory_space<vmem>>, vector<16xf32>,
        %parallel_loop3A_734 = arith.subf %parallel_loop3A_473, %parallel_loop3A_579 : vector<16xf32>
        %parallel_loop3A_735 = arith.mulf %parallel_loop3A_734, %parallel_loop3A_625 : vector<16xf32>
        %parallel_loop3A_736 = arith.mulf %parallel_loop3A_735, %get3A_93 : vector<16xf32>
        %parallel_loop3A_737 = arith.addf %parallel_loop3A_736, %get3A_125 : vector<16xf32>
        %parallel_loop3A_738 = arith.constant 0 : i32
        %parallel_loop3A_739 = arith.index_cast %parallel_loop3A_738 : i32 to index
        %parallel_loop3A_740 = arith.index_cast %parallel_loop3A_264 : i32 to index
        %parallel_loop3A_741 = arith.constant 192 : index
        %parallel_loop3A_742 = tpu.vector_load %arg17[%parallel_loop3A_739, %parallel_loop3A_740, %parallel_loop3A_741] {strides = array<i32>} : memref<2x16x256xf32, #tpu.memory_space<vmem>>, vector<16xf32>,
        tpu.vector_store %arg17[%parallel_loop3A_739, %parallel_loop3A_740, %parallel_loop3A_741], %parallel_loop3A_737 {strides = array<i32>} : memref<2x16x256xf32, #tpu.memory_space<vmem>>, vector<16xf32>,
        %parallel_loop3A_743 = arith.subf %parallel_loop3A_487, %parallel_loop3A_579 : vector<16xf32>
        %parallel_loop3A_744 = arith.mulf %parallel_loop3A_743, %parallel_loop3A_625 : vector<16xf32>
        %parallel_loop3A_745 = arith.mulf %parallel_loop3A_744, %get3A_95 : vector<16xf32>
        %parallel_loop3A_746 = arith.addf %parallel_loop3A_745, %get3A_127 : vector<16xf32>
        %parallel_loop3A_747 = arith.constant 0 : i32
        %parallel_loop3A_748 = arith.index_cast %parallel_loop3A_747 : i32 to index
        %parallel_loop3A_749 = arith.index_cast %parallel_loop3A_264 : i32 to index
        %parallel_loop3A_750 = arith.constant 208 : index
        %parallel_loop3A_751 = tpu.vector_load %arg17[%parallel_loop3A_748, %parallel_loop3A_749, %parallel_loop3A_750] {strides = array<i32>} : memref<2x16x256xf32, #tpu.memory_space<vmem>>, vector<16xf32>,
        tpu.vector_store %arg17[%parallel_loop3A_748, %parallel_loop3A_749, %parallel_loop3A_750], %parallel_loop3A_746 {strides = array<i32>} : memref<2x16x256xf32, #tpu.memory_space<vmem>>, vector<16xf32>,
        %parallel_loop3A_752 = arith.subf %parallel_loop3A_501, %parallel_loop3A_579 : vector<16xf32>
        %parallel_loop3A_753 = arith.mulf %parallel_loop3A_752, %parallel_loop3A_625 : vector<16xf32>
        %parallel_loop3A_754 = arith.mulf %parallel_loop3A_753, %get3A_97 : vector<16xf32>
        %parallel_loop3A_755 = arith.addf %parallel_loop3A_754, %get3A_129 : vector<16xf32>
        %parallel_loop3A_756 = arith.constant 0 : i32
        %parallel_loop3A_757 = arith.index_cast %parallel_loop3A_756 : i32 to index
        %parallel_loop3A_758 = arith.index_cast %parallel_loop3A_264 : i32 to index
        %parallel_loop3A_759 = arith.constant 224 : index
        %parallel_loop3A_760 = tpu.vector_load %arg17[%parallel_loop3A_757, %parallel_loop3A_758, %parallel_loop3A_759] {strides = array<i32>} : memref<2x16x256xf32, #tpu.memory_space<vmem>>, vector<16xf32>,
        tpu.vector_store %arg17[%parallel_loop3A_757, %parallel_loop3A_758, %parallel_loop3A_759], %parallel_loop3A_755 {strides = array<i32>} : memref<2x16x256xf32, #tpu.memory_space<vmem>>, vector<16xf32>,
        %parallel_loop3A_761 = arith.subf %parallel_loop3A_515, %parallel_loop3A_579 : vector<16xf32>
        %parallel_loop3A_762 = arith.mulf %parallel_loop3A_761, %parallel_loop3A_625 : vector<16xf32>
        %parallel_loop3A_763 = arith.mulf %parallel_loop3A_762, %get3A_99 : vector<16xf32>
        %parallel_loop3A_764 = arith.addf %parallel_loop3A_763, %get3A_131 : vector<16xf32>
        %parallel_loop3A_765 = arith.constant 0 : i32
        %parallel_loop3A_766 = arith.index_cast %parallel_loop3A_765 : i32 to index
        %parallel_loop3A_767 = arith.index_cast %parallel_loop3A_264 : i32 to index
        %parallel_loop3A_768 = arith.constant 240 : index
        %parallel_loop3A_769 = tpu.vector_load %arg17[%parallel_loop3A_766, %parallel_loop3A_767, %parallel_loop3A_768] {strides = array<i32>} : memref<2x16x256xf32, #tpu.memory_space<vmem>>, vector<16xf32>,
        tpu.vector_store %arg17[%parallel_loop3A_766, %parallel_loop3A_767, %parallel_loop3A_768], %parallel_loop3A_764 {strides = array<i32>} : memref<2x16x256xf32, #tpu.memory_space<vmem>>, vector<16xf32>,
      } {sc.loop_unroll_factor = 2 : i64, sc.parallel_access}
      %run_scoped3A = arith.constant 0 : i32
      "tpu.region"() ({
        %run_scoped3A_264 = tpu.sem_alloc : memref<!tpu.dma_semaphore, #tpu.memory_space<semaphore_mem>>
        %dma_start3A = arith.constant 0 : i32
        %dma_start3A_265 = arith.constant 0 : i32
        %dma_start3A_266 = tpu.memref_slice %arg17[%run_scoped3A, %dma_start3A, %dma_start3A_265] : memref<2x16x256xf32, #tpu.memory_space<vmem>> -> memref<1x2x256xf32, #tpu.memory_space<vmem>>
        %dma_start3A_267 = tpu.memref_squeeze %dma_start3A_266 : memref<1x2x256xf32, #tpu.memory_space<vmem>> -> memref<2x256xf32, #tpu.memory_space<vmem>>
        %dma_start3A_268 = arith.constant 2048 : i32
        %dma_start3A_269 = arith.constant 0 : i32
        %dma_start3A_270 = tpu.memref_slice %arg9[%select_n3A, %dma_start3A_268, %dma_start3A_269] : memref<16x2050x256xf32, #tpu.memory_space<hbm>> -> memref<1x2x256xf32, #tpu.memory_space<hbm>>
        %dma_start3A_271 = tpu.memref_squeeze %dma_start3A_270 : memref<1x2x256xf32, #tpu.memory_space<hbm>> -> memref<2x256xf32, #tpu.memory_space<hbm>>
        %dma_start3A_272 = arith.constant 2048 : i32
        %dma_start3A_273 = arith.constant 0 : i32
        %dma_start3A_274 = tpu.memref_slice %arg9[%select_n3A, %dma_start3A_272, %dma_start3A_273] : memref<16x2050x256xf32, #tpu.memory_space<hbm>> -> memref<1x2x256xf32, #tpu.memory_space<hbm>>
        %dma_start3A_275 = tpu.memref_squeeze %dma_start3A_274 : memref<1x2x256xf32, #tpu.memory_space<hbm>> -> memref<2x256xf32, #tpu.memory_space<hbm>>
        %dma_start3A_276 = arith.constant 0 : i32
        %dma_start3A_277 = arith.constant 0 : i32
        %dma_start3A_278 = tpu.memref_slice %arg17[%run_scoped3A, %dma_start3A_276, %dma_start3A_277] : memref<2x16x256xf32, #tpu.memory_space<vmem>> -> memref<1x2x256xf32, #tpu.memory_space<vmem>>
        %dma_start3A_279 = tpu.memref_squeeze %dma_start3A_278 : memref<1x2x256xf32, #tpu.memory_space<vmem>> -> memref<2x256xf32, #tpu.memory_space<vmem>>
        tpu.enqueue_dma source(%dma_start3A_279 : memref<2x256xf32, #tpu.memory_space<vmem>>) target(%dma_start3A_275 : memref<2x256xf32, #tpu.memory_space<hbm>>) target_semaphore(%run_scoped3A_264 : memref<!tpu.dma_semaphore, #tpu.memory_space<semaphore_mem>>)
        %dma_wait3A_280 = arith.constant 0 : i32
        %dma_wait3A_281 = arith.constant 0 : i32
        %dma_wait3A_282 = tpu.memref_slice %arg17[%run_scoped3A, %dma_wait3A_280, %dma_wait3A_281] : memref<2x16x256xf32, #tpu.memory_space<vmem>> -> memref<1x2x256xf32, #tpu.memory_space<vmem>>
        %dma_wait3A_283 = tpu.memref_squeeze %dma_wait3A_282 : memref<1x2x256xf32, #tpu.memory_space<vmem>> -> memref<2x256xf32, #tpu.memory_space<vmem>>
        %dma_wait3A_284 = arith.constant 2048 : i32
        %dma_wait3A_285 = arith.constant 0 : i32
        %dma_wait3A_286 = tpu.memref_slice %arg9[%select_n3A, %dma_wait3A_284, %dma_wait3A_285] : memref<16x2050x256xf32, #tpu.memory_space<hbm>> -> memref<1x2x256xf32, #tpu.memory_space<hbm>>
        %dma_wait3A_287 = tpu.memref_squeeze %dma_wait3A_286 : memref<1x2x256xf32, #tpu.memory_space<hbm>> -> memref<2x256xf32, #tpu.memory_space<hbm>>
        %dma_wait3A_288 = arith.constant 2048 : i32
        %dma_wait3A_289 = arith.constant 0 : i32
        %dma_wait3A_290 = tpu.memref_slice %arg9[%select_n3A, %dma_wait3A_288, %dma_wait3A_289] : memref<16x2050x256xf32, #tpu.memory_space<hbm>> -> memref<1x2x256xf32, #tpu.memory_space<hbm>>
        %dma_wait3A_291 = tpu.memref_squeeze %dma_wait3A_290 : memref<1x2x256xf32, #tpu.memory_space<hbm>> -> memref<2x256xf32, #tpu.memory_space<hbm>>
        %dma_wait3A_292 = arith.constant 0 : i32
        %dma_wait3A_293 = arith.constant 0 : i32
        %dma_wait3A_294 = tpu.memref_slice %arg17[%run_scoped3A, %dma_wait3A_292, %dma_wait3A_293] : memref<2x16x256xf32, #tpu.memory_space<vmem>> -> memref<1x2x256xf32, #tpu.memory_space<vmem>>
        %dma_wait3A_295 = tpu.memref_squeeze %dma_wait3A_294 : memref<1x2x256xf32, #tpu.memory_space<vmem>> -> memref<2x256xf32, #tpu.memory_space<vmem>>
        tpu.wait_dma2 semaphore(%run_scoped3A_264 : memref<!tpu.dma_semaphore, #tpu.memory_space<semaphore_mem>>) src(%dma_wait3A_295 : memref<2x256xf32, #tpu.memory_space<vmem>>) dst(%dma_wait3A_291 : memref<2x256xf32, #tpu.memory_space<hbm>>)
        tpu.yield
      }) : () -> ()
    } else {
    }
    return
  }
}

</mosaic_0001>

<sc_bundles>
// kernel: kernel.3.cloned.1.call-start
scs
__scs_entry_jumppad:
0x0: {  	(pc) =	sbr.rel $0x88, $3  }
0x1: {  	(tag) =	ssettag $0x0;
	lr =	simm.s32 $0x1  }
0x2: {  	[smem:$0x3F96] =	sst lr;
	_ =	strace $0xD0000000  }
0x3: {  	_ = 	snop  }
0x4: {  	_ = 	snop  }
0x5: {  	_ = 	snop  }
0x6: {  	_ = 	snop  }
0x7: {  	_ = 	snop  }
__scs_overlays_trampoline_lowered:
0x8: {  	[smem:$0x3FA5] =	sst s0  }
0x9: {  	[smem:$0x3FA6] =	sst s1  }
0xa: {  	[smem:$0x3FA7] =	sst s2  }
0xb: {  	[smem:$0x3FA8] =	sst s3  }
0xc: {  	[smem:$0x3FA9] =	sst s4  }
0xd: {  	[smem:$0x3FAA] =	sst s5  }
0xe: {  	[smem:$0x3FAB] =	sst s6  }
0xf: {  	[smem:$0x3FAC] =	sst s7  }
0x10: {  	[smem:$0x3FAD] =	sst s8  }
0x11: {  	[smem:$0x3FAE] =	sst s9;
	s0 =	simm.s32 @!p0 $0x0  }
0x12: {  	s1 =	sld [smem:$0x3F94];
	s0 =	simm.s32 @p0 $0x1  }
0x13: {  	[smem:$0x3FAF] =	sst s0;
	s0 =	simm.s32 @!p1 $0x0  }
0x14: {  	s2 =	sld [smem:$0x3F93];
	s0 =	simm.s32 @p1 $0x1  }
0x15: {  	[smem:$0x3FB0] =	sst s0;
	s0 =	simm.s32 @!p2 $0x0  }
0x16: {  	s3 =	sld [smem:$0x3FDB];
	s0 =	simm.s32 @p2 $0x1  }
0x17: {  	s4 =	simm.s32 $0x1BF5;
	[smem:$0x3FB2] =	sst s0  }
0x18: {  	s0 =	sld [smem:$0x3F95];
	_ =	swait.ge [sflag:s4], $0x0  }
0x19: {  	s7 =	sld [smem:$0x3F96]  }
0x1a: {  	s8 =	sadd.s32 $0xFFFFE003, lr  }
0x1b: {  	s9 =	sadd.s32 $0xFFFFFEF7, lr;
	s5 =	simm.s32 $0xFFFFFFFF;
	p2 =	slt.u32 s8, $0xFFFFF086  }
0x1c: {  	p1 =	slt.u32 s9, $0xF7A;
	s5 =	simm.s32 @!p2 $0x0  }
0x1d: {  	s5 =	simm.s32 @p1 $0x1;
	p0 =	seq.s32 s7, s2  }
0x1e: {  	s7 =	smul.u32 @!p0 $0xF7A, s2;
	p2 =	seq.s32 @!p0 s5, $0x0  }
0x1f: {  	s9 =	smul.u32 $0xF7A, s1;
	s8 =	simm.s32 @!p0 $0x1BF5;
	p2 =	por !p2, p0  }
0x20: {  	[sflag:s8] =	ssyncset.s32 @!p0 $0xFFFFF086;
	s6 =	sadd.s32 @!p0 s3, s7;
	s7 =	simm.s32 @!p0 $0x108  }
0x21: {  	s3 =	sadd.s32 s3, s9;
	s6 =	sadd.s32 @!p0 $0x88, s6;
	s7 =	simm.s32 @p2 $0x1082  }
0x22: {  	[simem:s7], [sflag:s8] =	dma.local @!p0 [hbm:s6], $0xF7A  }
0x23: {  	s9 =	sor.u32 $0xD0000000, s2;
	s6 =	simm.s32 $0x108;
	_ =	swait.ge @!p0 [sflag:s8], $0x0  }
0x24: {  	s3 =	sadd.s32 $0x88, s3;
	s6 =	simm.s32 @!p1 $0x1082;
	[sflag:s4] =	ssyncset.s32 $0xFFFFF086  }
0x25: {  	[simem:s6], [sflag:s4] =	dma.local [hbm:s3], $0xF7A  }
0x26: {  	[smem:$0x3F96] =	sst s1;
	(tag) =	ssettag s2;
	_ =	strace s9  }
0x27: {  	s1 =	sld [smem:$0x3FA6]  }
0x28: {  	s2 =	sld [smem:$0x3FA7]  }
0x29: {  	s4 =	sld [smem:$0x3FA9]  }
0x2a: {  	p0 =	seq.s32 s5, $0x0;
	s5 =	sld [smem:$0x3FAA]  }
0x2b: {  	s6 =	sld [smem:$0x3FAB]  }
0x2c: {  	s7 =	sld [smem:$0x3FAC]  }
0x2d: {  	s3 =	simm.s32 $0x108;
	s8 =	sld [smem:$0x3FAD]  }
0x2e: {  	s3 =	simm.s32 @!p0 $0x1082;
	s9 =	sld [smem:$0x3FAE]  }
0x2f: {  	lr =	sadd.s32 s0, s3;
	s0 =	sld [smem:$0x3FA5]  }
0x30: {  	s3 =	sld [smem:$0x3FA8]  }
0x31: {  	[smem:$0x3FB1] =	sst s10  }
0x32: {  	s10 =	sld [smem:$0x3FAF];
	_ =	sdelay $0x3  }
0x33: {  	p0 =	seq.s32 s10, $0x1;
	s10 =	sld [smem:$0x3FB1];
	_ =	sdelay $0x3  }
0x34: {  	[smem:$0x3FB1] =	sst s10  }
0x35: {  	s10 =	sld [smem:$0x3FB0];
	_ =	sdelay $0x3  }
0x36: {  	p1 =	seq.s32 s10, $0x1;
	s10 =	sld [smem:$0x3FB1];
	_ =	sdelay $0x3  }
0x37: {  	[smem:$0x3FB1] =	sst s10  }
0x38: {  	s10 =	sld [smem:$0x3FB2]  }
0x39: {  	_ = 	snop;
	(pc) =	sbr.ind lr, $3  }
0x3a: {  	_ = 	snop  }
0x3b: {  	_ = 	snop  }
0x3c: {  	p2 =	seq.s32 s10, $0x1;
	s10 =	sld [smem:$0x3FB1]  }
0x3d: {  	_ =	shalt  }
0x3e: {  	_ =	shalt  }
0x3f: {  	_ =	shalt  }
0x40: {  	_ =	shalt  }
0x41: {  	_ =	shalt  }
0x42: {  	_ =	shalt  }
0x43: {  	_ =	shalt  }
0x44: {  	_ =	shalt  }
0x45: {  	_ =	shalt  }
0x46: {  	_ =	shalt  }
0x47: {  	_ =	shalt  }
0x48: {  	_ =	shalt  }
0x49: {  	_ =	shalt  }
0x4a: {  	_ =	shalt  }
0x4b: {  	_ =	shalt  }
0x4c: {  	_ =	shalt  }
0x4d: {  	_ =	shalt  }
0x4e: {  	_ =	shalt  }
0x4f: {  	_ =	shalt  }
0x50: {  	_ =	shalt  }
0x51: {  	_ =	shalt  }
0x52: {  	_ =	shalt  }
0x53: {  	_ =	shalt  }
0x54: {  	_ =	shalt  }
0x55: {  	_ =	shalt  }
0x56: {  	_ =	shalt  }
0x57: {  	_ =	shalt  }
0x58: {  	_ =	shalt  }
0x59: {  	_ =	shalt  }
0x5a: {  	_ =	shalt  }
0x5b: {  	_ =	shalt  }
0x5c: {  	_ =	shalt  }
0x5d: {  	_ =	shalt  }
0x5e: {  	_ =	shalt  }
0x5f: {  	_ =	shalt  }
0x60: {  	_ =	shalt  }
0x61: {  	_ =	shalt  }
0x62: {  	_ =	shalt  }
0x63: {  	_ =	shalt  }
0x64: {  	_ =	shalt  }
0x65: {  	_ =	shalt  }
0x66: {  	_ =	shalt  }
0x67: {  	_ =	shalt  }
0x68: {  	_ =	shalt  }
0x69: {  	_ =	shalt  }
0x6a: {  	_ =	shalt  }
0x6b: {  	_ =	shalt  }
0x6c: {  	_ =	shalt  }
0x6d: {  	_ =	shalt  }
0x6e: {  	_ =	shalt  }
0x6f: {  	_ =	shalt  }
0x70: {  	_ =	shalt  }
0x71: {  	_ =	shalt  }
0x72: {  	_ =	shalt  }
0x73: {  	_ =	shalt  }
0x74: {  	_ =	shalt  }
0x75: {  	_ =	shalt  }
0x76: {  	_ =	shalt  }
0x77: {  	_ =	shalt  }
0x78: {  	_ =	shalt  }
0x79: {  	_ =	shalt  }
0x7a: {  	_ =	shalt  }
0x7b: {  	_ =	shalt  }
0x7c: {  	_ =	shalt  }
0x7d: {  	_ =	shalt  }
0x7e: {  	_ =	shalt  }
0x7f: {  	_ =	shalt  }
0x80: {  	_ =	shalt  }
0x81: {  	_ =	shalt  }
0x82: {  	_ =	shalt  }
0x83: {  	_ =	shalt  }
0x84: {  	_ =	shalt  }
0x85: {  	_ =	shalt  }
0x86: {  	_ =	shalt  }
0x87: {  	_ =	shalt  }
.Lfunc_end0:
.L_simem_size_0:
called_computation_lowered:
.L_overlay_start_0:
0x88: {  	s2 =	sld [smem:$0x3FD9]  }
0x89: {  	s3 =	sld [smem:$0x3FFE];
	_ =	sdelay $0x1  }
0x8a: {  	s1 =	srdreg.scid  }
0x8b: {  	s0 =	sand.u32 $0x1, s1  }
0x8c: {  	s17 =	sshll.u32 s0, $0xA;
	s2 =	sadd.s32 s3, s2  }
0x8d: {  	s2 =	sadd.s32 s2, s17  }
0x8e: {  	[smem:$0x3FBD] =	sst s2  }
0x8f: {  	_ = 	snop  }
0x90: {  	s2 =	sld [smem:$0x3FC6]  }
0x91: {  	s18 =	sld [smem:$0x3FC0]  }
0x92: {  	s4 =	sld [smem:$0x3FBF]  }
0x93: {  	s5 =	sld [smem:$0x3FD0];
	(tm) =	ssettm $0x1  }
0x94: {  	s6 =	sld [smem:$0x3FFB];
	_ =	sdelay $0x3  }
0x95: {  	_ =	strace s6  }
0x96: {  	s6 =	sld [smem:$0x3FFC];
	_ =	sdelay $0x3  }
0x97: {  	_ =	strace s6  }
0x98: {  	s6 =	sld [smem:$0x3FFD];
	_ =	sdelay $0x3  }
0x99: {  	_ =	strace s6  }
0x9a: {  	_ =	strace $0x8FFFFFFF  }
0x9b: {  	s19 =	sld [smem:$0x3FDB];
	_ =	sdelay $0x1  }
0x9c: {  	s7 =	simm.s32 $_scs_section_size  }
0x9d: {  	s8 =	simm.s32 $_size__tile_overlayer_lowered;
	s9 =	simm.s32 $_tile_overlayer_lowered  }
0x9e: {  	s22 =	simm.s32 $0x1BFF;
	s21 =	sshll.u32 s9, $0x1;
	s6 =	sadd.s32 s7, s19  }
0x9f: {  	s10 =	simm.s32 $0x0;
	s20 =	sshll.u32 s8, $0x1;
	s8 =	sadd.s32 s21, s6  }
0xa0: {  	[timem:s10], [sflag:s22] =	dma.local [hbm:s8], s20  }
0xa1: {  	_ =	swait.ge [sflag:s22], s20  }
0xa2: {  	s7 =	ssub.s32 $0x0, s20;
	[sflag:s22] =	ssyncset.done $0x0  }
0xa3: {  	[sflag:s22] =	ssyncadd.s32 s7;
	_ =	sdelay $0x1  }
0xa4: {  	s23 =	simm.s32 $0x1B8B  }
0xa5: {  	_ =	swait.ge [sflag:s23], $0x1  }
0xa6: {  	[sflag:s23] =	ssyncset.done $0x0  }
0xa7: {  	s25 =	simm.s32 $0x1B8E;
	s24 =	sld [smem:$0x3FFE];
	[sflag:s23] =	ssyncadd.s32 $0xFFFFFFFF  }
0xa8: {  	s26 =	simm.s32 $execute0_lowered;
	[smem:$0x3FD2] =	sst s25  }
0xa9: {  	s8 =	sshll.u32 s26, $0x1;
	_ =	strace $0x80000046;
	[dreg:$0x1] =	wrdreg $0xFFFFFFFF  }
0xaa: {  	s28 =	simm.s32 $_size_execute0_lowered;
	s6 =	sadd.s32 s6, s8;
	[dreg:$0x0] =	wrdreg $0x0  }
0xab: {  	s8 =	sshll.u32 s28, $0x1;
	[dreg:$0x2] =	wrdreg s6  }
0xac: {  	[dreg:$0x3] =	wrdreg s8  }
0xad: {  	[dreg:$0x4] =	wrdreg $0xC0  }
0xae: {  	_ =	task [dreg:s10], $0x5FFFF  }
0xaf: {  	[dreg:$0x1] =	wrdreg $0xFFFFFFFF  }
0xb0: {  	[dreg:$0x0] =	wrdreg $0x60  }
0xb1: {  	[dreg:$0x2] =	wrdreg s5  }
0xb2: {  	[dreg:$0x3] =	wrdreg s24  }
0xb3: {  	[dreg:$0x4] =	wrdreg s2  }
0xb4: {  	[dreg:$0x5] =	wrdreg s18  }
0xb5: {  	[dreg:$0x6] =	wrdreg s4  }
0xb6: {  	[dreg:$0x7] =	wrdreg $0x9  }
0xb7: {  	_ =	task.clear_ibuf [dreg:s10], $0x8FFFF;
	_ =	strace $0x90000046  }
0xb8: {  	s29 =	simm.s32 $0x9;
	_ =	strace $0x80000048  }
0xb9: {  	_ =	swait.ge [sflag:s29], $0x1  }
0xba: {  	[sflag:s29] =	ssyncadd.s32 $0xFFFFFFFF  }
0xbb: {  	_ =	strace $0x90000048  }
0xbc: {  	_ =	sfence  }
0xbd: {  	s30 =	sld [smem:$0x0];
	_ =	sdelay $0x2  }
0xbe: {  	s31 =	sshll.u32 s1, $0xD;
	s1 =	sshrl.u32 s1, $0x2  }
0xbf: {  	s3 =	sand.u32 $0x4000, s31;
	s1 =	sadd.s32 s1, s30  }
0xc0: {  	s0 =	sor.u32 s3, s0;
	s1 =	sshll.u32 s1, $0x11  }
0xc1: {  	s0 =	sor.u32 s1, s0  }
0xc2: {  	s0 =	sadd.s32 $0x8F2B, s0  }
0xc3: {  	[sflag:s0] =	ssyncadd.remote.s32 $0x1  }
0xc4: {  	_ =	sfence.sel $0xFFFF  }
0xc5: {  	[dreg:$0x0] =	wrdreg $0xFFFFFFFF;
	(pc) =	sbr.abs _section_cstart, $3  }
0xc6: {  	[dreg:$0x1] =	wrdreg $0xFFFFFFFF  }
0xc7: {  	_ =	task.clear_ibuf [dreg:s10], $0x2FFFF;
	_ =	strace $0x9FFFFFFF  }
0xc8: {  	(tm) =	ssettm $0x7FFFFFFF  }
0xc9: {  	_ =	shalt  }
tec
execute0_lowered:
.L_overlay_start_1:
0x0: {  	(tag) =	ssettag $0x1  }
0x1: {  	s0 =	srdreg.scid;
	s1 =	rddreg [dreg:$0x0]  }
0x2: {  	s4 =	stileid.u32;
	s3 =	rddreg [dreg:$0x1]  }
0x3: {  	s5 =	simm.s32 $0x0;
	s6 =	simm.s32 $0x1;
	s0 =	sand.u32 $0x1, s0  }
0x4: {  	s16 =	simm.s32 $0x3;
	s19 =	simm.s32 $0x8108;
	s2 =	sor.u32 s0, s4  }
0x5: {  	s20 =	simm.s32 $0x8980;
	p1 =	seq.s32 s0, $0x1;
	p0 =	seq.s32 s2, $0x0  }
0x6: {  	s21 =	simm.s32 $0x8A00;
	s22 =	simm.s32 $0x8B00;
	p0 =	por !p0, !p1  }
0x7: {  	s23 =	simm.s32 $0x2;
	s2 =	simm.s32 $0x1;
	p0 =	por !p0, !p0  }
0x8: {  	s26 =	simm.s32 $0x0;
	[smem:$0x7FF] =	sst s5;
	s2 =	simm.s32 @!p0 $0x0  }
0x9: {  	s8 =	sadd.s32 $0x400, s3;
	s9 =	sadd.s32 $0x3200, s3;
	s2 =	ssub.s32 s4, s2  }
0xa: {  	v1 =	vlaneseq.u32;
	_ =	strace $0x80000047;
	s4 =	sshll.u32 s2, $0x8;
	s7 =	smul.u32 $0x80800, s2  }
.Ltmp0:
0xb: {  	v1 =	vmul.u32 $0xFFFFFFFF, v1;
	s10 =	ssub.s32 $0x2, s0;
	v0 =	vmov s2;
	s4 =	sand.u32 $0x1FFFFF00, s4;
	(pc) =	sbr.rel .LBB2_1-.Ltmp0, $4  }
0xc: {  	s30 =	sshrl.u32 s10, $0x1;
	p0 =	seq.s32 s0, $0x0;
	v0 =	vshrl.u32 v0, $0x1B;
	s13 =	sadd.s32 s4, s3  }
0xd: {  	v63 =	vadd.s32 $0x1, v1;
	s3 =	ssub.s32 s10, s30;
	s10 =	sshll.u32 s0, $0xA;
	s14 =	sadd.s32 $0x80000, s7;
	v0 =	vand.u32 $0x10, v0  }
0xe: {  	[tilespmem:$0x1FFF0] =	vst v63;
	s11 =	sadd.s32 s1, s4;
	s12 =	sadd.s32 $0x1200, s13;
	s31 =	sshrl.u32 s14, $0x3;
	v0 =	vadd.s32 s2, v0  }
0xf: {  	v35 =	vimm.s32 $0xF;
	s13 =	sadd.s32 $0x2200, s13;
	s15 =	smax.u32 s3, $0x1;
	s14 =	sadd.s32 s9, s31;
	[tilespmem:$0x1FFE0] =	vst v0  }
.LBB2_7:
0x10: {  	s26 =	sadd.s32 $0x1, s26  }
0x11: {  	p1 =	sne.s32 s26, s15  }
.Ltmp1:
0x12: {  	_ = 	snop;
	(pc) =	sbr.rel @!p1 .LBB2_8-.Ltmp1, $1  }
0x13: {  	_ =	sdelay $0x3  }
.LBB2_1:
0x14: {  	v0 =	vimm.s32 $0x0  }
0x15: {  	[tilespmem:$0x7000] =	vst v0  }
0x16: {  	[tilespmem:$0x7808] =	vst v0  }
0x17: {  	[tilespmem:$0x7880] =	vst v0  }
0x18: {  	[tilespmem:$0x8088] =	vst v0  }
0x19: {  	[tilespmem:$0x8100] =	vst v0  }
0x1a: {  	[tilespmem:$0x8908] =	vst v0  }
0x1b: {  	[tilespmem:$0x7810] =	vst v0  }
0x1c: {  	[tilespmem:$0x8090] =	vst v0  }
0x1d: {  	[tilespmem:$0x8910] =	vst v0  }
0x1e: {  	[tilespmem:s5], [sflag:$0x3] =	stream.linear.gather [hbm4b:s8+s5], $0x7000, $0x38;
	[tilespmem:$0xAC00] =	vst v63  }
0x1f: {  	_ =	swait.ge [sflag:s16], $0x7000  }
0x20: {  	[sflag:s16] =	ssyncset.done $0x0  }
0x21: {  	s0 =	simm.s32 $0x7008;
	[sflag:s16] =	ssyncadd.s32 $0xFFFF9000  }
0x22: {  	[tilespmem:s0], [sflag:$0x3] =	stream.linear.gather [hbm4b:s11+s5], $0x800, $0x38;
	[tilespmem:$0xAC00] =	vst v63  }
0x23: {  	_ =	swait.ge [sflag:s16], $0x800  }
0x24: {  	[sflag:s16] =	ssyncset.done $0x0  }
0x25: {  	s25 =	simm.s32 $0x7888;
	[sflag:s16] =	ssyncadd.s32 $0xFFFFF800  }
0x26: {  	[tilespmem:s25], [sflag:$0x3] =	stream.linear.gather [hbm4b:s12+s5], $0x800, $0x38;
	[tilespmem:$0xAC00] =	vst v63  }
0x27: {  	_ =	swait.ge [sflag:s16], $0x800  }
0x28: {  	[sflag:s16] =	ssyncset.done $0x0  }
0x29: {  	[sflag:s16] =	ssyncadd.s32 $0xFFFFF800  }
0x2a: {  	[tilespmem:s19], [sflag:$0x3] =	stream.linear.gather [hbm4b:s13+s5], $0x800, $0x38;
	[tilespmem:$0xAC00] =	vst v63  }
0x2b: {  	_ =	swait.ge [sflag:s16], $0x800  }
0x2c: {  	[sflag:s16] =	ssyncset.done $0x0  }
0x2d: {  	[sflag:s16] =	ssyncadd.s32 $0xFFFFF800  }
0x2e: {  	s29 =	rddreg [dreg:$0x2]  }
0x2f: {  	[tilespmem:s20], [sflag:$0x3] =	stream.linear.gather [hbm4b:s29+s5], $0x80, $0x38;
	[tilespmem:$0xAC00] =	vst v63  }
0x30: {  	_ =	swait.ge [sflag:s16], $0x80  }
0x31: {  	[sflag:s16] =	ssyncset.done $0x0  }
0x32: {  	[sflag:s16] =	ssyncadd.s32 $0xFFFFFF80  }
0x33: {  	s30 =	rddreg [dreg:$0x3]  }
0x34: {  	[tilespmem:s21], [sflag:$0x3] =	stream.linear.gather [hbm4b:s30+s5], $0x100, $0x38;
	[tilespmem:$0xAC00] =	vst v63  }
0x35: {  	_ =	swait.ge [sflag:s16], $0x100  }
0x36: {  	[sflag:s16] =	ssyncset.done $0x0  }
0x37: {  	[sflag:s16] =	ssyncadd.s32 $0xFFFFFF00  }
0x38: {  	s31 =	rddreg [dreg:$0x4]  }
0x39: {  	[tilespmem:s22], [sflag:$0x3] =	stream.linear.gather [hbm4b:s31+s5], $0x100, $0x38;
	[tilespmem:$0xAC00] =	vst v63  }
0x3a: {  	_ =	swait.ge [sflag:s16], $0x100  }
0x3b: {  	[sflag:s16] =	ssyncset.done $0x0  }
0x3c: {  	v1 =	vld [tilespmem:$0x1FFE0];
	[sflag:s16] =	ssyncadd.s32 $0xFFFFFF00  }
0x3d: {  	v62 =	vld [tilespmem:$0x8980]  }
0x3e: {  	v12 =	vld [tilespmem:$0x8BD0]  }
0x3f: {  	v16 =	vld [tilespmem:$0x8AA0]  }
0x40: {  	v17 =	vld [tilespmem:$0x8BC0]  }
0x41: {  	v18 =	vld [tilespmem:$0x8BB0]  }
0x42: {  	v19 =	vld [tilespmem:$0x8BA0]  }
0x43: {  	v20 =	vld [tilespmem:$0x8A90];
	[tilespmem:$0x1FDE0] =	vst v12  }
0x44: {  	v21 =	vld [tilespmem:$0x8A80];
	[tilespmem:$0x1FDF0] =	vst v16  }
0x45: {  	v22 =	vld [tilespmem:$0x8A70];
	[tilespmem:$0x1FE00] =	vst v17  }
0x46: {  	v23 =	vld [tilespmem:$0x8A60];
	[tilespmem:$0x1FE10] =	vst v18  }
0x47: {  	v24 =	vld [tilespmem:$0x8B90];
	[tilespmem:$0x1FE20] =	vst v19  }
0x48: {  	v27 =	vld [tilespmem:$0x8B80];
	[tilespmem:$0x1FE30] =	vst v20  }
0x49: {  	v28 =	vld [tilespmem:$0x8B70];
	[tilespmem:$0x1FE40] =	vst v21  }
0x4a: {  	v29 =	vld [tilespmem:$0x8A40];
	[tilespmem:$0x1FE50] =	vst v22  }
0x4b: {  	v38 =	vld [tilespmem:$0x8B60];
	[tilespmem:$0x1FE60] =	vst v23  }
0x4c: {  	v39 =	vld [tilespmem:$0x8B50];
	[tilespmem:$0x1FE70] =	vst v24  }
0x4d: {  	v50 =	vld [tilespmem:$0x8B30];
	[tilespmem:$0x1FE80] =	vst v27  }
0x4e: {  	v41 =	vld [tilespmem:$0x8B40];
	[tilespmem:$0x1FE90] =	vst v28  }
0x4f: {  	v51 =	vld [tilespmem:$0x8A30];
	[tilespmem:$0x1FEA0] =	vst v29  }
0x50: {  	v52 =	vld [tilespmem:$0x8A20];
	[tilespmem:$0x1FEB0] =	vst v38  }
0x51: {  	v53 =	vld [tilespmem:$0x8B20];
	[tilespmem:$0x1FEC0] =	vst v39  }
0x52: {  	v54 =	vld [tilespmem:$0x8A10];
	[tilespmem:$0x1FED0] =	vst v50  }
0x53: {  	v55 =	vld [tilespmem:$0x8A00];
	[tilespmem:$0x1FEE0] =	vst v41  }
0x54: {  	v56 =	vld [tilespmem:$0x8B10];
	[tilespmem:$0x1FEF0] =	vst v51  }
0x55: {  	v57 =	vld [tilespmem:$0x8B00];
	[tilespmem:$0x1FF00] =	vst v52  }
0x56: {  	v30 =	vld [tilespmem:$0x8A50];
	[tilespmem:$0x1FF10] =	vst v53  }
0x57: {  	v40 =	vld [tilespmem:$0x8AF0];
	[tilespmem:$0x1FF20] =	vst v54  }
0x58: {  	v37 =	vld [tilespmem:$0x8AE0];
	[tilespmem:$0x1FF30] =	vst v55  }
0x59: {  	v31 =	vld [tilespmem:$0x8AD0];
	[tilespmem:$0x1FF40] =	vst v56  }
0x5a: {  	v33 =	vld [tilespmem:$0x8AC0];
	[tilespmem:$0x1FF50] =	vst v57  }
0x5b: {  	v34 =	vld [tilespmem:$0x8AB0];
	[tilespmem:$0x1FF60] =	vst v30  }
0x5c: {  	v36 =	vld [tilespmem:$0x8BF0];
	[tilespmem:$0x1FF70] =	vst v40  }
0x5d: {  	v32 =	vld [tilespmem:$0x8BE0];
	[tilespmem:$0x1FF80] =	vst v37  }
0x5e: {  	v63 =	vld [tilespmem:$0x1FFF0];
	[tilespmem:$0x1FF90] =	vst v31  }
0x5f: {  	[tilespmem:$0x1FFA0] =	vst v33  }
0x60: {  	[tilespmem:$0x1FFB0] =	vst v34  }
0x61: {  	v1 =	vperm.xlane v62, v1;
	[tilespmem:$0x1FFC0] =	vst v36  }
0x62: {  	[tilespmem:$0x1FFD0] =	vst v32  }
0x63: {  	[tilespmem:$0x1FDC0] =	vst v1;
	v0 =	vadd.s32 v63, v1  }
0x64: {  	s28 =	simm.s32 $0x0;
	[tilespmem:$0x1FDD0] =	vst v0  }
.LBB2_2:
0x65: {  	s30 =	sand.u32 $0x1, s28;
	p2 =	slt.u32 s28, $0x2  }
0x66: {  	p1 =	sne.s32 @!p2 s30, $0x0  }
0x67: {  	p3 =	por p1, p2  }
0x68: {  	s0 =	simm.s32 @!p3 $0x1  }
0x69: {  	p1 =	seq.s32 s30, $0x1;
	_ =	swait.ge @!p3 [sflag:s0], $0x1000  }
0x6a: {  	p2 =	por !p1, p2;
	[sflag:s0] =	ssyncset.done @!p3 $0x0  }
0x6b: {  	s4 =	sshll.u32 s28, $0x4;
	s1 =	simm.s32 @!p2 $0x2;
	[sflag:s0] =	ssyncadd.s32 @!p3 $0xFFFFF000  }
0x6c: {  	s29 =	sadd.s32 s10, s4;
	_ =	swait.ge @!p2 [sflag:s1], $0x1000  }
0x6d: {  	s2 =	sand.u32 $0x780, s29;
	s0 =	sand.u32 $0x70, s4;
	[sflag:s1] =	ssyncset.done @!p2 $0x0  }
0x6e: {  	s0 =	sor.u32 s0, s2;
	v9 =	vld [tilespmem:$0x1FDC0];
	[sflag:s1] =	ssyncadd.s32 @!p2 $0xFFFFF000  }
0x6f: {  	v0 =	vld [tilespmem:s0+$0x7006]  }
0x70: {  	v1 =	vld [tilespmem:s0+$0x7886]  }
0x71: {  	v2 =	vld [tilespmem:s0+$0x8106]  }
0x72: {  	v3 =	vld [tilespmem:s0+$0x7007]  }
0x73: {  	v4 =	vld [tilespmem:s0+$0x7887]  }
0x74: {  	v5 =	vld [tilespmem:s0+$0x8107]  }
0x75: {  	v8 =	vlaneseq.u32  }
0x76: {  	v7 =	vor.u32 s29, v8  }
0x77: {  	v6 =	vmov s29;
	vm0 =	vgt.s32 v7, v9;
	v7 =	vld [tilespmem:$0x1FDD0]  }
0x78: {  	vm1 =	veq.s32 v6, v8  }
0x79: {  	v0 =	vsel vm0, v0, v3;
	v1 =	vsel vm0, v1, v4;
	v2 =	vsel vm0, v2, v5  }
0x7a: {  	v0 =	vadd.s32 $0x1, v0;
	v1 =	vadd.s32 $0x1, v1;
	v2 =	vadd.s32 $0x1, v2  }
0x7b: {  	vm13 =	vgt.s32 v0, $0x0;
	vm3 =	vgt.s32 v1, $0x0;
	vm14 =	vgt.s32 v2, $0x0  }
0x7c: {  	vm2 =	veq.s32 v6, v7;
	v0 =	vnsel vm13, $0x0, v0;
	v1 =	vnsel vm3, $0x0, v1  }
0x7d: {  	v2 =	vnsel vm14, $0x0, v2;
	vm15 =	vmor vm1, vm2;
	v1 =	vmin.u32 v1, $0x1F  }
0x7e: {  	v0 =	vmin.u32 v0, $0x29;
	v2 =	vmin.u32 v2, $0x1F;
	v1 =	vshll.u32 v1, $0x7  }
0x7f: {  	v0 =	vsel vm2, $0x6B, v0;
	v2 =	vshll.u32 v2, $0xE;
	v1 =	vadd.s32 $0x1500, v1  }
0x80: {  	v0 =	vsel vm1, $0x6A, v0;
	v2 =	vadd.s32 $0x128000, v2;
	v1 =	vsel vm15, $0x3600, v1  }
0x81: {  	s31 =	simm.s32 $0x0;
	v0 =	vor.u32 v0, v1;
	v1 =	vsel vm15, $0x1B4000, v2  }
0x82: {  	v30 =	vor.u32 v1, v0;
	v0 =	vmov s31  }
0x83: {  	v0 =	vperm.xlane v30, v0;
	_ =	sdelay $0x1  }
0x84: {  	(v2sf) =	vpush v0, $0x0;
	_ =	sdelay $0xe  }
0x85: {  	s17 =	spop (v2sf)  }
0x86: {  	s18 =	sshll.u32 s17, $0x8  }
0x87: {  	s24 =	sshll.u32 s17, $0x1;
	s1 =	sand.u32 $0x7F00, s18  }
0x88: {  	s2 =	sand.u32 $0x7F00, s24;
	v1 =	vld [tilespmem:s1+$0x0]  }
0x89: {  	v2 =	vld [tilespmem:s2+$0x0]  }
0x8a: {  	v3 =	vld [tilespmem:s1+$0x10]  }
0x8b: {  	v4 =	vld [tilespmem:s2+$0x10]  }
0x8c: {  	v5 =	vld [tilespmem:s1+$0x20]  }
0x8d: {  	v6 =	vld [tilespmem:s2+$0x20]  }
0x8e: {  	v7 =	vld [tilespmem:s1+$0x30]  }
0x8f: {  	v8 =	vld [tilespmem:s2+$0x30]  }
0x90: {  	v9 =	vld [tilespmem:s1+$0x40]  }
0x91: {  	v10 =	vld [tilespmem:s2+$0x40]  }
0x92: {  	v11 =	vld [tilespmem:s1+$0x50]  }
0x93: {  	v12 =	vld [tilespmem:s2+$0x50]  }
0x94: {  	v13 =	vld [tilespmem:s1+$0x60]  }
0x95: {  	v14 =	vld [tilespmem:s2+$0x60]  }
0x96: {  	s0 =	sshra.s32 s17, $0x6;
	v15 =	vld [tilespmem:s1+$0x70]  }
0x97: {  	s0 =	sand.u32 $0xFFFFFF00, s0;
	v16 =	vld [tilespmem:s2+$0x70]  }
0x98: {  	v17 =	vld [tilespmem:s0+$0x0]  }
0x99: {  	v18 =	vld [tilespmem:s0+$0x10]  }
0x9a: {  	v19 =	vld [tilespmem:s0+$0x20]  }
0x9b: {  	v20 =	vld [tilespmem:s0+$0x30]  }
0x9c: {  	v21 =	vld [tilespmem:s0+$0x40]  }
0x9d: {  	s3 =	simm.s32 $0x1;
	v22 =	vld [tilespmem:s0+$0x50]  }
0x9e: {  	v0 =	vmov s3;
	v23 =	vld [tilespmem:s0+$0x60]  }
0x9f: {  	v0 =	vperm.xlane v30, v0;
	v24 =	vld [tilespmem:s0+$0x70]  }
0xa0: {  	v25 =	vld [tilespmem:s0+$0x80]  }
0xa1: {  	(v2sf) =	vpush v0, $0x0;
	v26 =	vld [tilespmem:s0+$0x90]  }
0xa2: {  	v27 =	vld [tilespmem:s0+$0xA0]  }
0xa3: {  	v28 =	vld [tilespmem:s0+$0xB0]  }
0xa4: {  	v29 =	vld [tilespmem:s0+$0xC0]  }
0xa5: {  	v38 =	vld [tilespmem:s0+$0xD0]  }
0xa6: {  	v39 =	vld [tilespmem:s0+$0xE0]  }
0xa7: {  	v48 =	vld [tilespmem:s0+$0xF0]  }
0xa8: {  	v41 =	vld [tilespmem:s1+$0x80]  }
0xa9: {  	v42 =	vld [tilespmem:s2+$0x80]  }
0xaa: {  	v43 =	vld [tilespmem:s1+$0x90]  }
0xab: {  	v44 =	vld [tilespmem:s2+$0x90]  }
0xac: {  	v45 =	vld [tilespmem:s1+$0xA0]  }
0xad: {  	v47 =	vld [tilespmem:s1+$0xB0]  }
0xae: {  	v50 =	vld [tilespmem:s1+$0xC0]  }
0xaf: {  	v37 =	vmov v52;
	v52 =	vld [tilespmem:s1+$0xD0]  }
0xb0: {  	v34 =	vmov v54;
	v54 =	vld [tilespmem:s1+$0xE0];
	s25 =	spop (v2sf)  }
0xb1: {  	v36 =	vmov v56;
	v56 =	vld [tilespmem:s1+$0xF0];
	s1 =	sshra.s32 s25, $0x6  }
0xb2: {  	v46 =	vld [tilespmem:s2+$0xA0];
	s0 =	sand.u32 $0xFFFFFF00, s1  }
0xb3: {  	v0 =	vld [tilespmem:s0+$0x0]  }
0xb4: {  	v49 =	vld [tilespmem:s2+$0xB0]  }
0xb5: {  	v61 =	vld [tilespmem:s2+$0xC0]  }
0xb6: {  	v62 =	vld [tilespmem:s2+$0xD0]  }
0xb7: {  	v32 =	vmov v55;
	v55 =	vld [tilespmem:s2+$0xE0]  }
0xb8: {  	v63 =	vld [tilespmem:s2+$0xF0];
	[tilespmem:$0x1FB40] =	vst v0  }
0xb9: {  	v0 =	vld [tilespmem:s0+$0x10];
	_ =	sdelay $0x4  }
0xba: {  	[tilespmem:$0x1FB50] =	vst v0  }
0xbb: {  	v0 =	vld [tilespmem:s0+$0x20];
	_ =	sdelay $0x4  }
0xbc: {  	[tilespmem:$0x1FB60] =	vst v0  }
0xbd: {  	v0 =	vld [tilespmem:s0+$0x30];
	_ =	sdelay $0x4  }
0xbe: {  	[tilespmem:$0x1FB70] =	vst v0  }
0xbf: {  	v0 =	vld [tilespmem:s0+$0x40];
	_ =	sdelay $0x1  }
0xc0: {  	v1 =	vadd.f32 v2, v1;
	v2 =	vadd.f32 v4, v3  }
0xc1: {  	v3 =	vadd.f32 v6, v5;
	v5 =	vadd.f32 v8, v7  }
0xc2: {  	v10 =	vadd.f32 v10, v9;
	v11 =	vadd.f32 v12, v11  }
0xc3: {  	v12 =	vadd.f32 v14, v13;
	v13 =	vadd.f32 v16, v15;
	s2 =	sshll.u32 s25, $0x8;
	[tilespmem:$0x1FB80] =	vst v0  }
0xc4: {  	v14 =	vadd.f32 v42, v41;
	v15 =	vadd.f32 v44, v43;
	s4 =	sshll.u32 s25, $0x1;
	s1 =	sand.u32 $0x7F00, s2;
	v6 =	vld [tilespmem:s0+$0x50]  }
0xc5: {  	v16 =	vadd.f32 v46, v45;
	v60 =	vadd.f32 v49, v47;
	s2 =	sand.u32 $0x7F00, s4;
	v58 =	vld [tilespmem:s1+$0x0]  }
0xc6: {  	v40 =	vmov v53;
	v61 =	vadd.f32 v61, v50;
	v62 =	vadd.f32 v62, v52;
	v53 =	vld [tilespmem:s2+$0x0]  }
0xc7: {  	v54 =	vadd.f32 v55, v54;
	v63 =	vadd.f32 v63, v56;
	v56 =	vld [tilespmem:s1+$0x10]  }
0xc8: {  	v31 =	vmov v51;
	v51 =	vadd.f32 v17, v1;
	v52 =	vadd.f32 v18, v2;
	v17 =	vld [tilespmem:s2+$0x10]  }
0xc9: {  	v7 =	vadd.f32 v19, v3;
	v5 =	vadd.f32 v20, v5;
	v18 =	vld [tilespmem:s1+$0x20]  }
0xca: {  	v8 =	vadd.f32 v21, v10;
	v9 =	vadd.f32 v22, v11;
	v10 =	vld [tilespmem:s2+$0x20]  }
0xcb: {  	v50 =	vadd.f32 v23, v12;
	v49 =	vadd.f32 v24, v13;
	v11 =	vld [tilespmem:s1+$0x30]  }
0xcc: {  	v44 =	vadd.f32 v25, v14;
	v45 =	vadd.f32 v26, v15;
	v12 =	vld [tilespmem:s2+$0x30]  }
0xcd: {  	v42 =	vadd.f32 v27, v16;
	v43 =	vadd.f32 v28, v60;
	v13 =	vld [tilespmem:s1+$0x40]  }
0xce: {  	v41 =	vadd.f32 v29, v61;
	v14 =	vmul.f32 v51, v51;
	v15 =	vmul.f32 v52, v52;
	v16 =	vld [tilespmem:s2+$0x40]  }
0xcf: {  	v46 =	vadd.f32 v38, v62;
	v19 =	vmul.f32 v7, v7;
	v20 =	vmul.f32 v5, v5;
	v21 =	vld [tilespmem:s1+$0x50]  }
0xd0: {  	v47 =	vadd.f32 v39, v54;
	v22 =	vmul.f32 v8, v8;
	v23 =	vmul.f32 v9, v9;
	v24 =	vld [tilespmem:s2+$0x50]  }
0xd1: {  	v48 =	vadd.f32 v48, v63;
	v25 =	vmul.f32 v50, v50;
	v26 =	vmul.f32 v49, v49;
	v27 =	vld [tilespmem:s1+$0x60]  }
0xd2: {  	v28 =	vmul.f32 v44, v44;
	v29 =	vadd.f32 v52, v51;
	v38 =	vadd.f32 v5, v7;
	v39 =	vld [tilespmem:s2+$0x60]  }
0xd3: {  	v33 =	vmovc v57;
	v54 =	vmul.f32 v45, v45;
	v55 =	vadd.f32 v9, v8;
	v57 =	vadd.f32 v49, v50;
	v59 =	vld [tilespmem:s1+$0x70]  }
0xd4: {  	v60 =	vmul.f32 v42, v42;
	v61 =	vadd.f32 v45, v44;
	v62 =	vadd.f32 v43, v42;
	v63 =	vld [tilespmem:s2+$0x70]  }
0xd5: {  	v3 =	vmul.f32 v43, v43;
	v2 =	vmul.f32 v41, v41;
	v29 =	vadd.f32 v38, v29;
	v4 =	vld [tilespmem:s1+$0x80]  }
0xd6: {  	v38 =	vadd.f32 v57, v55;
	v57 =	vmul.f32 v46, v46;
	v61 =	vadd.f32 v62, v61;
	v55 =	vld [tilespmem:s2+$0x80]  }
0xd7: {  	v62 =	vmul.f32 v47, v47;
	v14 =	vadd.f32 v15, v14;
	v15 =	vadd.f32 v20, v19;
	v19 =	vld [tilespmem:s2+$0x90]  }
0xd8: {  	v20 =	vmul.f32 v48, v48;
	v22 =	vadd.f32 v23, v22;
	v23 =	vadd.f32 v26, v25;
	v25 =	vld [tilespmem:s1+$0xA0]  }
0xd9: {  	v26 =	vadd.f32 v54, v28;
	v3 =	vadd.f32 v3, v60;
	v28 =	vld [tilespmem:s2+$0xA0]  }
0xda: {  	v2 =	vadd.f32 v57, v2;
	v20 =	vadd.f32 v20, v62;
	v57 =	vld [tilespmem:s1+$0xB0]  }
0xdb: {  	v14 =	vadd.f32 v15, v14;
	v15 =	vadd.f32 v23, v22;
	v22 =	vld [tilespmem:s2+$0xB0]  }
0xdc: {  	v3 =	vadd.f32 v3, v26;
	v2 =	vadd.f32 v20, v2;
	v20 =	vld [tilespmem:s1+$0xC0]  }
0xdd: {  	v26 =	vld [tilespmem:s2+$0xC0]  }
0xde: {  	v14 =	vadd.f32 v15, v14;
	v2 =	vadd.f32 v2, v3;
	v3 =	vld [tilespmem:s1+$0xD0]  }
0xdf: {  	v15 =	vld [tilespmem:s2+$0xD0]  }
0xe0: {  	v1 =	vadd.f32 v46, v41;
	v2 =	vadd.f32 v2, v14;
	v14 =	vld [tilespmem:s1+$0xE0]  }
0xe1: {  	v23 =	vadd.f32 v38, v29;
	v0 =	vadd.f32 v48, v47;
	v29 =	vld [tilespmem:s2+$0xE0]  }
0xe2: {  	v60 =	vld [tilespmem:s0+$0x70]  }
0xe3: {  	v0 =	vadd.f32 v0, v1;
	v1 =	vld [tilespmem:s1+$0x90]  }
0xe4: {  	v11 =	vadd.f32 v12, v11;
	v12 =	vld [tilespmem:s1+$0xF0]  }
0xe5: {  	v0 =	vadd.f32 v0, v61;
	v10 =	vadd.f32 v10, v18;
	v18 =	vld [tilespmem:s2+$0xF0]  }
0xe6: {  	v13 =	vadd.f32 v16, v13;
	v16 =	vadd.f32 v24, v21;
	v21 =	vld [tilespmem:s0+$0x60]  }
0xe7: {  	v25 =	vadd.f32 v28, v25;
	v28 =	vld [tilespmem:s0+$0x90]  }
0xe8: {  	v0 =	vadd.f32 v0, v23;
	v20 =	vadd.f32 v26, v20;
	v26 =	vld [tilespmem:$0x1FB60]  }
0xe9: {  	v23 =	vadd.f32 v53, v58;
	v3 =	vadd.f32 v15, v3;
	v15 =	vld [tilespmem:s0+$0xA0]  }
0xea: {  	v17 =	vadd.f32 v17, v56;
	v14 =	vadd.f32 v29, v14;
	v29 =	vld [tilespmem:$0x1FB80]  }
0xeb: {  	v24 =	vadd.f32 v39, v27;
	v1 =	vadd.f32 v19, v1;
	v19 =	vld [tilespmem:s0+$0x80]  }
0xec: {  	v27 =	vadd.f32 v63, v59;
	v12 =	vadd.f32 v18, v12;
	v18 =	vld [tilespmem:$0x1FB40]  }
0xed: {  	v4 =	vadd.f32 v55, v4;
	v10 =	vadd.f32 v26, v10;
	v26 =	vld [tilespmem:$0x1FB70]  }
0xee: {  	v22 =	vadd.f32 v22, v57;
	v16 =	vadd.f32 v6, v16;
	v6 =	vld [tilespmem:s0+$0xD0]  }
0xef: {  	v21 =	vadd.f32 v21, v24;
	v24 =	vadd.f32 v60, v27;
	v27 =	vld [tilespmem:s0+$0xE0]  }
0xf0: {  	v13 =	vadd.f32 v29, v13;
	v4 =	vadd.f32 v19, v4;
	v19 =	vld [tilespmem:s0+$0xF0]  }
0xf1: {  	v1 =	vadd.f32 v28, v1;
	v18 =	vadd.f32 v18, v23;
	v23 =	vld [tilespmem:$0x1FB50]  }
0xf2: {  	v15 =	vadd.f32 v15, v25;
	v29 =	vmul.f32 v16, v16;
	v11 =	vadd.f32 v26, v11;
	v26 =	vld [tilespmem:s0+$0xC0]  }
0xf3: {  	v3 =	vadd.f32 v6, v3;
	v54 =	vmul.f32 v1, v1;
	v55 =	vadd.f32 v16, v13  }
0xf4: {  	v56 =	vadd.f32 v24, v21;
	v38 =	vmul.f32 v4, v4;
	v58 =	vadd.f32 v1, v4  }
0xf5: {  	(xrf2) =	vadd.scan.msk.f32 $0xffff, v0;
	v0 =	vmul.f32 v3, v3;
	v14 =	vadd.f32 v27, v14;
	v6 =	vadd.f32 v19, v12  }
0xf6: {  	v12 =	vmul.f32 v21, v21;
	v19 =	vmul.f32 v24, v24;
	v53 =	vadd.f32 v11, v10  }
0xf7: {  	v27 =	vmul.f32 v13, v13;
	v17 =	vadd.f32 v23, v17;
	v23 =	vld [tilespmem:s0+$0xB0];
	v20 =	vadd.f32 v26, v20  }
0xf8: {  	v28 =	vmul.f32 v11, v11;
	v62 =	vadd.f32 v6, v14;
	v12 =	vadd.f32 v19, v12  }
0xf9: {  	(xrf2) =	vadd.scan.msk.f32 $0xffff, v2;
	v2 =	vmul.f32 v6, v6;
	v39 =	vadd.f32 v17, v18;
	v61 =	vadd.f32 v3, v20  }
0xfa: {  	v19 =	vadd.f32 v54, v38;
	v25 =	vmul.f32 v17, v17;
	v63 =	vmul.f32 v20, v20  }
0xfb: {  	v39 =	vadd.f32 v53, v39;
	v61 =	vadd.f32 v62, v61;
	v62 =	vmul.f32 v14, v14  }
0xfc: {  	v53 =	vadd.f32 v56, v55;
	v22 =	vadd.f32 v23, v22;
	v23 =	vmul.f32 v18, v18  }
0xfd: {  	v26 =	vmul.f32 v10, v10;
	v0 =	vadd.f32 v0, v63;
	v2 =	vadd.f32 v2, v62  }
0xfe: {  	v57 =	vmul.f32 v15, v15;
	v59 =	vadd.f32 v22, v15;
	v23 =	vadd.f32 v25, v23  }
0xff: {  	v60 =	vmul.f32 v22, v22;
	v25 =	vadd.f32 v28, v26;
	v26 =	vadd.f32 v29, v27  }
0x100: {  	v29 =	vadd.f32 v53, v39;
	v0 =	vadd.f32 v2, v0  }
0x101: {  	v55 =	vadd.f32 v59, v58;
	v27 =	vadd.f32 v60, v57  }
0x102: {  	s17 =	simm.s32 $0x2;
	v23 =	vadd.f32 v25, v23;
	v12 =	vadd.f32 v12, v26  }
0x103: {  	v28 =	vmov s17;
	v63 =	vadd.f32 v61, v55;
	v19 =	vadd.f32 v27, v19  }
0x104: {  	v28 =	vperm.xlane v30, v28;
	v12 =	vadd.f32 v12, v23  }
0x105: {  	v2 =	vadd.f32 v63, v29;
	v0 =	vadd.f32 v0, v19  }
0x106: {  	(v2sf) =	vpush v28, $0x0  }
0x107: {  	v19, _, _ =	vpop (xrf2);
	(xrf2) =	vadd.scan.msk.f32 $0xffff, v2;
	v2 =	vadd.f32 v0, v12;
	_ =	sdelay $0x1  }
0x108: {  	v12, _, _ =	vpop (xrf2);
	(xrf2) =	vadd.scan.msk.f32 $0xffff, v2;
	_ =	sdelay $0x3  }
0x109: {  	v19 =	vperm.xlane v19, v35;
	_ =	sdelay $0x1  }
0x10a: {  	v12 =	vperm.xlane v12, v35;
	v0 =	vmul.f32 $3.906250000e-03, v19;
	_ =	sdelay $0x1  }
0x10b: {  	v2 =	vmul.f32 $3.906250000e-03, v12;
	v12 =	vmul.f32 v0, v0;
	v19, _, _ =	vpop (xrf2)  }
0x10c: {  	v19 =	vperm.xlane v19, v35  }
0x10d: {  	v2 =	vsub.f32 v2, v12;
	v25, _, _ =	vpop (xrf2)  }
0x10e: {  	v26 =	vmul.f32 $3.906250000e-03, v19;
	v19 =	vperm.xlane v25, v35  }
0x10f: {  	v2 =	vadd.f32 $9.999999740e-06, v2;
	s18 =	spop (v2sf)  }
0x110: {  	s24 =	sshll.u32 s18, $0x8;
	v19 =	vmul.f32 $3.906250000e-03, v19;
	v27 =	vmul.f32 v26, v26  }
0x111: {  	v12 =	vshra.s32 v2, $0x1;
	v2 =	vmul.f32 $5.000000000e-01, v2;
	s4 =	sshll.u32 s18, $0x1;
	s25 =	sand.u32 $0x7F00, s24  }
0x112: {  	v12 =	vsub.s32 $0x5F3759DF, v12;
	s0 =	sand.u32 $0x7F00, s4;
	v25 =	vld [tilespmem:s25+$0x0];
	v19 =	vsub.f32 v19, v27  }
0x113: {  	v23 =	vmul.f32 v12, v2;
	v28 =	vld [tilespmem:s0+$0x0];
	v29 =	vsub.f32 v18, v26  }
0x114: {  	v18 =	vld [tilespmem:s25+$0x10];
	v27 =	vsub.f32 v17, v26;
	v17 =	vadd.f32 $9.999999740e-06, v19  }
0x115: {  	v23 =	vmul.f32 v12, v23;
	v38 =	vsub.f32 v10, v26;
	v10 =	vld [tilespmem:s0+$0x10]  }
0x116: {  	v53 =	vsub.f32 v11, v26;
	v11 =	vld [tilespmem:s25+$0x20];
	v19 =	vshra.s32 v17, $0x1;
	v56 =	vmul.f32 $5.000000000e-01, v17  }
0x117: {  	v54 =	vsub.f32 v13, v26;
	v13 =	vld [tilespmem:s0+$0x20];
	v23 =	vsub.f32 $1.500000000e+00, v23;
	v39 =	vsub.s32 $0x5F3759DF, v19  }
0x118: {  	v55 =	vsub.f32 v16, v26;
	v16 =	vld [tilespmem:s25+$0x30];
	v58 =	vsub.f32 v4, v26;
	v4 =	vmul.f32 v39, v56  }
0x119: {  	v59 =	vsub.f32 v1, v26;
	v1 =	vld [tilespmem:s25+$0x40];
	v60 =	vsub.f32 v15, v26;
	v12 =	vmul.f32 v12, v23  }
0x11a: {  	v15 =	vld [tilespmem:s0+$0x40];
	v61 =	vsub.f32 v3, v26;
	v3 =	vmul.f32 v39, v4;
	v4 =	vadd.f32 v28, v25  }
0x11b: {  	v23 =	vsub.f32 v24, v26;
	v24 =	vld [tilespmem:s0+$0x30];
	v2 =	vmul.f32 v12, v2  }
0x11c: {  	[tilespmem:$0x1FBB0] =	vst v4;
	v4 =	vadd.f32 v10, v18  }
0x11d: {  	v2 =	vmul.f32 v2, v12  }
0x11e: {  	v62 =	vsub.f32 v14, v26;
	v14 =	vld [tilespmem:s25+$0x50];
	[tilespmem:$0x1FBD0] =	vst v4;
	v4 =	vadd.f32 v13, v11  }
0x11f: {  	v1 =	vadd.f32 v15, v1;
	v2 =	vsub.f32 $1.500000000e+00, v2  }
0x120: {  	v10 =	vld [tilespmem:s0+$0x50];
	[tilespmem:$0x1FBF0] =	vst v4;
	v4 =	vadd.f32 v24, v16  }
0x121: {  	s2 =	sshra.s32 s18, $0x6;
	v63 =	vmul.f32 v2, v12;
	v11 =	vld [tilespmem:s25+$0x60];
	[tilespmem:$0x1FC30] =	vst v1;
	v1 =	vsub.f32 v51, v0  }
0x122: {  	s3 =	sand.u32 $0xFFFFFF00, s2;
	[tilespmem:$0x1FC10] =	vst v4  }
0x123: {  	v25 =	vmul.f32 v63, v1;
	v1 =	vld [tilespmem:s3+$0x0]  }
0x124: {  	v3 =	vsub.f32 $1.500000000e+00, v3;
	_ =	sdelay $0x1  }
0x125: {  	v15 =	vmul.f32 v39, v3;
	v3 =	vld [tilespmem:s0+$0x60]  }
0x126: {  	v16 =	vld [tilespmem:s25+$0x70]  }
0x127: {  	v24 =	vld [tilespmem:s0+$0x70];
	[tilespmem:$0x1FBC0] =	vst v1  }
0x128: {  	v1 =	vld [tilespmem:s3+$0x10];
	_ =	sdelay $0x4  }
0x129: {  	[tilespmem:$0x1FBE0] =	vst v1;
	v1 =	vadd.f32 v10, v14;
	_ =	sdelay $0x1  }
0x12a: {  	[tilespmem:$0x1FC60] =	vst v1  }
0x12b: {  	v1 =	vld [tilespmem:s3+$0x20];
	_ =	sdelay $0x4  }
0x12c: {  	[tilespmem:$0x1FC00] =	vst v1  }
0x12d: {  	v1 =	vld [tilespmem:s3+$0x30];
	_ =	sdelay $0x4  }
0x12e: {  	[tilespmem:$0x1FC20] =	vst v1;
	v1 =	vadd.f32 v3, v11;
	_ =	sdelay $0x1  }
0x12f: {  	[tilespmem:$0x1FC80] =	vst v1  }
0x130: {  	v1 =	vld [tilespmem:s3+$0x40];
	_ =	sdelay $0x4  }
0x131: {  	[tilespmem:$0x1FC40] =	vst v1  }
0x132: {  	v1 =	vld [tilespmem:s3+$0x50];
	_ =	sdelay $0x4  }
0x133: {  	[tilespmem:$0x1FC70] =	vst v1;
	v1 =	vadd.f32 v24, v16;
	_ =	sdelay $0x1  }
0x134: {  	[tilespmem:$0x1FCA0] =	vst v1  }
0x135: {  	v1 =	vld [tilespmem:s3+$0x60];
	_ =	sdelay $0x3  }
0x136: {  	v17 =	vld [tilespmem:$0x1FEE0];
	v13 =	vmul.f32 v15, v56  }
0x137: {  	v2 =	vsub.f32 v52, v0;
	v12 =	vsub.f32 v5, v0;
	v18 =	vld [tilespmem:$0x1FED0];
	[tilespmem:$0x1FC90] =	vst v1  }
0x138: {  	v13 =	vmul.f32 v13, v15;
	v1 =	vld [tilespmem:s3+$0x70]  }
0x139: {  	v28 =	vmul.f32 v63, v2;
	v2 =	vld [tilespmem:$0x1FEA0];
	v14 =	vmul.f32 v63, v12  }
0x13a: {  	v7 =	vsub.f32 v7, v0;
	v57 =	vsub.f32 $1.500000000e+00, v13;
	v12 =	vld [tilespmem:$0x1FF60]  }
0x13b: {  	v8 =	vsub.f32 v8, v0;
	v9 =	vsub.f32 v9, v0;
	v19 =	vmovc v31;
	v52 =	vmul.f32 v14, v31;
	v31 =	vld [tilespmem:$0x1FF70]  }
0x13c: {  	v44 =	vsub.f32 v44, v0;
	v21 =	vsub.f32 v21, v26;
	v51 =	vmul.f32 v57, v15;
	v14 =	vld [tilespmem:$0x1FEC0]  }
0x13d: {  	v22 =	vsub.f32 v22, v26;
	v20 =	vsub.f32 v20, v26;
	v7 =	vmul.f32 v63, v7;
	[tilespmem:$0x1FCB0] =	vst v1;
	v1 =	vld [tilespmem:$0x1FFC0]  }
0x13e: {  	v6 =	vsub.f32 v6, v26;
	v26 =	vmul.f32 v51, v29;
	v29 =	vsub.f32 v49, v0;
	v49 =	vld [tilespmem:s25+$0x80]  }
0x13f: {  	s17 =	simm.s32 $0x3;
	v7 =	vmul.f32 v7, v37;
	v24 =	vsub.f32 v50, v0;
	v50 =	vmul.f32 v51, v53;
	v53 =	vld [tilespmem:s0+$0x80]  }
0x140: {  	v39 =	vmov s17;
	v6 =	vmul.f32 v51, v6;
	v27 =	vmul.f32 v51, v27;
	v56 =	vld [tilespmem:s25+$0x90]  }
0x141: {  	v45 =	vsub.f32 v45, v0;
	v42 =	vsub.f32 v42, v0;
	v57 =	vperm.xlane v30, v39;
	v10 =	vld [tilespmem:s0+$0x90];
	[tilespmem:$0x1FB90] =	vst v30  }
0x142: {  	v27 =	vmul.f32 v27, v34;
	v6 =	vmul.f32 v6, v31;
	v16 =	vadd.f32 v7, v40;
	v7 =	vld [tilespmem:s25+$0xA0]  }
0x143: {  	v43 =	vsub.f32 v43, v0;
	v8 =	vmul.f32 v63, v8;
	(v2sf) =	vpush v57, $0x0;
	v57 =	vld [tilespmem:s25+$0xB0]  }
0x144: {  	v5 =	vld [tilespmem:s0+$0xB0];
	v11 =	vadd.f32 v6, v1;
	v1 =	vadd.f32 v27, v36  }
0x145: {  	v41 =	vsub.f32 v41, v0;
	v9 =	vmul.f32 v63, v9;
	v8 =	vmul.f32 v8, v2;
	v4 =	vld [tilespmem:s25+$0xC0]  }
0x146: {  	v46 =	vsub.f32 v46, v0;
	v28 =	vmul.f32 v28, v34;
	v25 =	vmul.f32 v25, v32;
	v6 =	vld [tilespmem:s0+$0xA0];
	[tilespmem:$0x1FBA0] =	vst v1  }
0x147: {  	v15 =	vadd.f32 v8, v17;
	v26 =	vmul.f32 v26, v32;
	v9 =	vmul.f32 v9, v12;
	v32 =	vld [tilespmem:s0+$0xC0]  }
0x148: {  	v54 =	vmul.f32 v51, v54;
	v27 =	vsub.f32 v47, v0;
	v0 =	vsub.f32 v48, v0;
	v3 =	vld [tilespmem:s25+$0xD0]  }
0x149: {  	v34 =	vadd.f32 v9, v14;
	v9 =	vadd.f32 v53, v49;
	v8 =	vld [tilespmem:s0+$0xD0]  }
0x14a: {  	v13 =	vadd.f32 v28, v36;
	v54 =	vmul.f32 v54, v2;
	v2 =	vld [tilespmem:s25+$0xE0];
	[tilespmem:$0x1FC50] =	vst v0  }
0x14b: {  	v25 =	vadd.f32 v25, v33;
	v0 =	vld [tilespmem:s0+$0xE0];
	[tilespmem:$0x1FCC0] =	vst v9;
	v9 =	vadd.f32 v10, v56  }
0x14c: {  	v28 =	vld [tilespmem:$0x1FE50];
	v38 =	vmul.f32 v51, v38;
	v55 =	vmul.f32 v51, v55;
	v6 =	vadd.f32 v6, v7  }
0x14d: {  	v21 =	vmul.f32 v51, v21;
	v23 =	vmul.f32 v51, v23;
	v26 =	vadd.f32 v26, v33;
	v33 =	vld [tilespmem:s25+$0xF0];
	[tilespmem:$0x1FCE0] =	vst v9  }
0x14e: {  	v58 =	vmul.f32 v51, v58;
	v59 =	vmul.f32 v51, v59;
	v47 =	vld [tilespmem:s0+$0xF0];
	[tilespmem:$0x1FD00] =	vst v6  }
0x14f: {  	v60 =	vmul.f32 v51, v60;
	v38 =	vmul.f32 v38, v37;
	v6 =	vld [tilespmem:s3+$0x80]  }
0x150: {  	v22 =	vmul.f32 v51, v22;
	v20 =	vmul.f32 v51, v20;
	v37 =	vld [tilespmem:$0x1FE70]  }
0x151: {  	v55 =	vmul.f32 v55, v12;
	v12 =	vadd.f32 v38, v40;
	v40 =	vld [tilespmem:$0x1FDF0];
	v5 =	vadd.f32 v5, v57  }
0x152: {  	v61 =	vmul.f32 v51, v61;
	v51 =	vmul.f32 v51, v62;
	v62 =	vld [tilespmem:$0x1FFB0]  }
0x153: {  	v50 =	vmul.f32 v50, v19;
	v19 =	vld [tilespmem:$0x1FE40];
	[tilespmem:$0x1FD10] =	vst v5  }
0x154: {  	v36 =	vld [tilespmem:$0x1FE20];
	[tilespmem:$0x1FCD0] =	vst v6  }
0x155: {  	v5 =	vld [tilespmem:s3+$0x90]  }
0x156: {  	v49 =	vld [tilespmem:$0x1FE80]  }
0x157: {  	v1 =	vld [tilespmem:$0x1FE60];
	v4 =	vadd.f32 v32, v4  }
0x158: {  	v56 =	vld [tilespmem:$0x1FE30]  }
0x159: {  	v3 =	vadd.f32 v8, v3;
	[tilespmem:$0x1FD20] =	vst v4;
	v4 =	vmul.f32 v22, v62;
	v22 =	vadd.f32 v54, v17;
	v54 =	vld [tilespmem:$0x1FF90]  }
0x15a: {  	v0 =	vadd.f32 v0, v2;
	v2 =	vadd.f32 v47, v33;
	v33 =	vld [tilespmem:$0x1FF80];
	[tilespmem:$0x1FCF0] =	vst v5  }
0x15b: {  	v48 =	vld [tilespmem:s3+$0xA0]  }
0x15c: {  	s18 =	sshll.u32 s30, $0xC;
	[tilespmem:$0x1FD30] =	vst v3;
	v3 =	vld [tilespmem:$0x1FFA0]  }
0x15d: {  	s2 =	sor.u32 $0x8C00, s18;
	s24 =	sand.u32 $0x800, s31;
	s0 =	simm.s32 $0x80;
	v39 =	vld [tilespmem:s3+$0xB0]  }
0x15e: {  	s4 =	simm.s32 $0x0;
	s1 =	sadd.s32 s24, s2;
	s17 =	sand.u32 $0x380, s0;
	[tilespmem:$0x1FD40] =	vst v0;
	v0 =	vmul.f32 v61, v54;
	v61 =	vld [tilespmem:$0x1FEB0]  }
0x15f: {  	s4 =	sand.u32 $0x300, s4;
	v52 =	vadd.f32 v52, v18;
	s24 =	sadd.s32 s17, s1;
	v5 =	vadd.f32 v50, v18;
	v18 =	vld [tilespmem:s3+$0xC0];
	[tilespmem:$0x1FD50] =	vst v2  }
0x160: {  	s4 =	sadd.s32 s4, s1;
	v2 =	vmul.f32 v51, v33;
	v51 =	vld [tilespmem:$0x1FE90];
	[tilespmem:s24+$0x470] =	vst v11  }
0x161: {  	v53 =	vld [tilespmem:$0x1FE10];
	[tilespmem:s4+$0x0] =	vst v25  }
0x162: {  	v30 =	vld [tilespmem:$0x1FE00];
	_ =	sdelay $0x2  }
0x163: {  	v6 =	vmul.f32 v58, v19;
	v17 =	vld [tilespmem:s3+$0xD0];
	v20 =	vmul.f32 v20, v3  }
0x164: {  	s18 =	spop (v2sf);
	v58 =	vmul.f32 v59, v56;
	v47 =	vld [tilespmem:s3+$0xE0];
	[tilespmem:s4+$0x10] =	vst v13  }
0x165: {  	s25 =	sshra.s32 s18, $0x6;
	v8 =	vadd.f32 v6, v49;
	v6 =	vmul.f32 v63, v24;
	v25 =	vadd.f32 v20, v30;
	v20 =	vld [tilespmem:$0x1FDE0]  }
0x166: {  	v7 =	vadd.f32 v55, v14;
	s25 =	sand.u32 $0xFFFFFF00, s25;
	v21 =	vmul.f32 v21, v1;
	v59 =	vmul.f32 v60, v40;
	v11 =	vld [tilespmem:s3+$0xF0]  }
0x167: {  	v9 =	vadd.f32 v58, v37;
	v1 =	vmul.f32 v6, v1;
	v6 =	vmul.f32 v63, v45;
	v57 =	vld [tilespmem:s25+$0x0]  }
0x168: {  	v58 =	vld [tilespmem:s25+$0x10];
	v10 =	vadd.f32 v4, v53;
	v4 =	vmul.f32 v63, v29;
	v29 =	vmul.f32 v63, v44  }
0x169: {  	v14 =	vadd.f32 v59, v36;
	v45 =	vmul.f32 v63, v41;
	v6 =	vmul.f32 v6, v56;
	v59 =	vld [tilespmem:s25+$0x20];
	[tilespmem:s4+$0x20] =	vst v16  }
0x16a: {  	v24 =	vld [tilespmem:$0x1FFD0];
	[tilespmem:s4+$0x30] =	vst v52;
	v13 =	vadd.f32 v0, v20;
	v0 =	vmul.f32 v4, v28;
	v4 =	vmul.f32 v29, v19  }
0x16b: {  	v60 =	vld [tilespmem:s25+$0x30];
	v21 =	vadd.f32 v21, v61;
	v16 =	vadd.f32 v1, v61;
	v1 =	vmul.f32 v63, v43;
	[tilespmem:s4+$0x40] =	vst v15  }
0x16c: {  	v61 =	vld [tilespmem:s25+$0x40];
	[tilespmem:s24+$0x0] =	vst v26;
	v26 =	vadd.f32 v4, v49;
	v4 =	vmul.f32 v45, v3;
	v3 =	vadd.f32 v6, v37  }
0x16d: {  	[tilespmem:s4+$0x50] =	vst v34;
	v1 =	vmul.f32 v1, v62;
	v62 =	vld [tilespmem:s25+$0x50]  }
0x16e: {  	[tilespmem:$0x1FD60] =	vst v3;
	v3 =	vld [tilespmem:$0x1FBA0]  }
0x16f: {  	v19 =	vadd.f32 v2, v24;
	v2 =	vmul.f32 v63, v42;
	_ =	sdelay $0x1  }
0x170: {  	v29 =	vadd.f32 v0, v51;
	v0 =	vmul.f32 v2, v40;
	v2 =	vmul.f32 v63, v46  }
0x171: {  	[tilespmem:s24+$0x20] =	vst v12  }
0x172: {  	v2 =	vmul.f32 v2, v54;
	[tilespmem:s24+$0x10] =	vst v3  }
0x173: {  	v34 =	vadd.f32 v1, v53;
	v1 =	vld [tilespmem:$0x1FBB0]  }
0x174: {  	v32 =	vadd.f32 v4, v30;
	v30 =	vadd.f32 v2, v20;
	v2 =	vld [tilespmem:$0x1FBC0];
	_ =	sdelay $0x3  }
0x175: {  	[tilespmem:s24+$0x30] =	vst v5  }
0x176: {  	v52 =	vadd.f32 v2, v1;
	v1 =	vld [tilespmem:$0x1FBD0]  }
0x177: {  	v2 =	vld [tilespmem:$0x1FBE0];
	_ =	sdelay $0x4  }
0x178: {  	v53 =	vadd.f32 v2, v1;
	v1 =	vld [tilespmem:$0x1FBF0]  }
0x179: {  	v2 =	vld [tilespmem:$0x1FC00];
	_ =	sdelay $0x3  }
0x17a: {  	[tilespmem:s24+$0x40] =	vst v22  }
0x17b: {  	v55 =	vadd.f32 v2, v1;
	v1 =	vld [tilespmem:$0x1FC10]  }
0x17c: {  	v2 =	vld [tilespmem:$0x1FC20];
	_ =	sdelay $0x3  }
0x17d: {  	v3 =	vld [tilespmem:$0x1FC40]  }
0x17e: {  	v56 =	vadd.f32 v2, v1;
	v2 =	vld [tilespmem:$0x1FC30];
	_ =	sdelay $0x3  }
0x17f: {  	[tilespmem:s24+$0x50] =	vst v7  }
0x180: {  	v54 =	vadd.f32 v3, v2;
	v2 =	vld [tilespmem:$0x1FC50];
	_ =	sdelay $0x3  }
0x181: {  	v3 =	vld [tilespmem:$0x1FC70]  }
0x182: {  	v12 =	vmul.f32 v63, v2;
	v2 =	vld [tilespmem:$0x1FC60];
	_ =	sdelay $0x2  }
0x183: {  	v23 =	vmul.f32 v23, v28  }
0x184: {  	v7 =	vld [tilespmem:$0x1FC90]  }
0x185: {  	v23 =	vadd.f32 v23, v51;
	v51 =	vadd.f32 v3, v2;
	v3 =	vld [tilespmem:$0x1FC80];
	_ =	sdelay $0x1  }
0x186: {  	v4 =	vmul.f32 v63, v27  }
0x187: {  	[tilespmem:s24+$0x60] =	vst v21  }
0x188: {  	v33 =	vmul.f32 v4, v33;
	v4 =	vld [tilespmem:$0x1FCB0]  }
0x189: {  	v50 =	vadd.f32 v7, v3;
	v3 =	vld [tilespmem:$0x1FCA0];
	_ =	sdelay $0x3  }
0x18a: {  	v7 =	vld [tilespmem:$0x1FCD0]  }
0x18b: {  	v49 =	vadd.f32 v4, v3;
	v4 =	vld [tilespmem:$0x1FCC0];
	_ =	sdelay $0x3  }
0x18c: {  	[tilespmem:s24+$0x70] =	vst v23  }
0x18d: {  	v44 =	vadd.f32 v7, v4;
	v4 =	vld [tilespmem:$0x1FCE0]  }
0x18e: {  	v7 =	vld [tilespmem:$0x1FCF0];
	_ =	sdelay $0x1  }
0x18f: {  	s17 =	sshll.u32 s18, $0x8  }
0x190: {  	s1 =	sand.u32 $0x7F00, s17  }
0x191: {  	s18 =	sshll.u32 s18, $0x1;
	v28 =	vadd.f32 v0, v36;
	v0 =	vld [tilespmem:s1+$0x0]  }
0x192: {  	s3 =	sand.u32 $0x7F00, s18;
	v45 =	vadd.f32 v7, v4;
	v7 =	vld [tilespmem:$0x1FD00]  }
0x193: {  	v38 =	vld [tilespmem:s3+$0x0]  }
0x194: {  	v6 =	vld [tilespmem:s1+$0x10]  }
0x195: {  	v5 =	vld [tilespmem:s3+$0x10];
	[tilespmem:s24+$0x400] =	vst v8  }
0x196: {  	v8 =	vld [tilespmem:$0x1FD20]  }
0x197: {  	v43 =	vadd.f32 v48, v7;
	v7 =	vld [tilespmem:$0x1FD10];
	[tilespmem:s24+$0x410] =	vst v9  }
0x198: {  	v9 =	vld [tilespmem:$0x1FD30];
	[tilespmem:s24+$0x420] =	vst v14  }
0x199: {  	v31 =	vmul.f32 v12, v31;
	v12 =	vld [tilespmem:$0x1FD40]  }
0x19a: {  	v1 =	vld [tilespmem:s1+$0x20]  }
0x19b: {  	v2 =	vld [tilespmem:s3+$0x20]  }
0x19c: {  	v3 =	vld [tilespmem:s1+$0x30]  }
0x19d: {  	v4 =	vld [tilespmem:s3+$0x30];
	[tilespmem:s24+$0x430] =	vst v10  }
0x19e: {  	v40 =	vadd.f32 v47, v12;
	v12 =	vld [tilespmem:$0x1FD50]  }
0x19f: {  	v41 =	vadd.f32 v18, v8;
	v8 =	vld [tilespmem:s3+$0x40]  }
0x1a0: {  	v10 =	vld [tilespmem:s3+$0x50]  }
0x1a1: {  	v21 =	vadd.f32 v56, v55;
	v42 =	vadd.f32 v39, v7;
	v7 =	vld [tilespmem:s1+$0x40];
	[tilespmem:s24+$0x440] =	vst v25  }
0x1a2: {  	v14 =	vadd.f32 v53, v52;
	v37 =	vadd.f32 v17, v9;
	v9 =	vld [tilespmem:s1+$0x50];
	[tilespmem:s24+$0x450] =	vst v13;
	v13 =	vmul.f32 v44, v44  }
0x1a3: {  	v23 =	vadd.f32 v51, v54;
	[tilespmem:s24+$0x460] =	vst v19;
	v46 =	vadd.f32 v11, v12;
	v11 =	vld [tilespmem:s1+$0x60]  }
0x1a4: {  	v25 =	vadd.f32 v49, v50;
	v19 =	vadd.f32 v21, v14;
	v14 =	vmul.f32 v45, v45;
	v12 =	vld [tilespmem:s3+$0x60];
	[tilespmem:$0x1FD70] =	vst v13  }
0x1a5: {  	[tilespmem:s4+$0x60] =	vst v16  }
0x1a6: {  	v21 =	vadd.f32 v25, v23;
	v23 =	vmul.f32 v43, v43;
	v13 =	vld [tilespmem:s1+$0x70];
	[tilespmem:$0x1FD80] =	vst v14  }
0x1a7: {  	[tilespmem:s4+$0x70] =	vst v29  }
0x1a8: {  	v17 =	vadd.f32 v37, v41;
	v16 =	vadd.f32 v46, v40;
	v14 =	vld [tilespmem:s3+$0x70];
	[tilespmem:$0x1FD90] =	vst v23  }
0x1a9: {  	[tilespmem:s4+$0x400] =	vst v26  }
0x1aa: {  	v25 =	vadd.f32 v16, v17;
	v17 =	vld [tilespmem:$0x1FD60];
	_ =	sdelay $0x2  }
0x1ab: {  	v20 =	vmul.f32 v52, v52;
	v22 =	vmul.f32 v53, v53  }
0x1ac: {  	v18 =	vadd.f32 v45, v44;
	v15 =	vadd.f32 v42, v43  }
0x1ad: {  	v27 =	vmul.f32 v55, v55;
	v39 =	vmul.f32 v56, v56;
	[tilespmem:s4+$0x410] =	vst v17;
	v17 =	vadd.f32 v22, v20  }
0x1ae: {  	v23 =	vadd.f32 v15, v18;
	v15 =	vld [tilespmem:s1+$0x80]  }
0x1af: {  	v16 =	vld [tilespmem:s3+$0x80];
	[tilespmem:$0x1FDA0] =	vst v17;
	v17 =	vadd.f32 v39, v27;
	_ =	sdelay $0x1  }
0x1b0: {  	[tilespmem:$0x1FDB0] =	vst v17  }
0x1b1: {  	[tilespmem:s4+$0x420] =	vst v28  }
0x1b2: {  	[tilespmem:s4+$0x430] =	vst v34  }
0x1b3: {  	v17 =	vld [tilespmem:$0x1FD70]  }
0x1b4: {  	v20 =	vld [tilespmem:$0x1FD80];
	_ =	sdelay $0x2  }
0x1b5: {  	v36 =	vmul.f32 v54, v54;
	v47 =	vmul.f32 v51, v51;
	_ =	sdelay $0x1  }
0x1b6: {  	v36 =	vadd.f32 v47, v36;
	v47 =	vadd.f32 v20, v17;
	v17 =	vld [tilespmem:$0x1FD90];
	_ =	sdelay $0x2  }
0x1b7: {  	v63 =	vmul.f32 v49, v49;
	v26 =	vmul.f32 v42, v42  }
0x1b8: {  	v48 =	vmul.f32 v50, v50;
	v29 =	vmul.f32 v41, v41;
	[tilespmem:s4+$0x440] =	vst v32  }
0x1b9: {  	v18 =	vmul.f32 v37, v37;
	v39 =	vld [tilespmem:s1+$0x90];
	[tilespmem:s4+$0x450] =	vst v30;
	v28 =	vadd.f32 v26, v17;
	v26 =	vadd.f32 v33, v24  }
0x1ba: {  	v22 =	vmul.f32 v40, v40;
	v20 =	vmul.f32 v46, v46;
	v24 =	vld [tilespmem:$0x1FFC0]  }
0x1bb: {  	v27 =	vadd.f32 v63, v48;
	v63 =	vld [tilespmem:s3+$0x90];
	[tilespmem:s4+$0x460] =	vst v26  }
0x1bc: {  	v48 =	vadd.f32 v18, v29;
	v29 =	vadd.f32 v20, v22;
	v22 =	vld [tilespmem:$0x1FDA0]  }
0x1bd: {  	v26 =	vld [tilespmem:$0x1FDB0]  }
0x1be: {  	v18 =	vld [tilespmem:s3+$0xA0]  }
0x1bf: {  	v20 =	vld [tilespmem:s1+$0xB0];
	v24 =	vadd.f32 v31, v24  }
0x1c0: {  	v17 =	vld [tilespmem:s1+$0xA0]  }
0x1c1: {  	v27 =	vadd.f32 v27, v36;
	v29 =	vadd.f32 v29, v48;
	[tilespmem:s4+$0x470] =	vst v24;
	v24 =	vld [tilespmem:s1+$0xC0]  }
0x1c2: {  	s24 =	simm.s32 $0x4;
	v28 =	vadd.f32 v28, v47;
	v26 =	vadd.f32 v26, v22;
	v22 =	vld [tilespmem:s3+$0xB0]  }
.LBB2_3:
0x1c3: {  	v19 =	vadd.f32 v21, v19;
	v21 =	vadd.f32 v25, v23  }
0x1c4: {  	v47 =	vld [tilespmem:s25+$0x70];
	v25 =	vadd.f32 v27, v26;
	v26 =	vadd.f32 v29, v28  }
0x1c5: {  	v48 =	vld [tilespmem:s25+$0x80];
	v19 =	vadd.f32 v21, v19  }
0x1c6: {  	v23 =	vld [tilespmem:s3+$0xC0];
	v21 =	vadd.f32 v26, v25;
	v0 =	vadd.f32 v38, v0  }
0x1c7: {  	v27 =	vld [tilespmem:s1+$0xD0];
	v5 =	vadd.f32 v5, v6;
	v1 =	vadd.f32 v2, v1  }
0x1c8: {  	v28 =	vld [tilespmem:s3+$0xD0];
	v2 =	vadd.f32 v4, v3;
	v4 =	vadd.f32 v8, v7  }
0x1c9: {  	v25 =	vld [tilespmem:s1+$0xE0];
	v7 =	vadd.f32 v10, v9;
	v26 =	vadd.f32 v12, v11  }
0x1ca: {  	v6 =	vld [tilespmem:s3+$0xE0];
	v29 =	vadd.f32 v14, v13;
	v16 =	vadd.f32 v16, v15  }
0x1cb: {  	v3 =	vld [tilespmem:s1+$0xF0];
	v39 =	vadd.f32 v63, v39;
	v17 =	vadd.f32 v18, v17  }
0x1cc: {  	v8 =	vld [tilespmem:s3+$0xF0];
	v18 =	vadd.f32 v22, v20;
	v22 =	vadd.f32 v23, v24  }
0x1cd: {  	v9 =	vld [tilespmem:s25+$0x60];
	v23 =	vadd.f32 v28, v27;
	v14 =	vadd.f32 v57, v0  }
0x1ce: {  	v20 =	vld [tilespmem:s25+$0x90];
	v13 =	vadd.f32 v58, v5;
	v15 =	vadd.f32 v59, v1  }
0x1cf: {  	v24 =	vld [tilespmem:s25+$0xA0];
	v10 =	vadd.f32 v60, v2;
	v11 =	vadd.f32 v61, v4  }
0x1d0: {  	v0 =	vld [tilespmem:s25+$0xB0];
	v12 =	vadd.f32 v62, v7;
	v7 =	vadd.f32 v47, v29  }
0x1d1: {  	v5 =	vld [tilespmem:s25+$0xC0];
	v27 =	vadd.f32 v13, v14;
	v28 =	vadd.f32 v10, v15  }
0x1d2: {  	v4 =	vld [tilespmem:s25+$0xD0];
	v38 =	vadd.f32 v12, v11;
	v6 =	vadd.f32 v6, v25  }
0x1d3: {  	v25 =	vadd.f32 v8, v3;
	v9 =	vadd.f32 v9, v26;
	v26 =	vld [tilespmem:s25+$0xE0]  }
0x1d4: {  	v8 =	vadd.f32 v48, v16;
	v3 =	vadd.f32 v20, v39;
	v16 =	vld [tilespmem:s25+$0xF0]  }
0x1d5: {  	v20 =	vmul.f32 v15, v15;
	v27 =	vadd.f32 v28, v27;
	v1 =	vadd.f32 v24, v17  }
0x1d6: {  	v2 =	vadd.f32 v0, v18;
	v0 =	vadd.f32 v5, v22;
	v17 =	vmul.f32 v14, v14  }
0x1d7: {  	v18 =	vmul.f32 v13, v13;
	v5 =	vadd.f32 v4, v23;
	v22 =	vmul.f32 v10, v10  }
0x1d8: {  	v23 =	vmul.f32 v11, v11;
	v24 =	vmul.f32 v12, v12;
	v32 =	vadd.f32 v7, v9  }
0x1d9: {  	v29 =	vmul.f32 v3, v3;
	v6 =	vadd.f32 v26, v6;
	v4 =	vadd.f32 v16, v25  }
0x1da: {  	[tilespmem:$0x1FAB0] =	vst v46;
	v33 =	vadd.f32 v3, v8;
	v57 =	vmul.f32 v1, v1;
	v34 =	vadd.f32 v2, v1  }
0x1db: {  	(xrf2) =	vadd.scan.msk.f32 $0xffff, v19;
	v19 =	vmul.f32 v2, v2;
	v46 =	vadd.f32 v5, v0;
	v47 =	vadd.f32 v4, v6  }
0x1dc: {  	v48 =	vmul.f32 v0, v0;
	v28 =	vadd.f32 v32, v38;
	v17 =	vadd.f32 v18, v17  }
0x1dd: {  	v16 =	vmul.f32 v9, v9;
	v32 =	vadd.f32 v34, v33;
	v33 =	vadd.f32 v47, v46;
	v46 =	vld [tilespmem:$0x1FB90]  }
0x1de: {  	v18 =	vadd.f32 v22, v20;
	v25 =	vmul.f32 v7, v7;
	v26 =	vmul.f32 v8, v8  }
0x1df: {  	(xrf2) =	vadd.scan.msk.f32 $0xffff, v21;
	v22 =	vadd.f32 v24, v23;
	v21 =	vmul.f32 v6, v6;
	v20 =	vmul.f32 v4, v4  }
0x1e0: {  	v63 =	vmul.f32 v5, v5;
	v19 =	vadd.f32 v19, v57;
	v16 =	vadd.f32 v25, v16  }
0x1e1: {  	v23 =	vadd.f32 v29, v26;
	v29 =	vadd.f32 v20, v21;
	v21 =	vmov s24  }
0x1e2: {  	v24 =	vadd.f32 v63, v48;
	v17 =	vadd.f32 v18, v17;
	v21 =	vperm.xlane v46, v21  }
0x1e3: {  	v25 =	vadd.f32 v28, v27;
	v16 =	vadd.f32 v16, v22  }
0x1e4: {  	v22 =	vadd.f32 v19, v23;
	(v2sf) =	vpush v21, $0x0  }
0x1e5: {  	v26 =	vadd.f32 v33, v32;
	v19 =	vadd.f32 v29, v24  }
0x1e6: {  	v16 =	vadd.f32 v16, v17  }
0x1e7: {  	v17 =	vadd.f32 v19, v22;
	v21 =	vadd.f32 v26, v25  }
0x1e8: {  	v20, _, _ =	vpop (xrf2)  }
0x1e9: {  	v20 =	vperm.xlane v20, v35;
	v18, _, _ =	vpop (xrf2);
	v16 =	vadd.f32 v17, v16;
	(xrf2) =	vadd.scan.msk.f32 $0xffff, v21;
	_ =	sdelay $0x1  }
0x1ea: {  	v18 =	vperm.xlane v18, v35;
	v57 =	vmul.f32 $3.906250000e-03, v20;
	(xrf2) =	vadd.scan.msk.f32 $0xffff, v16;
	_ =	sdelay $0x1  }
0x1eb: {  	v17 =	vmul.f32 $3.906250000e-03, v18;
	v18 =	vmul.f32 v57, v57;
	_ =	sdelay $0x1  }
0x1ec: {  	v16 =	vsub.f32 v17, v18  }
0x1ed: {  	v30 =	vld [tilespmem:$0x1FF30]  }
0x1ee: {  	v36 =	vld [tilespmem:$0x1FF20];
	v16 =	vadd.f32 $9.999999740e-06, v16  }
0x1ef: {  	v31 =	vld [tilespmem:$0x1FED0]  }
0x1f0: {  	v39 =	vld [tilespmem:$0x1FF70];
	v17 =	vshra.s32 v16, $0x1;
	v16 =	vmul.f32 $5.000000000e-01, v16;
	v18, _, _ =	vpop (xrf2);
	s4 =	spop (v2sf)  }
0x1f1: {  	v32 =	vld [tilespmem:$0x1FEF0];
	v17 =	vsub.s32 $0x5F3759DF, v17;
	v18 =	vperm.xlane v18, v35;
	s17 =	sshll.u32 s4, $0x8  }
0x1f2: {  	v33 =	vld [tilespmem:$0x1FEE0];
	v19 =	vmul.f32 v17, v16;
	v20, _, _ =	vpop (xrf2);
	s18 =	sshll.u32 s4, $0x1;
	s3 =	sand.u32 $0x7F00, s17  }
0x1f3: {  	v20 =	vperm.xlane v20, v35;
	v18 =	vmul.f32 $3.906250000e-03, v18;
	s1 =	sand.u32 $0x7F00, s18;
	v21 =	vld [tilespmem:s3+$0x0]  }
0x1f4: {  	v19 =	vmul.f32 v17, v19;
	v23 =	vld [tilespmem:s1+$0x0]  }
0x1f5: {  	v20 =	vmul.f32 $3.906250000e-03, v20;
	v22 =	vmul.f32 v18, v18;
	v24 =	vld [tilespmem:s3+$0x10]  }
0x1f6: {  	v19 =	vsub.f32 $1.500000000e+00, v19;
	v25 =	vld [tilespmem:s3+$0x20]  }
0x1f7: {  	v26 =	vld [tilespmem:s1+$0x20];
	v20 =	vsub.f32 v20, v22  }
0x1f8: {  	v17 =	vmul.f32 v17, v19;
	v19 =	vsub.f32 v7, v18;
	v7 =	vld [tilespmem:s3+$0x30]  }
0x1f9: {  	v28 =	vsub.f32 v3, v18;
	v3 =	vld [tilespmem:s1+$0x30];
	v20 =	vadd.f32 $9.999999740e-06, v20  }
0x1fa: {  	v27 =	vsub.f32 v8, v18;
	v34 =	vld [tilespmem:s3+$0x40]  }
0x1fb: {  	s4 =	sshra.s32 s4, $0x6;
	v59 =	vsub.f32 v0, v18;
	v0 =	vld [tilespmem:s1+$0x40];
	v8 =	vshra.s32 v20, $0x1;
	v20 =	vmul.f32 $5.000000000e-01, v20  }
0x1fc: {  	v47 =	vsub.f32 v51, v57;
	v38 =	vsub.f32 v50, v57;
	s17 =	sand.u32 $0xFFFFFF00, s4;
	v48 =	vld [tilespmem:s1+$0x70];
	v8 =	vsub.s32 $0x5F3759DF, v8  }
0x1fd: {  	v35 =	vsub.f32 v54, v57;
	v29 =	vsub.f32 v1, v18;
	v63 =	vld [tilespmem:s17+$0x20];
	v1 =	vmul.f32 v8, v20  }
0x1fe: {  	v14 =	vsub.f32 v14, v18;
	v13 =	vsub.f32 v13, v18;
	v22 =	vld [tilespmem:s1+$0x10]  }
0x1ff: {  	v58 =	vsub.f32 v2, v18;
	v2 =	vmul.f32 v17, v16;
	v54 =	vld [tilespmem:s17+$0x40];
	v1 =	vmul.f32 v8, v1  }
0x200: {  	v60 =	vsub.f32 v5, v18;
	v16 =	vsub.f32 v6, v18;
	v51 =	vld [tilespmem:s17+$0x50]  }
0x201: {  	v50 =	vld [tilespmem:s17+$0x60];
	v2 =	vmul.f32 v2, v17;
	v5 =	vadd.f32 v23, v21;
	v6 =	vsub.f32 $1.500000000e+00, v1  }
0x202: {  	v21 =	vld [tilespmem:s3+$0x50];
	v0 =	vadd.f32 v0, v34;
	v1 =	vadd.f32 v26, v25  }
0x203: {  	v23 =	vld [tilespmem:s1+$0x60];
	[tilespmem:$0x1FAC0] =	vst v5;
	v5 =	vadd.f32 v22, v24;
	v22 =	vsub.f32 $1.500000000e+00, v2;
	v6 =	vmul.f32 v8, v6  }
0x204: {  	v15 =	vsub.f32 v15, v18;
	[tilespmem:$0x1FAE0] =	vst v1;
	v1 =	vadd.f32 v3, v7;
	v7 =	vld [tilespmem:s1+$0x50]  }
0x205: {  	v34 =	vld [tilespmem:$0x1FF00];
	[tilespmem:$0x1FB00] =	vst v0;
	v0 =	vmul.f32 v22, v17;
	v17 =	vsub.f32 v52, v57;
	v20 =	vmul.f32 v6, v20  }
0x206: {  	v24 =	vsub.f32 v55, v57;
	v22 =	vsub.f32 v53, v57;
	v8 =	vld [tilespmem:s3+$0x60]  }
0x207: {  	v11 =	vsub.f32 v11, v18;
	v2 =	vld [tilespmem:$0x1FF60];
	v17 =	vmul.f32 v0, v17;
	v20 =	vmul.f32 v20, v6  }
0x208: {  	v25 =	vsub.f32 v56, v57;
	v26 =	vld [tilespmem:s3+$0x70];
	v22 =	vmul.f32 v0, v22;
	v24 =	vmul.f32 v0, v24  }
0x209: {  	v52 =	vld [tilespmem:s17+$0x0];
	v17 =	vmul.f32 v17, v30;
	[tilespmem:$0x1FAF0] =	vst v1;
	v1 =	vadd.f32 v7, v21;
	v20 =	vsub.f32 $1.500000000e+00, v20  }
0x20a: {  	v12 =	vsub.f32 v12, v18;
	[tilespmem:$0x1FAD0] =	vst v5;
	v53 =	vld [tilespmem:s17+$0x10];
	v7 =	vmul.f32 v0, v25;
	v21 =	vmul.f32 v0, v35  }
0x20b: {  	v5 =	vld [tilespmem:$0x1FF90];
	v25 =	vmul.f32 v0, v47;
	[tilespmem:$0x1FB10] =	vst v1;
	v1 =	vadd.f32 v23, v8;
	v20 =	vmul.f32 v20, v6  }
0x20c: {  	v56 =	vld [tilespmem:s17+$0x30];
	v8 =	vmul.f32 v22, v36;
	v22 =	vmul.f32 v24, v34;
	v6 =	vsub.f32 v4, v18  }
0x20d: {  	v3 =	vld [tilespmem:$0x1FFA0];
	v23 =	vmul.f32 v7, v32;
	[tilespmem:$0x1FB20] =	vst v1;
	v1 =	vadd.f32 v48, v26;
	v14 =	vmul.f32 v20, v14  }
0x20e: {  	s31 =	sadd.s32 $0x200, s31;
	s0 =	sadd.s32 $0x100, s0;
	v9 =	vsub.f32 v9, v18;
	v47 =	vmovc v37;
	v37 =	vld [tilespmem:$0x1FF40];
	v7 =	vmul.f32 v20, v6;
	v24 =	vmul.f32 v20, v13  }
0x20f: {  	s25 =	sand.u32 $0x800, s31;
	s18 =	sadd.s32 $0xFFFFFF80, s0;
	v15 =	vmul.f32 v20, v15;
	v26 =	vmul.f32 v20, v11;
	[tilespmem:$0x1FB30] =	vst v1;
	v1 =	vld [tilespmem:$0x1FEA0]  }
0x210: {  	s4 =	sadd.s32 s25, s2;
	s25 =	sand.u32 $0x380, s0;
	s18 =	sand.u32 $0x300, s18;
	v48 =	vmov v40;
	v40 =	vld [tilespmem:$0x1FF50];
	v55 =	vmul.f32 v20, v12;
	v61 =	vmul.f32 v20, v9  }
0x211: {  	v10 =	vsub.f32 v10, v18;
	s25 =	sadd.s32 s25, s4;
	s4 =	sadd.s32 s18, s4;
	s18 =	sadd.s32 $0x1, s24;
	v35 =	vld [tilespmem:$0x1FF10];
	v19 =	vmul.f32 v20, v19;
	v27 =	vmul.f32 v20, v27  }
0x212: {  	v62 =	vmov s18;
	v4 =	vld [tilespmem:$0x1FFD0];
	v28 =	vmul.f32 v20, v28;
	v29 =	vmul.f32 v20, v29  }
0x213: {  	v6 =	vsub.f32 v49, v57;
	v49 =	vld [tilespmem:s17+$0x70];
	v58 =	vmul.f32 v20, v58;
	v59 =	vmul.f32 v20, v59  }
0x214: {  	v18 =	vmul.f32 v21, v1;
	v21 =	vmul.f32 v25, v2;
	v25 =	vadd.f32 v8, v37;
	v8 =	vld [tilespmem:$0x1FFC0]  }
0x215: {  	v9 =	vld [tilespmem:s17+$0x80];
	v60 =	vmul.f32 v20, v60;
	v13 =	vadd.f32 v17, v40;
	v17 =	vmul.f32 v20, v10  }
0x216: {  	v20 =	vmul.f32 v20, v16;
	v16 =	vperm.xlane v46, v62;
	v62 =	vld [tilespmem:$0x1FE30]  }
0x217: {  	v10 =	vmul.f32 v7, v39;
	v46 =	vld [tilespmem:$0x1FEB0]  }
0x218: {  	v7 =	vld [tilespmem:$0x1FF80];
	v17 =	vmul.f32 v17, v32  }
0x219: {  	v32 =	vld [tilespmem:$0x1FDF0];
	v11 =	vadd.f32 v10, v8  }
0x21a: {  	v23 =	vadd.f32 v23, v31;
	v17 =	vadd.f32 v17, v31;
	v31 =	vld [tilespmem:$0x1FDE0]  }
0x21b: {  	v10 =	vld [tilespmem:s17+$0x90];
	[tilespmem:s25+$0x470] =	vst v11  }
0x21c: {  	v11 =	vld [tilespmem:s17+$0xA0];
	[tilespmem:s4+$0x0] =	vst v13  }
0x21d: {  	v12 =	vld [tilespmem:s17+$0xB0]  }
0x21e: {  	v22 =	vadd.f32 v22, v35;
	[tilespmem:s4+$0x10] =	vst v25;
	v25 =	vmul.f32 v14, v30;
	v30 =	vld [tilespmem:$0x1FEC0]  }
0x21f: {  	v13 =	vld [tilespmem:s17+$0xC0]  }
0x220: {  	[tilespmem:s4+$0x20] =	vst v22;
	v22 =	vmul.f32 v24, v36;
	v36 =	vld [tilespmem:$0x1FE50]  }
0x221: {  	v24 =	vmul.f32 v15, v34;
	v34 =	vld [tilespmem:$0x1FE10]  }
0x222: {  	v14 =	vld [tilespmem:s17+$0xD0]  }
0x223: {  	[tilespmem:s4+$0x30] =	vst v23;
	v23 =	vadd.f32 v25, v40;
	v40 =	vld [tilespmem:$0x1FE60]  }
0x224: {  	v25 =	vmul.f32 v55, v2;
	v2 =	vld [tilespmem:$0x1FFB0]  }
0x225: {  	v18 =	vadd.f32 v18, v33;
	v15 =	vld [tilespmem:s17+$0xE0]  }
0x226: {  	v22 =	vadd.f32 v22, v37;
	v37 =	vld [tilespmem:$0x1FE40]  }
0x227: {  	v42 =	vsub.f32 v42, v57;
	[tilespmem:s4+$0x40] =	vst v18;
	v18 =	vmul.f32 v26, v1;
	v1 =	vld [tilespmem:$0x1FE90]  }
0x228: {  	(v2sf) =	vpush v16, $0x0;
	v16 =	vld [tilespmem:s17+$0xF0]  }
0x229: {  	v42 =	vmul.f32 v0, v42;
	v26 =	vld [tilespmem:s3+$0x80]  }
0x22a: {  	v21 =	vadd.f32 v21, v30;
	[tilespmem:s25+$0x10] =	vst v22;
	v22 =	vmul.f32 v29, v32;
	v18 =	vadd.f32 v18, v33;
	v33 =	vld [tilespmem:$0x1FE00]  }
0x22b: {  	v29 =	vmul.f32 v58, v2;
	v58 =	vmul.f32 v60, v5;
	v60 =	vld [tilespmem:$0x1FE80]  }
0x22c: {  	[tilespmem:s4+$0x50] =	vst v21;
	v21 =	vadd.f32 v24, v35;
	v35 =	vld [tilespmem:$0x1FE20]  }
0x22d: {  	v42 =	vmul.f32 v42, v2;
	v2 =	vld [tilespmem:$0x1FB00]  }
0x22e: {  	v24 =	vmul.f32 v27, v37;
	v27 =	vmul.f32 v28, v62;
	v28 =	vld [tilespmem:s1+$0x80]  }
0x22f: {  	v20 =	vmul.f32 v20, v7;
	v55 =	vld [tilespmem:s3+$0x90]  }
0x230: {  	v6 =	vmul.f32 v0, v6;
	[tilespmem:s25+$0x0] =	vst v23;
	v23 =	vmul.f32 v61, v40;
	v61 =	vld [tilespmem:s1+$0x90]  }
0x231: {  	[tilespmem:s25+$0x30] =	vst v17;
	v20 =	vadd.f32 v20, v4;
	v17 =	vadd.f32 v25, v30;
	v25 =	vld [tilespmem:s3+$0xA0]  }
0x232: {  	v41 =	vsub.f32 v41, v57;
	v19 =	vmul.f32 v19, v36;
	v6 =	vmul.f32 v6, v36;
	v30 =	vld [tilespmem:s3+$0xC0]  }
0x233: {  	[tilespmem:s25+$0x460] =	vst v20;
	v20 =	vld [tilespmem:s1+$0xF0]  }
0x234: {  	v41 =	vmul.f32 v0, v41;
	[tilespmem:s25+$0x40] =	vst v18;
	v18 =	vadd.f32 v19, v1;
	v6 =	vadd.f32 v6, v1;
	v1 =	vld [tilespmem:$0x1FAC0]  }
0x235: {  	[tilespmem:s25+$0x20] =	vst v21;
	v21 =	vmul.f32 v59, v3;
	v59 =	vld [tilespmem:$0x1FE70]  }
0x236: {  	v41 =	vmul.f32 v41, v3;
	v23 =	vadd.f32 v23, v46;
	v3 =	vld [tilespmem:$0x1FB20];
	[tilespmem:s25+$0x70] =	vst v18;
	v18 =	vadd.f32 v58, v31  }
0x237: {  	v58 =	vsub.f32 v47, v57;
	v47 =	vsub.f32 v48, v57;
	v48 =	vld [tilespmem:$0x1FAB0]  }
0x238: {  	[tilespmem:s25+$0x60] =	vst v23;
	v23 =	vadd.f32 v29, v34;
	v29 =	vld [tilespmem:s1+$0xB0]  }
0x239: {  	v19 =	vadd.f32 v24, v60;
	v24 =	vld [tilespmem:s1+$0xA0]  }
0x23a: {  	[tilespmem:s25+$0x450] =	vst v18;
	v18 =	vld [tilespmem:s3+$0xF0]  }
0x23b: {  	v21 =	vadd.f32 v21, v33;
	v54 =	vadd.f32 v54, v2;
	v2 =	vld [tilespmem:$0x1FB10]  }
0x23c: {  	[tilespmem:s25+$0x430] =	vst v23;
	v23 =	vld [tilespmem:s3+$0xE0]  }
0x23d: {  	[tilespmem:s25+$0x440] =	vst v21;
	v21 =	vld [tilespmem:s1+$0xE0]  }
0x23e: {  	v52 =	vadd.f32 v52, v1;
	v1 =	vld [tilespmem:$0x1FAD0]  }
0x23f: {  	[tilespmem:s25+$0x50] =	vst v17;
	v22 =	vadd.f32 v22, v35;
	v17 =	vadd.f32 v27, v59;
	v27 =	vld [tilespmem:s3+$0xB0]  }
0x240: {  	v44 =	vsub.f32 v44, v57;
	v45 =	vsub.f32 v45, v57;
	[tilespmem:s25+$0x400] =	vst v19;
	v19 =	vld [tilespmem:s1+$0xC0]  }
0x241: {  	v43 =	vsub.f32 v43, v57;
	s17 =	spop (v2sf);
	[tilespmem:s25+$0x420] =	vst v22;
	v22 =	vld [tilespmem:s1+$0xD0]  }
0x242: {  	v44 =	vmul.f32 v0, v44;
	v45 =	vmul.f32 v0, v45;
	s18 =	sshra.s32 s17, $0x6;
	v50 =	vadd.f32 v50, v3;
	v3 =	vld [tilespmem:$0x1FB30]  }
0x243: {  	v38 =	vmul.f32 v0, v38;
	v43 =	vmul.f32 v0, v43;
	[tilespmem:s25+$0x410] =	vst v17;
	v17 =	vld [tilespmem:s3+$0xD0];
	s25 =	sand.u32 $0xFFFFFF00, s18  }
0x244: {  	v45 =	vmul.f32 v45, v62;
	v44 =	vmul.f32 v44, v37;
	v48 =	vsub.f32 v48, v57;
	v57 =	vld [tilespmem:s25+$0x0]  }
0x245: {  	v43 =	vmul.f32 v43, v32;
	v32 =	vmul.f32 v0, v58;
	v58 =	vld [tilespmem:s25+$0x10]  }
0x246: {  	v38 =	vmul.f32 v38, v40;
	v62 =	vadd.f32 v44, v60;
	[tilespmem:s4+$0x70] =	vst v6;
	v6 =	vadd.f32 v45, v59;
	v59 =	vld [tilespmem:s25+$0x20]  }
0x247: {  	v60 =	vld [tilespmem:s25+$0x30]  }
0x248: {  	v38 =	vadd.f32 v38, v46;
	[tilespmem:s4+$0x400] =	vst v62;
	s3 =	sshll.u32 s17, $0x8;
	s18 =	sshll.u32 s17, $0x1;
	v62 =	vld [tilespmem:s25+$0x50]  }
0x249: {  	s1 =	sand.u32 $0x7F00, s3;
	s3 =	sand.u32 $0x7F00, s18;
	[tilespmem:s4+$0x410] =	vst v6;
	v6 =	vadd.f32 v42, v34;
	v34 =	vadd.f32 v61, v55;
	v61 =	vld [tilespmem:s25+$0x40]  }
0x24a: {  	v47 =	vmul.f32 v0, v47;
	v26 =	vadd.f32 v28, v26;
	[tilespmem:s4+$0x60] =	vst v38;
	v38 =	vld [tilespmem:s3+$0x0]  }
0x24b: {  	v46 =	vadd.f32 v43, v35;
	v28 =	vadd.f32 v41, v33;
	v32 =	vmul.f32 v32, v5;
	v5 =	vld [tilespmem:s3+$0x10]  }
0x24c: {  	v33 =	vmul.f32 v47, v7;
	v44 =	vadd.f32 v9, v26;
	v53 =	vadd.f32 v53, v1;
	v1 =	vld [tilespmem:$0x1FAE0]  }
0x24d: {  	v24 =	vadd.f32 v24, v25;
	v51 =	vadd.f32 v51, v2;
	v2 =	vld [tilespmem:s3+$0x20]  }
0x24e: {  	v25 =	vadd.f32 v33, v4;
	v18 =	vadd.f32 v20, v18;
	v4 =	vld [tilespmem:s3+$0x30]  }
0x24f: {  	v0 =	vmul.f32 v0, v48;
	v21 =	vadd.f32 v21, v23;
	v7 =	vld [tilespmem:s1+$0x40];
	v27 =	vadd.f32 v29, v27  }
0x250: {  	v9 =	vld [tilespmem:s1+$0x50];
	v19 =	vadd.f32 v19, v30;
	v49 =	vadd.f32 v49, v3  }
0x251: {  	[tilespmem:s4+$0x420] =	vst v46;
	v35 =	vmul.f32 v0, v39;
	v0 =	vld [tilespmem:s1+$0x0];
	v43 =	vadd.f32 v11, v24;
	v46 =	vadd.f32 v16, v18  }
0x252: {  	v26 =	vmul.f32 v54, v54;
	v3 =	vld [tilespmem:s1+$0x30];
	[tilespmem:s4+$0x430] =	vst v6;
	v6 =	vadd.f32 v32, v31;
	v45 =	vadd.f32 v10, v34  }
0x253: {  	v20 =	vmul.f32 v52, v52;
	v11 =	vld [tilespmem:s1+$0x60];
	v40 =	vadd.f32 v15, v21;
	v16 =	vadd.f32 v53, v52  }
0x254: {  	[tilespmem:s4+$0x440] =	vst v28;
	v18 =	vmul.f32 v50, v50;
	v10 =	vld [tilespmem:s3+$0x50];
	v21 =	vadd.f32 v51, v54;
	v28 =	vadd.f32 v35, v8  }
0x255: {  	v29 =	vmul.f32 v44, v44;
	v15 =	vld [tilespmem:s1+$0x80];
	v17 =	vadd.f32 v22, v17;
	v42 =	vadd.f32 v12, v27  }
0x256: {  	v41 =	vadd.f32 v13, v19;
	v22 =	vmul.f32 v53, v53;
	v8 =	vld [tilespmem:s3+$0x40];
	v27 =	vmul.f32 v51, v51  }
0x257: {  	[tilespmem:s4+$0x460] =	vst v25;
	v12 =	vld [tilespmem:s3+$0x60];
	v23 =	vadd.f32 v49, v50;
	v31 =	vmul.f32 v43, v43;
	v25 =	vadd.f32 v45, v44  }
0x258: {  	v30 =	vmul.f32 v45, v45;
	v47 =	vadd.f32 v46, v40;
	v55 =	vadd.f32 v63, v1;
	v1 =	vld [tilespmem:$0x1FAF0]  }
0x259: {  	v13 =	vld [tilespmem:s1+$0x70];
	[tilespmem:s4+$0x470] =	vst v28;
	v37 =	vadd.f32 v14, v17;
	v28 =	vmul.f32 v49, v49;
	v39 =	vadd.f32 v42, v43  }
0x25a: {  	[tilespmem:s4+$0x450] =	vst v6;
	v6 =	vld [tilespmem:s1+$0x10];
	v32 =	vmul.f32 v42, v42;
	v34 =	vmul.f32 v41, v41;
	v21 =	vadd.f32 v23, v21  }
0x25b: {  	v14 =	vld [tilespmem:s3+$0x70];
	v22 =	vadd.f32 v22, v20;
	v20 =	vmul.f32 v46, v46;
	v27 =	vadd.f32 v27, v26  }
0x25c: {  	v63 =	vld [tilespmem:s3+$0x90];
	v29 =	vadd.f32 v30, v29;
	v17 =	vmul.f32 v55, v55;
	v36 =	vadd.f32 v37, v41  }
0x25d: {  	v48 =	vmul.f32 v37, v37;
	v23 =	vadd.f32 v39, v25;
	v39 =	vld [tilespmem:s1+$0x90];
	v56 =	vadd.f32 v56, v1  }
0x25e: {  	v28 =	vadd.f32 v28, v18;
	v18 =	vld [tilespmem:s3+$0xA0];
	v25 =	vadd.f32 v47, v36;
	v47 =	vmul.f32 v40, v40  }
0x25f: {  	p2 =	slt.u32 s24, $0xE;
	v30 =	vadd.f32 v32, v31;
	v1 =	vld [tilespmem:s1+$0x20];
	v24 =	vmul.f32 v56, v56;
	v19 =	vadd.f32 v56, v55  }
.Ltmp2:
0x260: {  	v31 =	vadd.f32 v48, v34;
	v48 =	vadd.f32 v20, v47;
	v20 =	vld [tilespmem:s1+$0xB0];
	(pc) =	sbr.rel @p2 .LBB2_3-.Ltmp2, $4  }
0x261: {  	v19 =	vadd.f32 v19, v16;
	v16 =	vld [tilespmem:s3+$0x80];
	v24 =	vadd.f32 v24, v17  }
0x262: {  	v17 =	vld [tilespmem:s1+$0xA0]  }
0x263: {  	v27 =	vadd.f32 v28, v27;
	v26 =	vadd.f32 v24, v22;
	v22 =	vld [tilespmem:s3+$0xB0]  }
0x264: {  	s24 =	sadd.s32 $0x2, s24;
	v35 =	vimm.s32 $0xF;
	v28 =	vadd.f32 v30, v29;
	v29 =	vadd.f32 v48, v31;
	v24 =	vld [tilespmem:s1+$0xC0]  }
0x265: {  	v19 =	vadd.f32 v21, v19  }
0x266: {  	v34 =	vadd.f32 v25, v23;
	v25 =	vadd.f32 v27, v26  }
0x267: {  	v30 =	vld [tilespmem:s3+$0xC0];
	v0 =	vadd.f32 v38, v0;
	v5 =	vadd.f32 v5, v6  }
0x268: {  	v31 =	vld [tilespmem:s1+$0xD0];
	v1 =	vadd.f32 v2, v1;
	v2 =	vadd.f32 v4, v3  }
0x269: {  	v36 =	vld [tilespmem:s3+$0xD0];
	v4 =	vadd.f32 v8, v7;
	v48 =	vadd.f32 v10, v9  }
0x26a: {  	v26 =	vld [tilespmem:s1+$0xE0];
	v9 =	vadd.f32 v12, v11;
	v10 =	vadd.f32 v14, v13  }
0x26b: {  	v21 =	vld [tilespmem:s3+$0xE0];
	v13 =	vadd.f32 v63, v39;
	v27 =	vadd.f32 v29, v28  }
0x26c: {  	v38 =	vld [tilespmem:s1+$0xF0];
	v12 =	vadd.f32 v16, v15;
	v19 =	vadd.f32 v34, v19  }
0x26d: {  	v47 =	vld [tilespmem:s3+$0xF0];
	v28 =	vadd.f32 v18, v17;
	v23 =	vadd.f32 v57, v0  }
0x26e: {  	v8 =	vld [tilespmem:s25+$0x60];
	v5 =	vadd.f32 v58, v5;
	v1 =	vadd.f32 v59, v1  }
0x26f: {  	v11 =	vld [tilespmem:s25+$0x70];
	v2 =	vadd.f32 v60, v2;
	v4 =	vadd.f32 v61, v4  }
0x270: {  	v63 =	vld [tilespmem:s25+$0x80];
	v7 =	vadd.f32 v62, v48;
	v29 =	vadd.f32 v22, v20  }
0x271: {  	v32 =	vld [tilespmem:s25+$0x90];
	v58 =	vadd.f32 v5, v23;
	v59 =	vadd.f32 v2, v1  }
0x272: {  	v39 =	vld [tilespmem:s25+$0xC0];
	v0 =	vmul.f32 v23, v23;
	v60 =	vadd.f32 v7, v4;
	v33 =	vadd.f32 v30, v24  }
0x273: {  	v48 =	vld [tilespmem:s25+$0xE0];
	v15 =	vmul.f32 v5, v5;
	v34 =	vadd.f32 v36, v31;
	v21 =	vadd.f32 v21, v26  }
0x274: {  	v57 =	vld [tilespmem:s25+$0xF0];
	v17 =	vmul.f32 v1, v1;
	v3 =	vadd.f32 v47, v38;
	v8 =	vadd.f32 v8, v9  }
0x275: {  	v20 =	vmul.f32 v2, v2;
	v9 =	vadd.f32 v11, v10;
	v11 =	vadd.f32 v63, v12  }
0x276: {  	v36 =	vld [tilespmem:s25+$0xA0];
	v12 =	vadd.f32 v32, v13;
	v10 =	vadd.f32 v59, v58  }
0x277: {  	v38 =	vld [tilespmem:s25+$0xB0];
	v0 =	vadd.f32 v15, v0;
	v17 =	vadd.f32 v20, v17  }
0x278: {  	v61 =	vmul.f32 v7, v7;
	v47 =	vld [tilespmem:s25+$0xD0];
	v14 =	vadd.f32 v39, v33;
	v18 =	vadd.f32 v48, v21  }
0x279: {  	v3 =	vadd.f32 v57, v3;
	v21 =	vmul.f32 v4, v4;
	v62 =	vadd.f32 v9, v8  }
0x27a: {  	v63 =	vadd.f32 v12, v11;
	v33 =	vmul.f32 v9, v9;
	v39 =	vmul.f32 v11, v11  }
0x27b: {  	v0 =	vadd.f32 v17, v0;
	v24 =	vadd.f32 v62, v60;
	v58 =	vmul.f32 v14, v14  }
0x27c: {  	v21 =	vadd.f32 v61, v21;
	v60 =	vmul.f32 v18, v18;
	v13 =	vadd.f32 v36, v28  }
0x27d: {  	v61 =	vmul.f32 v3, v3;
	v6 =	vadd.f32 v38, v29;
	v16 =	vadd.f32 v47, v34  }
0x27e: {  	v36 =	vmul.f32 v8, v8;
	v34 =	vadd.f32 v3, v18;
	v10 =	vadd.f32 v24, v10  }
0x27f: {  	v47 =	vmul.f32 v12, v12;
	v38 =	vadd.f32 v6, v13;
	v32 =	vadd.f32 v16, v14  }
0x280: {  	v48 =	vmul.f32 v13, v13;
	v57 =	vmul.f32 v6, v6;
	v30 =	vadd.f32 v33, v36  }
0x281: {  	v59 =	vmul.f32 v16, v16;
	v22 =	vadd.f32 v47, v39;
	v29 =	vadd.f32 v38, v63  }
0x282: {  	v32 =	vadd.f32 v34, v32;
	v62 =	vadd.f32 v57, v48  }
0x283: {  	v15 =	vadd.f32 v59, v58;
	v63 =	vadd.f32 v61, v60  }
0x284: {  	v31 =	vadd.f32 v32, v29;
	v32 =	vadd.f32 v30, v21  }
0x285: {  	v33 =	vadd.f32 v62, v22;
	v15 =	vadd.f32 v63, v15  }
0x286: {  	v34 =	vadd.f32 v27, v25;
	v10 =	vadd.f32 v31, v10  }
0x287: {  	(xrf2) =	vadd.scan.msk.f32 $0xffff, v19;
	v0 =	vadd.f32 v32, v0;
	v15 =	vadd.f32 v15, v33  }
0x288: {  	(xrf2) =	vadd.scan.msk.f32 $0xffff, v34  }
0x289: {  	(xrf2) =	vadd.scan.msk.f32 $0xffff, v10;
	v0 =	vadd.f32 v15, v0;
	_ =	sdelay $0x1  }
0x28a: {  	(xrf2) =	vadd.scan.msk.f32 $0xffff, v0;
	_ =	sdelay $0x5  }
0x28b: {  	v36, _, _ =	vpop (xrf2)  }
0x28c: {  	v38, _, _ =	vpop (xrf2)  }
0x28d: {  	v0 =	vperm.xlane v36, v35;
	v39, _, _ =	vpop (xrf2)  }
0x28e: {  	v15 =	vperm.xlane v39, v35  }
0x28f: {  	v0 =	vmul.f32 $3.906250000e-03, v0;
	v10 =	vperm.xlane v38, v35;
	v47, _, _ =	vpop (xrf2)  }
0x290: {  	v15 =	vmul.f32 $3.906250000e-03, v15;
	v17 =	vperm.xlane v47, v35  }
0x291: {  	v48 =	vmul.f32 v0, v0;
	v10 =	vmul.f32 $3.906250000e-03, v10  }
0x292: {  	v17 =	vmul.f32 $3.906250000e-03, v17;
	v57 =	vmul.f32 v15, v15  }
0x293: {  	v10 =	vsub.f32 v10, v48  }
0x294: {  	v17 =	vsub.f32 v17, v57  }
0x295: {  	v10 =	vadd.f32 $9.999999740e-06, v10  }
0x296: {  	v17 =	vadd.f32 $9.999999740e-06, v17  }
0x297: {  	v58 =	vshra.s32 v10, $0x1  }
0x298: {  	v10 =	vmul.f32 $5.000000000e-01, v10;
	v59 =	vshra.s32 v17, $0x1;
	v17 =	vmul.f32 $5.000000000e-01, v17  }
0x299: {  	v19 =	vsub.s32 $0x5F3759DF, v58;
	v20 =	vsub.s32 $0x5F3759DF, v59  }
0x29a: {  	v60 =	vmul.f32 v19, v10;
	v61 =	vmul.f32 v20, v17;
	_ =	sdelay $0x1  }
0x29b: {  	v21 =	vmul.f32 v19, v60;
	v22 =	vmul.f32 v20, v61;
	_ =	sdelay $0x1  }
0x29c: {  	v21 =	vsub.f32 $1.500000000e+00, v21;
	v22 =	vsub.f32 $1.500000000e+00, v22;
	_ =	sdelay $0x1  }
0x29d: {  	v19 =	vmul.f32 v19, v21;
	v20 =	vmul.f32 v20, v22;
	_ =	sdelay $0x1  }
0x29e: {  	v10 =	vmul.f32 v19, v10;
	v30 =	vmul.f32 v20, v17;
	_ =	sdelay $0x1  }
0x29f: {  	v63 =	vsub.f32 v1, v15;
	v10 =	vmul.f32 v10, v19;
	v1 =	vmul.f32 v30, v20;
	_ =	sdelay $0x1  }
0x2a0: {  	v10 =	vsub.f32 $1.500000000e+00, v10;
	v31 =	vsub.f32 $1.500000000e+00, v1;
	_ =	sdelay $0x1  }
0x2a1: {  	v36 =	vsub.f32 v56, v0;
	v1 =	vmul.f32 v10, v19;
	v17 =	vmul.f32 v31, v20;
	v31 =	vld [tilespmem:$0x1FF70]  }
0x2a2: {  	v34 =	vsub.f32 v55, v0;
	v55 =	vld [tilespmem:$0x1FF30];
	v3 =	vsub.f32 v3, v15  }
0x2a3: {  	v32 =	vsub.f32 v52, v0;
	v62 =	vsub.f32 v23, v15;
	v23 =	vmul.f32 v1, v36;
	v36 =	vld [tilespmem:$0x1FFC0]  }
0x2a4: {  	v57 =	vld [tilespmem:$0x1FF50];
	v3 =	vmul.f32 v17, v3  }
0x2a5: {  	v10 =	vsub.f32 v13, v15;
	v13 =	vmul.f32 v1, v32  }
0x2a6: {  	s24 =	sadd.s32 $0x200, s31;
	v29 =	vld [tilespmem:$0x1FEA0];
	v3 =	vmul.f32 v3, v31  }
0x2a7: {  	s0 =	sadd.s32 $0x100, s0;
	s1 =	sand.u32 $0x800, s24;
	v52 =	vld [tilespmem:$0x1FF00];
	v13 =	vmul.f32 v13, v55  }
0x2a8: {  	s2 =	sadd.s32 s1, s2;
	s25 =	sadd.s32 $0xFFFFFF80, s0;
	s0 =	sand.u32 $0x380, s0;
	v38 =	vsub.f32 v54, v0;
	v54 =	vld [tilespmem:$0x1FF20];
	v3 =	vadd.f32 v3, v36  }
0x2a9: {  	s3 =	sand.u32 $0x300, s25;
	s1 =	sadd.s32 s0, s2;
	v39 =	vsub.f32 v51, v0;
	v51 =	vld [tilespmem:$0x1FEF0];
	v13 =	vadd.f32 v13, v57  }
0x2aa: {  	s31 =	sadd.s32 s3, s2;
	v33 =	vsub.f32 v53, v0;
	v30 =	vld [tilespmem:$0x1FF60];
	[tilespmem:s1+$0x470] =	vst v3  }
0x2ab: {  	v56 =	vld [tilespmem:$0x1FF40];
	[tilespmem:s31+$0x0] =	vst v13  }
0x2ac: {  	v19 =	vmul.f32 v1, v33;
	v53 =	vld [tilespmem:$0x1FF10]  }
0x2ad: {  	v20 =	vmul.f32 v1, v34  }
0x2ae: {  	v19 =	vmul.f32 v19, v54  }
0x2af: {  	v20 =	vmul.f32 v20, v52  }
0x2b0: {  	v60 =	vadd.f32 v19, v56  }
0x2b1: {  	v61 =	vadd.f32 v20, v53  }
0x2b2: {  	[tilespmem:s31+$0x10] =	vst v60  }
0x2b3: {  	v22 =	vmul.f32 v17, v63;
	v63 =	vld [tilespmem:$0x1FED0];
	[tilespmem:s31+$0x20] =	vst v61  }
0x2b4: {  	v32 =	vld [tilespmem:$0x1FEE0]  }
0x2b5: {  	v24 =	vmul.f32 v1, v38  }
0x2b6: {  	v23 =	vmul.f32 v23, v51  }
0x2b7: {  	v47 =	vmul.f32 v24, v29  }
0x2b8: {  	v27 =	vadd.f32 v23, v63  }
0x2b9: {  	v33 =	vadd.f32 v47, v32  }
0x2ba: {  	[tilespmem:s31+$0x30] =	vst v27  }
0x2bb: {  	[tilespmem:s31+$0x40] =	vst v33  }
0x2bc: {  	v21 =	vmul.f32 v17, v62;
	v47 =	vld [tilespmem:$0x1FEC0]  }
0x2bd: {  	v5 =	vsub.f32 v5, v15;
	v25 =	vmul.f32 v1, v39  }
0x2be: {  	v28 =	vmul.f32 v21, v55  }
0x2bf: {  	v24 =	vmul.f32 v25, v30;
	v5 =	vmul.f32 v17, v5  }
0x2c0: {  	v2 =	vsub.f32 v2, v15;
	v34 =	vadd.f32 v28, v57  }
0x2c1: {  	v5 =	vmul.f32 v5, v54;
	v48 =	vadd.f32 v24, v47  }
0x2c2: {  	v2 =	vmul.f32 v17, v2;
	v58 =	vmul.f32 v22, v52;
	[tilespmem:s1+$0x0] =	vst v34  }
0x2c3: {  	v4 =	vsub.f32 v4, v15;
	v5 =	vadd.f32 v5, v56;
	[tilespmem:s31+$0x50] =	vst v48  }
0x2c4: {  	v2 =	vmul.f32 v2, v51;
	v59 =	vadd.f32 v58, v53;
	v23 =	vld [tilespmem:$0x1FE60]  }
0x2c5: {  	v4 =	vmul.f32 v17, v4;
	v22 =	vld [tilespmem:$0x1FE50];
	[tilespmem:s1+$0x10] =	vst v5  }
0x2c6: {  	v7 =	vsub.f32 v7, v15;
	v2 =	vadd.f32 v2, v63;
	v21 =	vld [tilespmem:$0x1FE40];
	[tilespmem:s1+$0x20] =	vst v59  }
0x2c7: {  	v8 =	vsub.f32 v8, v15;
	v4 =	vmul.f32 v4, v29;
	v20 =	vld [tilespmem:$0x1FE30]  }
0x2c8: {  	v9 =	vsub.f32 v9, v15;
	v7 =	vmul.f32 v17, v7;
	v38 =	vld [tilespmem:$0x1FEB0];
	[tilespmem:s1+$0x30] =	vst v2  }
0x2c9: {  	v11 =	vsub.f32 v11, v15;
	v8 =	vmul.f32 v17, v8;
	v4 =	vadd.f32 v4, v32;
	v28 =	vld [tilespmem:$0x1FE90]  }
0x2ca: {  	v9 =	vmul.f32 v17, v9;
	v7 =	vmul.f32 v7, v30;
	v27 =	vld [tilespmem:$0x1FE80]  }
0x2cb: {  	v12 =	vsub.f32 v12, v15;
	v62 =	vmul.f32 v17, v11;
	[tilespmem:s1+$0x40] =	vst v4;
	v8 =	vmul.f32 v8, v23  }
0x2cc: {  	v7 =	vadd.f32 v7, v47;
	v24 =	vld [tilespmem:$0x1FE70];
	v9 =	vmul.f32 v9, v22  }
0x2cd: {  	v12 =	vmul.f32 v17, v12;
	v3 =	vmul.f32 v62, v21;
	v8 =	vadd.f32 v8, v38  }
0x2ce: {  	v16 =	vsub.f32 v16, v15;
	[tilespmem:s1+$0x50] =	vst v7;
	v9 =	vadd.f32 v9, v28  }
0x2cf: {  	v60 =	vmul.f32 v12, v20;
	v3 =	vadd.f32 v3, v27;
	[tilespmem:s1+$0x60] =	vst v8  }
0x2d0: {  	v62 =	vmul.f32 v17, v16;
	v16 =	vld [tilespmem:$0x1FDF0];
	[tilespmem:s1+$0x70] =	vst v9  }
0x2d1: {  	v5 =	vadd.f32 v60, v24;
	v34 =	vld [tilespmem:$0x1FFB0];
	[tilespmem:s1+$0x400] =	vst v3  }
0x2d2: {  	v48 =	vld [tilespmem:$0x1FE20]  }
0x2d3: {  	v6 =	vsub.f32 v6, v15;
	v10 =	vmul.f32 v17, v10;
	v33 =	vld [tilespmem:$0x1FFA0];
	[tilespmem:s1+$0x410] =	vst v5  }
0x2d4: {  	v14 =	vsub.f32 v14, v15;
	v15 =	vsub.f32 v18, v15;
	v18 =	vld [tilespmem:$0x1FE10]  }
0x2d5: {  	v39 =	vsub.f32 v43, v0;
	v6 =	vmul.f32 v17, v6;
	v43 =	vmul.f32 v10, v16;
	_ =	sdelay $0x1  }
0x2d6: {  	v26 =	vsub.f32 v49, v0;
	v6 =	vmul.f32 v6, v34;
	v49 =	vadd.f32 v43, v48  }
0x2d7: {  	v25 =	vsub.f32 v50, v0  }
0x2d8: {  	v32 =	vld [tilespmem:$0x1FF90];
	v50 =	vadd.f32 v6, v18;
	[tilespmem:s1+$0x420] =	vst v49  }
0x2d9: {  	v58 =	vmul.f32 v1, v25;
	v25 =	vld [tilespmem:$0x1FF80]  }
0x2da: {  	v63 =	vsub.f32 v44, v0;
	v60 =	vld [tilespmem:$0x1FE00];
	[tilespmem:s1+$0x430] =	vst v50  }
0x2db: {  	v29 =	vmul.f32 v17, v15;
	v61 =	vmul.f32 v17, v14;
	v12 =	vld [tilespmem:$0x1FDE0]  }
0x2dc: {  	v15 =	vsub.f32 v40, v0;
	v44 =	vsub.f32 v42, v0;
	v63 =	vmul.f32 v1, v63  }
0x2dd: {  	v47 =	vsub.f32 v37, v0;
	v7 =	vsub.f32 v45, v0;
	v2 =	vmul.f32 v61, v33  }
0x2de: {  	v45 =	vsub.f32 v41, v0;
	v4 =	vmul.f32 v62, v32;
	v62 =	vmul.f32 v58, v23  }
0x2df: {  	v7 =	vmul.f32 v1, v7;
	v37 =	vmul.f32 v63, v21;
	v2 =	vadd.f32 v2, v60  }
0x2e0: {  	v30 =	vadd.f32 v62, v38;
	v38 =	vmul.f32 v1, v39;
	v4 =	vadd.f32 v4, v12  }
0x2e1: {  	v0 =	vsub.f32 v46, v0;
	v41 =	vmul.f32 v1, v44;
	v40 =	vmul.f32 v7, v20;
	[tilespmem:s1+$0x440] =	vst v2  }
0x2e2: {  	v44 =	vmul.f32 v1, v45;
	v42 =	vadd.f32 v37, v27;
	v43 =	vmul.f32 v38, v16;
	v23 =	vld [tilespmem:$0x1FFD0];
	[tilespmem:s1+$0x450] =	vst v4  }
0x2e3: {  	v0 =	vmul.f32 v1, v0;
	v45 =	vadd.f32 v40, v24;
	v46 =	vmul.f32 v41, v34;
	[tilespmem:s31+$0x60] =	vst v30  }
0x2e4: {  	v49 =	vmul.f32 v44, v33;
	v48 =	vadd.f32 v43, v48;
	[tilespmem:s31+$0x400] =	vst v42  }
0x2e5: {  	v0 =	vmul.f32 v0, v31;
	v61 =	vmul.f32 v1, v26;
	v58 =	vadd.f32 v46, v18;
	[tilespmem:s31+$0x410] =	vst v45  }
0x2e6: {  	v50 =	vmul.f32 v1, v15;
	v59 =	vmul.f32 v29, v25;
	v60 =	vadd.f32 v49, v60;
	[tilespmem:s31+$0x420] =	vst v48  }
0x2e7: {  	v47 =	vmul.f32 v1, v47;
	v0 =	vadd.f32 v0, v36;
	v29 =	vmul.f32 v61, v22;
	[tilespmem:s31+$0x430] =	vst v58  }
0x2e8: {  	v61 =	vmul.f32 v50, v25;
	[tilespmem:s31+$0x440] =	vst v60;
	v26 =	vadd.f32 v59, v23  }
0x2e9: {  	p2 =	sne.s32 s30, $0x0;
	v39 =	vadd.f32 v29, v28;
	[tilespmem:s31+$0x470] =	vst v0;
	v59 =	vmul.f32 v47, v32  }
0x2ea: {  	v63 =	vadd.f32 v61, v23;
	[tilespmem:s1+$0x460] =	vst v26;
	s1 =	sshll.u32 @!p2 s29, $0x8  }
0x2eb: {  	[tilespmem:s31+$0x70] =	vst v39;
	v62 =	vadd.f32 v59, v12;
	s1 =	sadd.s32 @!p2 s7, s1  }
0x2ec: {  	[tilespmem:s31+$0x460] =	vst v63;
	s1 =	sshrl.u32 @!p2 s1, $0x3  }
0x2ed: {  	s2 =	simm.s32 @!p2 $0x8C00;
	[tilespmem:s31+$0x450] =	vst v62;
	s0 =	sadd.s32 @!p2 s9, s1;
	s1 =	simm.s32 @!p2 $0x0  }
0x2ee: {  	[hbm4b:s0+s1] =	stream.linear.scatter @!p2 [tilespmem:s2], [sflag:$0x1], $0x1000, $0x38;
	[tilespmem:$0xAC00] =	vst v63  }
0x2ef: {  	s0 =	sshll.u32 @p1 s29, $0x8  }
0x2f0: {  	s0 =	sadd.s32 @p1 s7, s0  }
0x2f1: {  	s28 =	sadd.s32 $0x1, s28;
	s0 =	sshrl.u32 @p1 s0, $0x3  }
0x2f2: {  	s1 =	simm.s32 @p1 $0x0;
	s2 =	simm.s32 @p1 $0x9C00;
	s0 =	sadd.s32 @p1 s9, s0  }
0x2f3: {  	[hbm4b:s0+s1] =	stream.linear.scatter @p1 [tilespmem:s2], [sflag:$0x2], $0x1000, $0x38;
	[tilespmem:$0xAC00] =	vst v63  }
0x2f4: {  	p1 =	sne.s32 s28, $0x40  }
.Ltmp3:
0x2f5: {  	_ = 	snop;
	(pc) =	sbr.rel @p1 .LBB2_2-.Ltmp3, $1  }
0x2f6: {  	_ =	sdelay $0x3  }
0x2f7: {  	_ =	swait.ge [sflag:s6], $0x1000  }
.Ltmp4:
0x2f8: {  	[sflag:s6] =	ssyncset.done $0x0;
	(pc) =	sbr.rel @p0 .LBB2_7-.Ltmp4, $4  }
0x2f9: {  	[sflag:s6] =	ssyncadd.s32 $0xFFFFF000  }
0x2fa: {  	_ =	swait.ge [sflag:s23], $0x1000  }
0x2fb: {  	[sflag:s23] =	ssyncset.done $0x0  }
0x2fc: {  	[sflag:s23] =	ssyncadd.s32 $0xFFFFF000  }
0x2fd: {  	v0 =	vld [tilespmem:$0x7806]  }
0x2fe: {  	v1 =	vld [tilespmem:$0x8086]  }
0x2ff: {  	v2 =	vld [tilespmem:$0x8906]  }
0x300: {  	v3 =	vld [tilespmem:$0x7807]  }
0x301: {  	v7 =	vld [tilespmem:$0x1FDC0]  }
0x302: {  	v4 =	vld [tilespmem:$0x8087]  }
0x303: {  	v5 =	vld [tilespmem:$0x8907]  }
0x304: {  	v6 =	vlaneseq.u32  }
0x305: {  	v6 =	vadd.s32 $0x7FF, v6  }
0x306: {  	vm0 =	vgt.s32 v7, v6  }
0x307: {  	v1 =	vsel vm0, v4, v1  }
0x308: {  	v0 =	vsel vm0, v3, v0;
	v2 =	vsel vm0, v5, v2;
	v1 =	vadd.s32 $0x1, v1  }
0x309: {  	v0 =	vadd.s32 $0x1, v0;
	v2 =	vadd.s32 $0x1, v2;
	vm13 =	vgt.s32 v1, $0x0  }
0x30a: {  	vm1 =	vgt.s32 v0, $0x0;
	vm14 =	vgt.s32 v2, $0x0;
	v1 =	vnsel vm13, $0x0, v1  }
0x30b: {  	v0 =	vnsel vm1, $0x0, v0;
	v2 =	vnsel vm14, $0x0, v2;
	v1 =	vmin.u32 v1, $0x1F  }
0x30c: {  	v0 =	vmin.u32 v0, $0x29;
	v2 =	vmin.u32 v2, $0x1F;
	v1 =	vshll.u32 v1, $0x7  }
0x30d: {  	v56 =	vshll.u32 v2, $0xE;
	v0 =	vor.u32 v0, v1  }
0x30e: {  	v0 =	vor.u32 v56, v0  }
0x30f: {  	v0 =	vadd.s32 $0x128000, v0  }
0x310: {  	vm15 =	veq.s32 v7, v6;
	v0 =	vadd.s32 $0x1500, v0  }
0x311: {  	v58 =	vimm.s32 $0x0;
	v0 =	vsel vm15, $0x1B766B, v0  }
0x312: {  	v1 =	vperm.xlane v0, v58;
	_ =	sdelay $0x1  }
0x313: {  	(v2sf) =	vpush v1, $0x0;
	_ =	sdelay $0xe  }
0x314: {  	s0 =	spop (v2sf)  }
0x315: {  	s1 =	sshll.u32 s0, $0x8  }
0x316: {  	s2 =	sshll.u32 s0, $0x1;
	s1 =	sand.u32 $0x7F00, s1  }
0x317: {  	s0 =	sshra.s32 s0, $0x6;
	s2 =	sand.u32 $0x7F00, s2;
	v59 =	vld [tilespmem:s1+$0x0]  }
0x318: {  	s0 =	sand.u32 $0xFFFFFF00, s0;
	v60 =	vld [tilespmem:s2+$0x0]  }
0x319: {  	v3 =	vld [tilespmem:s0+$0x0]  }
0x31a: {  	v61 =	vld [tilespmem:s1+$0x10]  }
0x31b: {  	v62 =	vld [tilespmem:s2+$0x10]  }
0x31c: {  	v6 =	vld [tilespmem:s0+$0x10]  }
0x31d: {  	v63 =	vld [tilespmem:s1+$0x20]  }
0x31e: {  	v8 =	vld [tilespmem:s2+$0x20]  }
0x31f: {  	v9 =	vld [tilespmem:s0+$0x20]  }
0x320: {  	v10 =	vld [tilespmem:s1+$0x30]  }
0x321: {  	v11 =	vld [tilespmem:s2+$0x30]  }
0x322: {  	v12 =	vld [tilespmem:s0+$0x30]  }
0x323: {  	v13 =	vld [tilespmem:s1+$0x40]  }
0x324: {  	v14 =	vld [tilespmem:s2+$0x40]  }
0x325: {  	v15 =	vld [tilespmem:s0+$0x40]  }
0x326: {  	v16 =	vld [tilespmem:s1+$0x50]  }
0x327: {  	v17 =	vld [tilespmem:s2+$0x50]  }
0x328: {  	v18 =	vld [tilespmem:s0+$0x50]  }
0x329: {  	v19 =	vld [tilespmem:s1+$0x60]  }
0x32a: {  	v20 =	vld [tilespmem:s2+$0x60]  }
0x32b: {  	v21 =	vld [tilespmem:s0+$0x60]  }
0x32c: {  	v22 =	vld [tilespmem:s1+$0x70]  }
0x32d: {  	v23 =	vld [tilespmem:s2+$0x70]  }
0x32e: {  	v24 =	vld [tilespmem:s0+$0x70]  }
0x32f: {  	v25 =	vld [tilespmem:s1+$0x80]  }
0x330: {  	v26 =	vld [tilespmem:s2+$0x80]  }
0x331: {  	v27 =	vld [tilespmem:s0+$0x80]  }
0x332: {  	v30 =	vimm.s32 $0x1;
	v28 =	vld [tilespmem:s1+$0x90]  }
0x333: {  	v0 =	vperm.xlane v0, v30;
	v29 =	vld [tilespmem:s2+$0x90]  }
0x334: {  	v30 =	vld [tilespmem:s0+$0x90]  }
0x335: {  	(v2sf) =	vpush v0, $0x0;
	v31 =	vld [tilespmem:s1+$0xA0]  }
0x336: {  	v40 =	vld [tilespmem:s2+$0xA0]  }
0x337: {  	v33 =	vld [tilespmem:s0+$0xA0]  }
0x338: {  	v34 =	vld [tilespmem:s1+$0xB0]  }
0x339: {  	v35 =	vld [tilespmem:s2+$0xB0]  }
0x33a: {  	v42 =	vld [tilespmem:s0+$0xB0]  }
0x33b: {  	v43 =	vld [tilespmem:s1+$0xC0]  }
0x33c: {  	v44 =	vld [tilespmem:s2+$0xC0]  }
0x33d: {  	v45 =	vld [tilespmem:s0+$0xC0]  }
0x33e: {  	v46 =	vld [tilespmem:s1+$0xD0]  }
0x33f: {  	v47 =	vld [tilespmem:s2+$0xD0]  }
0x340: {  	v48 =	vld [tilespmem:s0+$0xD0]  }
0x341: {  	v49 =	vld [tilespmem:s1+$0xE0]  }
0x342: {  	v50 =	vld [tilespmem:s2+$0xE0]  }
0x343: {  	v51 =	vld [tilespmem:s0+$0xE0]  }
0x344: {  	v52 =	vld [tilespmem:s1+$0xF0];
	s3 =	spop (v2sf)  }
0x345: {  	v53 =	vld [tilespmem:s2+$0xF0];
	v60 =	vadd.f32 v60, v59;
	s24 =	sshll.u32 s3, $0x8  }
0x346: {  	v54 =	vld [tilespmem:s0+$0xF0];
	v61 =	vadd.f32 v62, v61;
	v62 =	vadd.f32 v8, v63;
	s25 =	sshll.u32 s3, $0x1;
	s1 =	sand.u32 $0x7F00, s24  }
0x347: {  	v37 =	vmov v55;
	v63 =	vadd.f32 v11, v10;
	v14 =	vadd.f32 v14, v13;
	s28 =	sshra.s32 s3, $0x6;
	s2 =	sand.u32 $0x7F00, s25;
	v55 =	vld [tilespmem:s1+$0x0]  }
0x348: {  	v17 =	vadd.f32 v17, v16;
	v20 =	vadd.f32 v20, v19;
	s0 =	sand.u32 $0xFFFFFF00, s28;
	v56 =	vld [tilespmem:s2+$0x0]  }
0x349: {  	v23 =	vadd.f32 v23, v22;
	v26 =	vadd.f32 v26, v25;
	v7 =	vld [tilespmem:s0+$0x0]  }
0x34a: {  	v36 =	vmov v57;
	v29 =	vadd.f32 v29, v28;
	v31 =	vadd.f32 v40, v31;
	v57 =	vld [tilespmem:s1+$0x10]  }
0x34b: {  	v32 =	vadd.f32 v35, v34;
	v0 =	vadd.f32 v9, v62;
	v9 =	vld [tilespmem:s2+$0x10]  }
0x34c: {  	v34 =	vadd.f32 v47, v46;
	v35 =	vadd.f32 v50, v49;
	v10 =	vld [tilespmem:s0+$0x10]  }
0x34d: {  	v49 =	vadd.f32 v53, v52;
	v2 =	vadd.f32 v3, v60;
	v11 =	vld [tilespmem:s1+$0x20]  }
0x34e: {  	v1 =	vadd.f32 v6, v61;
	v3 =	vadd.f32 v12, v63;
	v12 =	vld [tilespmem:s2+$0x20]  }
0x34f: {  	v5 =	vadd.f32 v15, v14;
	v4 =	vadd.f32 v18, v17;
	v13 =	vld [tilespmem:s0+$0x20]  }
0x350: {  	v6 =	vadd.f32 v21, v20;
	v39 =	vadd.f32 v24, v23;
	v17 =	vld [tilespmem:s1+$0x30]  }
0x351: {  	v40 =	vadd.f32 v27, v26;
	v38 =	vadd.f32 v30, v29;
	v18 =	vld [tilespmem:s2+$0x30]  }
0x352: {  	v41 =	vadd.f32 v33, v31;
	v33 =	vadd.f32 v44, v43;
	v14 =	vld [tilespmem:s0+$0x30]  }
0x353: {  	v42 =	vadd.f32 v42, v32;
	v43 =	vadd.f32 v48, v34;
	v19 =	vld [tilespmem:s1+$0x40]  }
0x354: {  	v8 =	vadd.f32 v54, v49;
	v44 =	vadd.f32 v45, v33;
	v20 =	vld [tilespmem:s2+$0x40]  }
0x355: {  	v45 =	vadd.f32 v51, v35;
	v50 =	vadd.f32 v1, v2;
	v21 =	vld [tilespmem:s0+$0x40]  }
0x356: {  	v51 =	vadd.f32 v3, v0;
	v52 =	vadd.f32 v4, v5;
	v22 =	vld [tilespmem:s1+$0x50]  }
0x357: {  	v53 =	vadd.f32 v39, v6;
	v25 =	vmul.f32 v2, v2;
	v54 =	vmul.f32 v1, v1;
	v23 =	vld [tilespmem:s2+$0x50]  }
0x358: {  	v30 =	vmul.f32 v0, v0;
	v58 =	vadd.f32 v38, v40;
	v59 =	vmul.f32 v3, v3;
	v24 =	vld [tilespmem:s0+$0x50]  }
0x359: {  	v32 =	vadd.f32 v42, v41;
	v62 =	vmul.f32 v5, v5;
	v63 =	vmul.f32 v4, v4;
	v27 =	vld [tilespmem:s1+$0x60]  }
0x35a: {  	v46 =	vmul.f32 v6, v6;
	v26 =	vmul.f32 v40, v40;
	v15 =	vadd.f32 v51, v50;
	v28 =	vld [tilespmem:s2+$0x60]  }
0x35b: {  	v34 =	vmul.f32 v41, v41;
	v16 =	vadd.f32 v53, v52;
	v60 =	vadd.f32 v43, v44;
	v29 =	vld [tilespmem:s0+$0x60]  }
0x35c: {  	v61 =	vadd.f32 v8, v45;
	v31 =	vadd.f32 v32, v58;
	v50 =	vmul.f32 v39, v39;
	v33 =	vld [tilespmem:s1+$0x70]  }
0x35d: {  	v25 =	vadd.f32 v54, v25;
	v52 =	vmul.f32 v38, v38;
	v30 =	vadd.f32 v59, v30;
	v47 =	vld [tilespmem:s2+$0x70]  }
0x35e: {  	v53 =	vmul.f32 v42, v42;
	v32 =	vadd.f32 v63, v62;
	v48 =	vmul.f32 v44, v44;
	v49 =	vld [tilespmem:s0+$0x70]  }
0x35f: {  	v59 =	vmul.f32 v43, v43;
	v35 =	vadd.f32 v61, v60;
	v46 =	vadd.f32 v50, v46;
	v51 =	vld [tilespmem:s1+$0x80]  }
0x360: {  	v50 =	vmul.f32 v45, v45;
	v61 =	vmul.f32 v8, v8;
	v26 =	vadd.f32 v52, v26;
	v54 =	vld [tilespmem:s2+$0x80]  }
0x361: {  	v34 =	vadd.f32 v53, v34;
	v48 =	vadd.f32 v59, v48;
	v58 =	vld [tilespmem:s0+$0x80]  }
0x362: {  	v25 =	vadd.f32 v30, v25;
	v60 =	vld [tilespmem:s1+$0x90];
	v50 =	vadd.f32 v61, v50  }
0x363: {  	v15 =	vadd.f32 v16, v15;
	v62 =	vld [tilespmem:s2+$0x90];
	v53 =	vadd.f32 v46, v32  }
0x364: {  	v63 =	vld [tilespmem:s0+$0x90];
	v26 =	vadd.f32 v34, v26;
	v61 =	vadd.f32 v50, v48  }
0x365: {  	v59 =	vld [tilespmem:s1+$0xA0];
	v48 =	vadd.f32 v35, v31;
	v25 =	vadd.f32 v53, v25  }
0x366: {  	v32 =	vld [tilespmem:s2+$0xA0];
	v26 =	vadd.f32 v61, v26;
	v50 =	vadd.f32 v56, v55  }
0x367: {  	v46 =	vld [tilespmem:s0+$0xA0];
	v9 =	vadd.f32 v9, v57;
	v55 =	vadd.f32 v48, v15  }
0x368: {  	v30 =	vld [tilespmem:s2+$0xB0];
	v56 =	vadd.f32 v12, v11;
	v57 =	vadd.f32 v18, v17  }
0x369: {  	v34 =	vld [tilespmem:s2+$0xD0];
	v61 =	vadd.f32 v20, v19;
	v23 =	vadd.f32 v23, v22  }
0x36a: {  	v31 =	vld [tilespmem:s1+$0xB0];
	v52 =	vadd.f32 v28, v27;
	v60 =	vadd.f32 v62, v60  }
0x36b: {  	v35 =	vld [tilespmem:s0+$0xB0];
	v25 =	vadd.f32 v26, v25;
	v16 =	vadd.f32 v7, v50  }
0x36c: {  	v19 =	vld [tilespmem:s1+$0xD0];
	v15 =	vadd.f32 v10, v9;
	v13 =	vadd.f32 v13, v56  }
0x36d: {  	v62 =	vld [tilespmem:s1+$0xF0];
	v12 =	vadd.f32 v14, v57;
	v53 =	vadd.f32 v21, v61  }
0x36e: {  	v26 =	vld [tilespmem:s1+$0xC0];
	v10 =	vadd.f32 v24, v23;
	v56 =	vadd.f32 v47, v33  }
0x36f: {  	v7 =	vld [tilespmem:s2+$0xC0];
	v57 =	vadd.f32 v54, v51;
	v11 =	vadd.f32 v29, v52  }
0x370: {  	v21 =	vld [tilespmem:s1+$0xE0];
	v9 =	vadd.f32 v63, v60;
	v50 =	vadd.f32 v32, v59  }
0x371: {  	v61 =	vld [tilespmem:s2+$0xE0];
	v54 =	vadd.f32 v30, v31;
	v52 =	vadd.f32 v49, v56  }
0x372: {  	v63 =	vld [tilespmem:s2+$0xF0];
	v51 =	vadd.f32 v58, v57;
	v50 =	vadd.f32 v46, v50  }
0x373: {  	v17 =	vld [tilespmem:s0+$0xC0];
	v49 =	vadd.f32 v35, v54;
	v60 =	vadd.f32 v15, v16  }
0x374: {  	v18 =	vld [tilespmem:s0+$0xD0];
	v31 =	vmul.f32 v16, v16;
	v32 =	vmul.f32 v15, v15;
	v14 =	vadd.f32 v34, v19  }
0x375: {  	v56 =	vld [tilespmem:s0+$0xE0];
	v27 =	vadd.f32 v9, v51;
	v28 =	vadd.f32 v49, v50  }
0x376: {  	v57 =	vld [tilespmem:s0+$0xF0];
	v33 =	vmul.f32 v13, v13;
	v19 =	vadd.f32 v32, v31;
	v7 =	vadd.f32 v7, v26  }
0x377: {  	v34 =	vmul.f32 v12, v12;
	v58 =	vadd.f32 v61, v21;
	v59 =	vadd.f32 v63, v62  }
0x378: {  	v61 =	vadd.f32 v12, v13;
	v62 =	vadd.f32 v10, v53  }
0x379: {  	v63 =	vadd.f32 v52, v11;
	v21 =	vadd.f32 v34, v33  }
0x37a: {  	v47 =	vadd.f32 v17, v7;
	v7 =	vadd.f32 v18, v14  }
0x37b: {  	v54 =	vmul.f32 v53, v53;
	v48 =	vadd.f32 v56, v58;
	v46 =	vadd.f32 v57, v59  }
0x37c: {  	v24 =	vadd.f32 v61, v60;
	v26 =	vadd.f32 v63, v62;
	v56 =	vmul.f32 v10, v10  }
0x37d: {  	v18 =	vadd.f32 v28, v27;
	v57 =	vmul.f32 v11, v11;
	v59 =	vmul.f32 v51, v51  }
0x37e: {  	(xrf2) =	vadd.scan.msk.f32 $0xffff, v55;
	v60 =	vmul.f32 v9, v9;
	v61 =	vmul.f32 v50, v50;
	v29 =	vadd.f32 v7, v47  }
0x37f: {  	v62 =	vmul.f32 v49, v49;
	v30 =	vadd.f32 v46, v48;
	v14 =	vadd.f32 v26, v24  }
0x380: {  	(xrf2) =	vadd.scan.msk.f32 $0xffff, v25;
	v17 =	vadd.f32 v56, v54;
	v63 =	vmul.f32 v47, v47;
	v33 =	vmul.f32 v7, v7  }
0x381: {  	v34 =	vmul.f32 v48, v48;
	v54 =	vmul.f32 v46, v46;
	v22 =	vadd.f32 v60, v59  }
0x382: {  	v58 =	vmul.f32 v52, v52;
	v23 =	vadd.f32 v62, v61;
	v20 =	vadd.f32 v30, v29  }
0x383: {  	v24 =	vadd.f32 v33, v63;
	v26 =	vadd.f32 v54, v34  }
0x384: {  	v18 =	vadd.f32 v20, v18;
	v20 =	vadd.f32 v58, v57  }
0x385: {  	v19 =	vadd.f32 v21, v19;
	v56 =	vadd.f32 v23, v22  }
0x386: {  	v57 =	vadd.f32 v26, v24;
	v17 =	vadd.f32 v20, v17  }
0x387: {  	v14 =	vadd.f32 v18, v14  }
0x388: {  	v35 =	vimm.s32 $0xF;
	v60, _, _ =	vpop (xrf2);
	v58 =	vadd.f32 v57, v56;
	v17 =	vadd.f32 v17, v19  }
0x389: {  	(xrf2) =	vadd.scan.msk.f32 $0xffff, v14;
	v14 =	vperm.xlane v60, v35  }
0x38a: {  	v61, _, _ =	vpop (xrf2);
	v59 =	vadd.f32 v58, v17  }
0x38b: {  	v17 =	vperm.xlane v61, v35;
	v63 =	vmul.f32 $3.906250000e-03, v14  }
0x38c: {  	(xrf2) =	vadd.scan.msk.f32 $0xffff, v59  }
0x38d: {  	v17 =	vmul.f32 $3.906250000e-03, v17;
	v25 =	vmul.f32 v63, v63;
	_ =	sdelay $0x1  }
0x38e: {  	v17 =	vsub.f32 v17, v25;
	_ =	sdelay $0x1  }
0x38f: {  	v17 =	vadd.f32 $9.999999740e-06, v17;
	_ =	sdelay $0x1  }
0x390: {  	v62, _, _ =	vpop (xrf2);
	v27 =	vshra.s32 v17, $0x1;
	v17 =	vmul.f32 $5.000000000e-01, v17  }
0x391: {  	v18 =	vperm.xlane v62, v35;
	v20 =	vsub.s32 $0x5F3759DF, v27  }
0x392: {  	v29 =	vmul.f32 v20, v17  }
0x393: {  	v14 =	vmul.f32 $3.906250000e-03, v18;
	v24, _, _ =	vpop (xrf2)  }
0x394: {  	v22 =	vmul.f32 v20, v29;
	v18 =	vperm.xlane v24, v35;
	_ =	sdelay $0x1  }
0x395: {  	v26 =	vmul.f32 v14, v14;
	v22 =	vsub.f32 $1.500000000e+00, v22;
	v18 =	vmul.f32 $3.906250000e-03, v18;
	_ =	sdelay $0x1  }
0x396: {  	v20 =	vmul.f32 v20, v22;
	v18 =	vsub.f32 v18, v26  }
0x397: {  	v2 =	vsub.f32 v2, v63;
	v32 =	vsub.f32 v1, v63  }
0x398: {  	v0 =	vsub.f32 v0, v63;
	v17 =	vmul.f32 v20, v17;
	v18 =	vadd.f32 $9.999999740e-06, v18  }
0x399: {  	v3 =	vsub.f32 v3, v63;
	v5 =	vsub.f32 v5, v63  }
0x39a: {  	v17 =	vmul.f32 v17, v20;
	v28 =	vshra.s32 v18, $0x1;
	v18 =	vmul.f32 $5.000000000e-01, v18  }
0x39b: {  	v4 =	vsub.f32 v4, v63;
	v6 =	vsub.f32 v6, v63;
	v21 =	vsub.s32 $0x5F3759DF, v28  }
0x39c: {  	v34 =	vsub.f32 v39, v63;
	v17 =	vsub.f32 $1.500000000e+00, v17;
	v30 =	vmul.f32 v21, v18  }
0x39d: {  	v39 =	vsub.f32 v40, v63;
	v40 =	vsub.f32 v38, v63  }
0x39e: {  	v41 =	vsub.f32 v41, v63;
	v17 =	vmul.f32 v17, v20;
	v23 =	vmul.f32 v21, v30  }
0x39f: {  	v60 =	vld [tilespmem:$0x1FF00];
	v54 =	vsub.f32 v42, v63;
	v55 =	vsub.f32 v44, v63  }
0x3a0: {  	v58 =	vld [tilespmem:$0x1FF20];
	v56 =	vsub.f32 v43, v63;
	v2 =	vmul.f32 v17, v2;
	v31 =	vsub.f32 $1.500000000e+00, v23  }
0x3a1: {  	v61 =	vld [tilespmem:$0x1FF40];
	v57 =	vsub.f32 v45, v63;
	v33 =	vmul.f32 v17, v32;
	v0 =	vmul.f32 v17, v0  }
0x3a2: {  	v8 =	vsub.f32 v8, v63;
	v63 =	vld [tilespmem:$0x1FF10];
	v3 =	vmul.f32 v17, v3;
	v21 =	vmul.f32 v21, v31  }
0x3a3: {  	v38 =	vld [tilespmem:$0x1FF60];
	v5 =	vmul.f32 v17, v5;
	v4 =	vmul.f32 v17, v4  }
0x3a4: {  	v42 =	vld [tilespmem:$0x1FEC0];
	v6 =	vmul.f32 v17, v6;
	v18 =	vmul.f32 v21, v18  }
0x3a5: {  	v62 =	vld [tilespmem:$0x1FEF0];
	v20 =	vmul.f32 v17, v34;
	v22 =	vmul.f32 v17, v40  }
0x3a6: {  	v27 =	vld [tilespmem:$0x1FDF0];
	v19 =	vmul.f32 v17, v41;
	v18 =	vmul.f32 v18, v21  }
0x3a7: {  	v28 =	vld [tilespmem:$0x1FFA0];
	v24 =	vmul.f32 v17, v55;
	v25 =	vmul.f32 v17, v56  }
0x3a8: {  	v26 =	vmul.f32 v17, v57;
	v8 =	vmul.f32 v17, v8;
	v40 =	vld [tilespmem:$0x1FEE0];
	v18 =	vsub.f32 $1.500000000e+00, v18  }
0x3a9: {  	v41 =	vld [tilespmem:$0x1FEB0];
	v23 =	vmul.f32 v17, v54;
	v2 =	vmul.f32 v2, v37  }
0x3aa: {  	v16 =	vsub.f32 v16, v14;
	v34 =	vld [tilespmem:$0x1FE90];
	v59 =	vmul.f32 v33, v58;
	v1 =	vmul.f32 v18, v21  }
0x3ab: {  	v32 =	vld [tilespmem:$0x1FE80];
	v0 =	vmul.f32 v0, v60;
	v4 =	vmul.f32 v4, v38  }
0x3ac: {  	v15 =	vsub.f32 v15, v14;
	v21 =	vmul.f32 v17, v39;
	v39 =	vld [tilespmem:$0x1FEA0];
	v16 =	vmul.f32 v1, v16  }
0x3ad: {  	v33 =	vld [tilespmem:$0x1FE40];
	v2 =	vadd.f32 v2, v36;
	v17 =	vadd.f32 v59, v61;
	v59 =	vmul.f32 v19, v27  }
0x3ae: {  	v0 =	vadd.f32 v0, v63;
	v19 =	vld [tilespmem:$0x1FE20];
	v15 =	vmul.f32 v1, v15;
	v16 =	vmul.f32 v16, v37  }
0x3af: {  	v12 =	vsub.f32 v12, v14;
	v44 =	vadd.f32 v4, v42;
	[tilespmem:$0x8C00] =	vst v2;
	v37 =	vld [tilespmem:$0x1FE60]  }
0x3b0: {  	v10 =	vsub.f32 v10, v14;
	[tilespmem:$0x8C20] =	vst v0;
	v15 =	vmul.f32 v15, v58;
	v2 =	vadd.f32 v16, v36;
	v16 =	vld [tilespmem:$0x1FED0]  }
0x3b1: {  	v11 =	vsub.f32 v11, v14;
	v9 =	vsub.f32 v9, v14;
	[tilespmem:$0x8C50] =	vst v44;
	v5 =	vmul.f32 v5, v39;
	v36 =	vld [tilespmem:$0x1FE50]  }
0x3b2: {  	v31 =	vsub.f32 v13, v14;
	v18 =	vld [tilespmem:$0x1FE10];
	[tilespmem:$0x8C10] =	vst v17;
	v55 =	vmul.f32 v21, v33;
	v15 =	vadd.f32 v15, v61  }
0x3b3: {  	v7 =	vsub.f32 v7, v14;
	v3 =	vmul.f32 v3, v62;
	v17 =	vld [tilespmem:$0x1FE00];
	v29 =	vadd.f32 v5, v40;
	[tilespmem:$0x8C80] =	vst v2  }
0x3b4: {  	v5 =	vadd.f32 v55, v32;
	[tilespmem:$0x8C90] =	vst v15;
	v30 =	vmul.f32 v6, v37;
	v6 =	vmul.f32 v1, v31;
	v31 =	vld [tilespmem:$0x1FE30]  }
0x3b5: {  	v12 =	vmul.f32 v1, v12;
	v9 =	vmul.f32 v1, v9;
	[tilespmem:$0x8C40] =	vst v29;
	v29 =	vld [tilespmem:$0x1FE70];
	v3 =	vadd.f32 v3, v16  }
0x3b6: {  	[tilespmem:$0x9000] =	vst v5;
	v45 =	vmul.f32 v20, v36;
	v54 =	vadd.f32 v30, v41;
	v58 =	vmul.f32 v6, v60;
	v30 =	vld [tilespmem:$0x1FFB0]  }
0x3b7: {  	v7 =	vmul.f32 v1, v7;
	v60 =	vmul.f32 v12, v62;
	v62 =	vadd.f32 v59, v19;
	v20 =	vld [tilespmem:$0x1FF70];
	[tilespmem:$0x8C30] =	vst v3  }
0x3b8: {  	v12 =	vld [tilespmem:$0x1FFC0];
	v59 =	vmul.f32 v1, v10;
	v56 =	vadd.f32 v45, v34;
	[tilespmem:$0x8C60] =	vst v54;
	v0 =	vadd.f32 v58, v63  }
0x3b9: {  	v63 =	vmul.f32 v24, v28;
	v3 =	vadd.f32 v60, v16;
	[tilespmem:$0x9020] =	vst v62;
	v57 =	vmul.f32 v22, v31;
	v22 =	vld [tilespmem:$0x1FF80]  }
0x3ba: {  	v54 =	vsub.f32 v53, v14;
	v60 =	vsub.f32 v52, v14;
	v62 =	vmul.f32 v1, v11;
	[tilespmem:$0x8C70] =	vst v56  }
0x3bb: {  	v21 =	vld [tilespmem:$0x1FFD0];
	v44 =	vadd.f32 v63, v17;
	v63 =	vsub.f32 v51, v14;
	[tilespmem:$0x8CA0] =	vst v0;
	v61 =	vmul.f32 v23, v30  }
0x3bc: {  	[tilespmem:$0x8CB0] =	vst v3;
	v4 =	vadd.f32 v57, v29;
	v23 =	vld [tilespmem:$0x1FF90];
	v8 =	vmul.f32 v8, v20;
	v57 =	vmul.f32 v1, v54  }
0x3bd: {  	v13 =	vmul.f32 v59, v38;
	v54 =	vsub.f32 v48, v14;
	[tilespmem:$0x9040] =	vst v44;
	v24 =	vadd.f32 v61, v18  }
0x3be: {  	[tilespmem:$0x9010] =	vst v4;
	v58 =	vadd.f32 v8, v12;
	v61 =	vmul.f32 v57, v39;
	v45 =	vmul.f32 v26, v22  }
0x3bf: {  	v16 =	vld [tilespmem:$0x1FDE0];
	v4 =	vadd.f32 v13, v42;
	v42 =	vmul.f32 v9, v31;
	v26 =	vmul.f32 v62, v37;
	[tilespmem:$0x9030] =	vst v24  }
0x3c0: {  	v37 =	vmul.f32 v1, v63;
	[tilespmem:$0x9070] =	vst v58;
	v24 =	vmul.f32 v1, v60;
	v56 =	vadd.f32 v45, v21  }
0x3c1: {  	[tilespmem:$0x8CD0] =	vst v4;
	v58 =	vmul.f32 v1, v54;
	v43 =	vmul.f32 v25, v23;
	v25 =	vadd.f32 v61, v40  }
0x3c2: {  	v38 =	vadd.f32 v26, v41;
	v39 =	vmul.f32 v37, v33;
	v40 =	vsub.f32 v50, v14;
	[tilespmem:$0x9060] =	vst v56  }
0x3c3: {  	v50 =	vadd.f32 v42, v29;
	v59 =	vmul.f32 v7, v23;
	v8 =	vmul.f32 v24, v36;
	[tilespmem:$0x8CC0] =	vst v25  }
0x3c4: {  	v61 =	vmul.f32 v58, v22;
	v55 =	vadd.f32 v43, v16;
	v43 =	vsub.f32 v49, v14;
	[tilespmem:$0x8CE0] =	vst v38  }
0x3c5: {  	v44 =	vadd.f32 v39, v32;
	v45 =	vmul.f32 v1, v40;
	v49 =	vsub.f32 v47, v14;
	[tilespmem:$0x9090] =	vst v50  }
0x3c6: {  	v56 =	vsub.f32 v46, v14;
	v62 =	vadd.f32 v59, v16;
	[tilespmem:$0x9050] =	vst v55;
	v51 =	vmul.f32 v1, v43  }
0x3c7: {  	v41 =	vadd.f32 v8, v34;
	v52 =	vmul.f32 v45, v27;
	v53 =	vmul.f32 v1, v49;
	[tilespmem:$0x9080] =	vst v44  }
0x3c8: {  	v63 =	vadd.f32 v61, v21;
	v1 =	vmul.f32 v1, v56;
	[tilespmem:$0x90D0] =	vst v62;
	v55 =	vmul.f32 v51, v30  }
0x3c9: {  	[tilespmem:$0x8CF0] =	vst v41;
	v0 =	vadd.f32 v52, v19;
	v57 =	vmul.f32 v53, v28  }
0x3ca: {  	[tilespmem:$0x90E0] =	vst v63;
	v1 =	vmul.f32 v1, v20;
	v3 =	vadd.f32 v55, v18  }
0x3cb: {  	[tilespmem:$0x90A0] =	vst v0;
	v60 =	vadd.f32 v57, v17  }
0x3cc: {  	v1 =	vadd.f32 v1, v12;
	[tilespmem:$0x90B0] =	vst v3  }
0x3cd: {  	[tilespmem:$0x90C0] =	vst v60  }
0x3ce: {  	s29 =	simm.s32 $0x8C00;
	[tilespmem:$0x90F0] =	vst v1  }
0x3cf: {  	[hbm4b:s14+s5] =	stream.linear.scatter [tilespmem:s29], [sflag:$0x3], $0x100, $0x38;
	[tilespmem:$0xAC00] =	vst v63  }
.Ltmp5:
0x3d0: {  	s30 =	sadd.s32 $0x80, s14;
	s31 =	simm.s32 $0x9000;
	(pc) =	sbr.rel .LBB2_7-.Ltmp5, $4  }
0x3d1: {  	[hbm4b:s30+s5] =	stream.linear.scatter [tilespmem:s31], [sflag:$0x3], $0x100, $0x38;
	[tilespmem:$0xAC00] =	vst v63  }
0x3d2: {  	_ =	swait.ge [sflag:s16], $0x200  }
0x3d3: {  	[sflag:s16] =	ssyncset.done $0x0  }
0x3d4: {  	[sflag:s16] =	ssyncadd.s32 $0xFFFFFE00  }
.LBB2_8:
0x3d5: {  	_ =	sfence.sel $0x180000  }
0x3d6: {  	[bflag:$0x0] =	sbarrier.arrive $0xFFFF  }
0x3d7: {  	_ =	strace $0x90000047  }
0x3d8: {  	s0 =	stileid.u32;
	[bflag:$0x2] =	sbarrier.arrive $0xFFFF  }
0x3d9: {  	p0 =	sne.s32 s0, $0x0;
	s0 =	rddreg [dreg:$0x5]  }
0x3da: {  	s0 =	sadd.s32 @!p0 $0x100000, s0  }
0x3db: {  	[sflag:s0] =	ssyncadd.tile.s32 @!p0 $0x1;
	_ =	shalt  }
.Lfunc_end2:
_tile_overlayer_lowered:
.L_overlay_start_2:
0x3dc: {  	(tag) =	ssettag $0x2  }
0x3dd: {  	s0 =	rddreg [dreg:$0x0];
	s2 =	stileid.u32  }
0x3de: {  	s1 =	rddreg [dreg:$0x1];
	p0 =	sne.s32 s2, $0x0  }
0x3df: {  	s3 =	rddreg [dreg:$0x2];
	[bflag:$0x3] =	sbarrier.arrive $0xFFFF;
	s2 =	simm.s32 @!p0 $0x1C03  }
0x3e0: {  	[timem:s3], [sflag:s2] =	dma.local @!p0 [hbm:s0], s1  }
0x3e1: {  	s0 =	simm.s32 @!p0 $0x3  }
0x3e2: {  	_ =	swait.ge @!p0 [sflag:s0], s1  }
0x3e3: {  	s1 =	ssub.s32 @!p0 $0x0, s1;
	[sflag:s0] =	ssyncset.done @!p0 $0x0  }
0x3e4: {  	[sflag:s0] =	ssyncadd.s32 @!p0 s1  }
0x3e5: {  	[bflag:$0x3] =	sbarrier.arrive $0xFFFF  }
0x3e6: {  	_ =	shalt  }

</sc_bundles>
